<compile_context>
chip_gen: v7x
topology: tpu7x:2x2x1
jax: 0.10.2.dev20260603
libtpu: 0.0.44.dev20260713+nightly
codegen_flags: <defaults>
</compile_context>

<pallas_src>
import functools

import jax
import jax.numpy as jnp
from jax import lax
from jax.experimental import pallas as pl
from jax.experimental.pallas import tpu as pltpu
from jax.experimental.pallas import tpu_sc as plsc

N = 10000
F = 128
NNZ = 160000
NSUB = 16
NCORE = 2
CH = 128
NCHUNK = 80
E_SUB = CH * NCHUNK
NNZ_PAD = E_SUB * NSUB
E_W = NNZ_PAD // (NSUB * NCORE)
HIST_PAD = 10240
HSLC = HIST_PAD // NSUB
NPASS = 3
PROWS = 3456
NPAD = NPASS * PROWS
ACC_ROWS = PROWS + 8
STRIPE = PROWS // NSUB
ZROWS = 72
E_HSUB = NNZ_PAD // NSUB

_prec = lax.Precision.HIGHEST
_mesh = plsc.VectorSubcoreMesh(core_axis_name="c", subcore_axis_name="s")

_sc_params = pltpu.CompilerParams()
if "needs_layout_passes" in pltpu.CompilerParams.__dataclass_fields__:
    import dataclasses as _dc
    _sc_params = _dc.replace(_sc_params, needs_layout_passes=False)


def _dot(a, b):
    return jnp.dot(a, b, preferred_element_type=jnp.float32, precision=_prec)



def _k1_body(x_ref, he_ref, wlin_ref, w0_ref, wab_ref,
             u_ref, v_ref, a_ref, b_ref):
    xl = _dot(x_ref[...], wlin_ref[...])
    el = _dot(he_ref[...], wlin_ref[...])
    xu, xv = xl[:, :F], xl[:, F:]
    eu, ev = el[:, :F], el[:, F:]
    w0 = w0_ref[...]
    u_ref[...] = _dot(xu, w0)
    v_ref[...] = _dot(xv, w0)
    wab = wab_ref[...]
    a_ref[...] = _dot(0.5 * (xu + xv), wab)
    b_ref[...] = _dot(0.5 * (eu + ev), wab)


def _k2_body(o0_ref, o1_ref, w1_ref, u_ref, v_ref):
    w1 = w1_ref[...]
    h0 = o0_ref[...]
    h1 = o1_ref[...]
    h0 = jnp.where(h0 > 0, h0, jnp.exp(jnp.minimum(h0, 0.0)) - 1.0)
    h1 = jnp.where(h1 > 0, h1, jnp.exp(jnp.minimum(h1, 0.0)) - 1.0)
    u_ref[...] = _dot(h0, w1)
    v_ref[...] = _dot(h1, w1)


def _k3_body(p0_ref, p1_ref, w2a_ref, w2b_ref, y_ref):
    y_ref[...] = _dot(p0_ref[...], w2a_ref[...]) + _dot(p1_ref[...], w2b_ref[...])


_RB = 1000
_RBP = 1296


def _row_spec(width):
    return pl.BlockSpec((_RB, width), lambda i: (i, 0))


def _rowp_spec(width):
    return pl.BlockSpec((_RBP, width), lambda i: (i, 0))


def _full_spec(r, c):
    return pl.BlockSpec((r, c), lambda i: (0, 0))



def _deg_body(idx_hbm, hist_hbm, idx_v, hist_v):
    cj = lax.axis_index("c")
    s = lax.axis_index("s")
    pltpu.sync_copy(idx_hbm.at[pl.ds(cj * NNZ_PAD + s * E_HSUB, E_HSUB)], idx_v)

    zero16 = jnp.zeros((16,), jnp.float32)

    @pl.loop(0, HIST_PAD, step=16)
    def _(i):
        hist_v[pl.ds(i, 16)] = zero16

    ones16 = jnp.ones((16,), jnp.float32)
    iota = lax.iota(jnp.int32, 16)
    base = s * E_HSUB

    @pl.loop(0, E_HSUB, step=16)
    def _(i):
        valid = (iota + (base + i)) < NNZ
        plsc.addupdate_scatter(hist_v, [idx_v[pl.ds(i, 16)]], ones16,
                               mask=valid)

    pltpu.sync_copy(hist_v,
                    hist_hbm.at[pl.ds((cj * NSUB + s) * HIST_PAD, HIST_PAD)])


def _kd_body(hp_ref, dn_ref, be_ref):
    h = hp_ref[...]
    dn = jnp.sum(h[:NSUB], axis=0)
    be = jnp.sum(h[NSUB:], axis=0)
    dninv = jnp.where(dn > 0, 0.5 / dn, 0.0)
    binv = jnp.where(be > 0, 0.5 / be, 0.0)
    dn_ref[...] = jnp.broadcast_to(dninv[None, :], (8, dninv.shape[0]))
    be_ref[...] = jnp.broadcast_to(binv[None, :], (8, binv.shape[0]))


def _coef_body(rc_hbm, a_hbm, b_hbm, dninv_hbm, binv_hbm,
               cua_hbm, cva_hbm, cub_hbm, cvb_hbm,
               row_v, col_v, a_v, b_v, dn_v, bi_v,
               ca_v, sa_v, msa_v, cb_v, sb_v, msb_v):
    cj = lax.axis_index("c")
    s = lax.axis_index("s")
    w = s * NCORE + cj
    pltpu.sync_copy(rc_hbm.at[pl.ds(w * E_W, E_W)], row_v)
    pltpu.sync_copy(rc_hbm.at[pl.ds(NNZ_PAD + w * E_W, E_W)], col_v)
    pltpu.sync_copy(a_hbm, a_v)
    pltpu.sync_copy(b_hbm, b_v)
    pltpu.sync_copy(dninv_hbm, dn_v)
    pltpu.sync_copy(binv_hbm, bi_v)

    base = w * E_W
    iota = lax.iota(jnp.int32, 16)

    @pl.loop(0, E_W, step=16)
    def _(i):
        rv = row_v[pl.ds(i, 16)]
        cv = col_v[pl.ds(i, 16)]
        t = plsc.load_gather(a_v, [rv]) + plsc.load_gather(b_v, [cv])
        e = jnp.exp(2.0 * t)
        p = 1.0 - 2.0 / (e + 1.0)
        den = 1.0 + p * p
        valid = (iota + (base + i)) < NNZ
        c = jnp.where(valid, (p * p - 1.0) / den, 0.0)
        sg = jnp.where(valid, 2.0 * p / den, 0.0)
        f = plsc.load_gather(dn_v, [rv]) * plsc.load_gather(bi_v, [cv])
        cb = c * f
        sb = sg * f
        ca_v[pl.ds(i, 16)] = c
        sa_v[pl.ds(i, 16)] = sg
        msa_v[pl.ds(i, 16)] = -sg
        cb_v[pl.ds(i, 16)] = cb
        sb_v[pl.ds(i, 16)] = sb
        msb_v[pl.ds(i, 16)] = -sb

    pltpu.sync_copy(ca_v, cua_hbm.at[pl.ds(base, E_W)])
    pltpu.sync_copy(sa_v, cua_hbm.at[pl.ds(NNZ_PAD + base, E_W)])
    pltpu.sync_copy(msa_v, cva_hbm.at[pl.ds(base, E_W)])
    pltpu.sync_copy(ca_v, cva_hbm.at[pl.ds(NNZ_PAD + base, E_W)])
    pltpu.sync_copy(cb_v, cub_hbm.at[pl.ds(base, E_W)])
    pltpu.sync_copy(msb_v, cub_hbm.at[pl.ds(NNZ_PAD + base, E_W)])
    pltpu.sync_copy(sb_v, cvb_hbm.at[pl.ds(base, E_W)])
    pltpu.sync_copy(cb_v, cvb_hbm.at[pl.ds(NNZ_PAD + base, E_W)])


def _prop_body(u_hbm, v_hbm, src_hbm, dst_hbm, cu_hbm, cv_hbm,
               o0_hbm, o1_hbm,
               src_v, dst_v, cu_v, cv_v, ubuf, vbuf, wbuf, dl_v, zbuf, accS,
               w_hbm):
    cj = lax.axis_index("c")
    s = lax.axis_index("s")
    pltpu.sync_copy(src_hbm.at[s], src_v)
    pltpu.sync_copy(dst_hbm.at[s], dst_v)
    coff = cj * NNZ_PAD + s * E_SUB
    pltpu.sync_copy(cu_hbm.at[pl.ds(coff, E_SUB)], cu_v)
    pltpu.sync_copy(cv_hbm.at[pl.ds(coff, E_SUB)], cv_v)

    zero16 = jnp.zeros((16,), jnp.float32)

    @pl.loop(0, ZROWS)
    def _(r):
        for f0 in range(F // 16):
            zbuf[r, pl.ds(f0 * 16, 16)] = zero16

    for p in range(NPASS):
        lo = p * PROWS
        for blk in range(STRIPE // ZROWS):
            pltpu.sync_copy(zbuf, accS.at[pl.ds(s * STRIPE + blk * ZROWS,
                                                ZROWS)])
        plsc.subcore_barrier()

        @pl.loop(0, NCHUNK)
        def _(ch):
            if p == 0:
                pltpu.sync_copy(u_hbm.at[src_v.at[ch]], ubuf)
                pltpu.sync_copy(v_hbm.at[src_v.at[ch]], vbuf)

                @pl.loop(0, CH)
                def _(e):
                    g = jnp.full((16,), ch * CH + e, dtype=jnp.int32)
                    cu_b = plsc.load_gather(cu_v, [g])
                    cv_b = plsc.load_gather(cv_v, [g])
                    for f0 in range(F // 16):
                        sl = pl.ds(f0 * 16, 16)
                        wbuf[e, sl] = cu_b * ubuf[e, sl] + cv_b * vbuf[e, sl]

                pltpu.sync_copy(wbuf, w_hbm.at[pl.ds(coff + ch * CH, CH)])
            else:
                pltpu.sync_copy(w_hbm.at[pl.ds(coff + ch * CH, CH)], wbuf)

            for q in range(CH // 16):
                dvec = dst_v[ch, pl.ds(q * 16, 16)]
                inb = (dvec >= lo) & (dvec < lo + PROWS)
                dl_v[pl.ds(q * 16, 16)] = jnp.where(inb, dvec - lo, PROWS)

            pltpu.sync_copy(wbuf, accS.at[dl_v], add=True)

        plsc.subcore_barrier()

        @pl.when(cj == 0)
        def _():
            pltpu.sync_copy(accS.at[pl.ds(s * STRIPE, STRIPE)],
                            o0_hbm.at[pl.ds(lo + s * STRIPE, STRIPE)])

        @pl.when(cj == 1)
        def _():
            pltpu.sync_copy(accS.at[pl.ds(s * STRIPE, STRIPE)],
                            o1_hbm.at[pl.ds(lo + s * STRIPE, STRIPE)])


def _propagate(u, v, src3, dst3, cu, cv):
    f32 = jnp.float32
    run = pl.kernel(
        _prop_body,
        mesh=_mesh,
        compiler_params=_sc_params,
        out_type=[jax.ShapeDtypeStruct((NPAD, F), f32),
                  jax.ShapeDtypeStruct((NPAD, F), f32)],
        scratch_types=[
            pltpu.VMEM((NCHUNK, CH), jnp.int32),
            pltpu.VMEM((NCHUNK, CH), jnp.int32),
            pltpu.VMEM((E_SUB,), f32),
            pltpu.VMEM((E_SUB,), f32),
            pltpu.VMEM((CH, F), f32),
            pltpu.VMEM((CH, F), f32),
            pltpu.VMEM((CH, F), f32),
            pltpu.VMEM((CH,), jnp.int32),
            pltpu.VMEM((ZROWS, F), f32),
            pltpu.VMEM_SHARED((ACC_ROWS, F), f32),
            pltpu.HBM((2 * NNZ_PAD, F), f32),
        ],
    )
    return run(u, v, src3, dst3, cu, cv)


def kernel(x, edge_index, hyperedge_attr, W_lin, W_sheaf, W_conv0, W_conv1,
           W_lin2):
    f32 = jnp.float32
    i32 = jnp.int32

    row = edge_index[0].astype(i32)
    col = edge_index[1].astype(i32)
    pad = NNZ_PAD - NNZ
    row_p = jnp.pad(row, (0, pad))
    col_p = jnp.pad(col, (0, pad))
    rc_flat = jnp.concatenate([row_p, col_p])

    w1 = W_sheaf[:F, :]
    w2 = W_sheaf[F:, :]
    wab = jnp.concatenate([w1, w2], axis=1)
    wab = jnp.pad(wab, ((0, 0), (0, F - 2)))
    w2a = W_lin2[:F, :]
    w2b = W_lin2[F:, :]

    k1 = pl.pallas_call(
        _k1_body,
        grid=(N // _RB,),
        in_specs=[_row_spec(F), _row_spec(F), _full_spec(F, 2 * F),
                  _full_spec(F, F), _full_spec(F, F)],
        out_specs=[_row_spec(F), _row_spec(F), _row_spec(F), _row_spec(F)],
        out_shape=[jax.ShapeDtypeStruct((N, F), f32)] * 4,
    )
    U0, V0, A_, B_ = k1(x, hyperedge_attr, W_lin, W_conv0, wab)
    a = A_[:, 0]
    b = B_[:, 1]

    deg = pl.kernel(
        _deg_body,
        mesh=_mesh,
        compiler_params=_sc_params,
        out_type=jax.ShapeDtypeStruct((2 * NSUB * HIST_PAD,), f32),
        scratch_types=[
            pltpu.VMEM((E_HSUB,), i32),
            pltpu.VMEM((HIST_PAD,), f32),
        ],
    )
    hist = deg(rc_flat)
    kd = pl.pallas_call(
        _kd_body,
        grid=(HIST_PAD // 2048,),
        in_specs=[pl.BlockSpec((2 * NSUB, 2048), lambda i: (0, i))],
        out_specs=[pl.BlockSpec((8, 2048), lambda i: (0, i))] * 2,
        out_shape=[jax.ShapeDtypeStruct((8, HIST_PAD), f32)] * 2,
    )
    dninv8, binv8 = kd(hist.reshape(2 * NSUB, HIST_PAD))
    dninv = dninv8[0]
    binv = binv8[0]

    coef = pl.kernel(
        _coef_body,
        mesh=_mesh,
        compiler_params=_sc_params,
        out_type=[jax.ShapeDtypeStruct((2 * NNZ_PAD,), f32)] * 4,
        scratch_types=[
            pltpu.VMEM((E_W,), i32),
            pltpu.VMEM((E_W,), i32),
            pltpu.VMEM((N,), f32),
            pltpu.VMEM((N,), f32),
            pltpu.VMEM((HIST_PAD,), f32),
            pltpu.VMEM((HIST_PAD,), f32),
            pltpu.VMEM((E_W,), f32),
            pltpu.VMEM((E_W,), f32),
            pltpu.VMEM((E_W,), f32),
            pltpu.VMEM((E_W,), f32),
            pltpu.VMEM((E_W,), f32),
            pltpu.VMEM((E_W,), f32),
        ],
    )
    cua, cva, cub, cvb = coef(rc_flat, a, b, dninv, binv)

    k2 = pl.pallas_call(
        _k2_body,
        grid=(NPAD // _RBP,),
        in_specs=[_rowp_spec(F), _rowp_spec(F), _full_spec(F, F)],
        out_specs=[_rowp_spec(F), _rowp_spec(F)],
        out_shape=[jax.ShapeDtypeStruct((NPAD, F), f32)] * 2,
    )

    U0p = jnp.pad(U0, ((0, NPAD - N), (0, 0)))
    V0p = jnp.pad(V0, ((0, NPAD - N), (0, 0)))
    src_row = row_p.reshape(NSUB, NCHUNK, CH)
    src_col = col_p.reshape(NSUB, NCHUNK, CH)
    src_stack = jnp.stack([src_row, src_col, src_row, src_col])
    dst_stack = jnp.stack([src_col, src_row, src_col, src_row])
    cu_stack = jnp.stack([cua, cub, cua, cub])
    cv_stack = jnp.stack([cva, cvb, cva, cvb])
    mid = jnp.array([False, True, False, False])

    def body(carry, xs):
        u, v = carry
        src_i, dst_i, cu_i, cv_i, mid_i = xs
        o0, o1 = _propagate(u, v, src_i, dst_i, cu_i, cv_i)
        t0, t1 = k2(o0, o1, W_conv1)
        u_n = jnp.where(mid_i, t0, o0)
        v_n = jnp.where(mid_i, t1, o1)
        return (u_n, v_n), 0
    (P0, P1), _ = lax.scan(
        body, (U0p, V0p), (src_stack, dst_stack, cu_stack, cv_stack, mid))

    nc = W_lin2.shape[1]
    k3 = pl.pallas_call(
        _k3_body,
        grid=(NPAD // _RBP,),
        in_specs=[_rowp_spec(F), _rowp_spec(F), _full_spec(F, nc),
                  _full_spec(F, nc)],
        out_specs=[_rowp_spec(nc)],
        out_shape=[jax.ShapeDtypeStruct((NPAD, nc), f32)],
    )
    (y,) = k3(P0, P1, w2a, w2b)
    return y[:N]

# --- scband reference (transcript-rebuilt; emitter-appended) ---
"""Pipeline reference for scband-ortho-sheafs-2594160246966 (READ-ONLY COPY).

The authoritative reference and input builder live on the scoring server;
editing this copy changes nothing except your own understanding.
"""

import jax, jax.numpy as jnp
import numpy as np

D = 2
NUM_FEATURES = 128
MLP_HIDDEN = 128
NUM_CLASSES = 40
N_NODES = 10000
N_HEDGES = 10000
NNZ = 160000


def householder_orthogonal(params, d):
    # params: [..., d*(d-1)//2] -> orthogonal [..., d, d] via Householder product
    tr, tc = np.tril_indices(d, -1)
    batch = params.shape[:-1]
    A = jnp.zeros(batch + (d, d), dtype=params.dtype)
    A = A.at[..., tr, tc].set(params)
    eye = jnp.eye(d, dtype=params.dtype)
    V = A + eye
    tau = 2.0 / jnp.sum(V * V, axis=-2)
    Q = jnp.broadcast_to(eye, batch + (d, d))
    for i in range(d - 1, -1, -1):
        v = V[..., :, i]
        vQ = jnp.einsum('...i,...ij->...j', v, Q)
        Q = Q - tau[..., i, None, None] * v[..., None] * vQ[..., None, :]
    return Q


def sheaf_conv(xf, W, exp_row, exp_col, alpha, n_rows, n_cols):
    # degree-normalized two-hop propagation through expanded sheaf incidence
    h = xf @ W
    ones = jnp.ones_like(alpha)
    Dn = jax.ops.segment_sum(ones, exp_row, num_segments=n_rows)
    Be = jax.ops.segment_sum(ones, exp_col, num_segments=n_cols)
    Dn_inv = jnp.where(Dn > 0, 1.0 / Dn, 0.0)
    Be_inv = jnp.where(Be > 0, 1.0 / Be, 0.0)
    m = jax.ops.segment_sum(alpha[:, None] * h[exp_row], exp_col, num_segments=n_cols) * Be_inv[:, None]
    out = jax.ops.segment_sum(alpha[:, None] * m[exp_col], exp_row, num_segments=n_rows) * Dn_inv[:, None]
    return out


def _forward(x, hyperedge_attr, W_lin, W_sheaf, W_conv0, W_conv1, W_lin2, edge_index):
    d = D
    num_nodes = x.shape[0]
    num_edges = hyperedge_attr.shape[0]
    xl = (x @ W_lin).reshape(num_nodes * d, NUM_FEATURES)
    el = (hyperedge_attr @ W_lin).reshape(num_edges * d, NUM_FEATURES)
    row, col = edge_index[0], edge_index[1]
    # build orthogonal sheaf incidence
    xm = xl.reshape(num_nodes, d, NUM_FEATURES).mean(axis=1)
    em = el.reshape(num_edges, d, NUM_FEATURES).mean(axis=1)
    h = jnp.tanh(jnp.concatenate([xm[row], em[col]], axis=-1) @ W_sheaf)
    Q = householder_orthogonal(h, d)
    di = jnp.repeat(jnp.arange(d), d)
    dj = jnp.tile(jnp.arange(d), d)
    exp_row = (d * row[:, None] + di[None, :]).reshape(-1)
    exp_col = (d * col[:, None] + dj[None, :]).reshape(-1)
    alpha = Q.reshape(-1)
    h1 = jax.nn.elu(sheaf_conv(xl, W_conv0, exp_row, exp_col, alpha, num_nodes * d, num_edges * d))
    h2 = sheaf_conv(h1, W_conv1, exp_row, exp_col, alpha, num_nodes * d, num_edges * d)
    return h2.reshape(num_nodes, -1) @ W_lin2


def setup_inputs(seed: int = 0):
    key = jax.random.key(seed)
    ks = jax.random.split(key, 9)
    x = jax.random.normal(ks[0], (N_NODES, NUM_FEATURES), dtype=jnp.float32)
    edge_index = jax.random.randint(ks[1], (2, NNZ), 0, N_NODES, dtype=jnp.int32)
    hyperedge_attr = jax.random.normal(ks[2], (N_HEDGES, NUM_FEATURES), dtype=jnp.float32)
    W_lin = jax.random.normal(ks[3], (NUM_FEATURES, NUM_FEATURES * D), dtype=jnp.float32) / np.sqrt(NUM_FEATURES)
    W_sheaf = jax.random.normal(ks[4], (2 * NUM_FEATURES, D * (D - 1) // 2), dtype=jnp.float32) / np.sqrt(2 * NUM_FEATURES)
    W_conv0 = jax.random.normal(ks[5], (NUM_FEATURES, MLP_HIDDEN), dtype=jnp.float32) / np.sqrt(NUM_FEATURES)
    W_conv1 = jax.random.normal(ks[6], (MLP_HIDDEN, MLP_HIDDEN), dtype=jnp.float32) / np.sqrt(MLP_HIDDEN)
    W_lin2 = jax.random.normal(ks[7], (MLP_HIDDEN * D, NUM_CLASSES), dtype=jnp.float32) / np.sqrt(MLP_HIDDEN * D)
    return {"x": x, "edge_index": edge_index, "hyperedge_attr": hyperedge_attr, "W_lin": W_lin, "W_sheaf": W_sheaf, "W_conv0": W_conv0, "W_conv1": W_conv1, "W_lin2": W_lin2}


def reference(x, edge_index, hyperedge_attr, W_lin, W_sheaf, W_conv0, W_conv1, W_lin2):
    return _forward(x, hyperedge_attr, W_lin, W_sheaf, W_conv0, W_conv1, W_lin2, edge_index)

if __name__ == "__main__":
    import jax
    _d = setup_inputs()
    print(jax.jit(kernel)(*tuple(_d.values())))

</pallas_src>

<mosaic_0001>
#map = affine_map<(d0, d1) -> (0)>
module attributes {stable_mosaic.version = 14 : i64} {
  func.func @_deg_body(%arg0: i32, %arg1: i32, %arg2: memref<327680xi32, #tpu.memory_space<hbm>>, %arg3: memref<327680xf32, #tpu.memory_space<hbm>>, %arg4: memref<10240xi32, #tpu.memory_space<vmem>>, %arg5: memref<10240xf32, #tpu.memory_space<vmem>>) attributes {dimension_semantics = [#tpu.dimension_semantics<core_parallel>, #tpu.dimension_semantics<subcore_parallel>], iteration_bounds = array<i64: 2, 16>, scalar_prefetch = 0 : i64, scratch_operands = 2 : i64, tpu.core_type = #tpu.core_type<sc_vector_subcore>, window_params = [{transform_indices = #map}, {transform_indices = #map}]} {
    %mul3A = arith.constant 163840 : i32
    %mul3A_0 = arith.muli %arg0, %mul3A : i32
    %mul3A_1 = arith.constant 10240 : i32
    %mul3A_2 = arith.muli %arg1, %mul3A_1 : i32
    %add3A = arith.addi %mul3A_0, %mul3A_2 : i32
    "tpu.region"() ({
      %run_scoped3A = tpu.sem_alloc : memref<!tpu.dma_semaphore, #tpu.memory_space<semaphore_mem>>
      %dma_start3A = tpu.memref_slice %arg2[%add3A] : memref<327680xi32, #tpu.memory_space<hbm>> -> memref<10240xi32, #tpu.memory_space<hbm>>
      %dma_start3A_22 = tpu.memref_slice %arg2[%add3A] : memref<327680xi32, #tpu.memory_space<hbm>> -> memref<10240xi32, #tpu.memory_space<hbm>>
      tpu.enqueue_dma source(%dma_start3A_22 : memref<10240xi32, #tpu.memory_space<hbm>>) target(%arg4 : memref<10240xi32, #tpu.memory_space<vmem>>) target_semaphore(%run_scoped3A : memref<!tpu.dma_semaphore, #tpu.memory_space<semaphore_mem>>)
      %dma_wait3A = tpu.memref_slice %arg2[%add3A] : memref<327680xi32, #tpu.memory_space<hbm>> -> memref<10240xi32, #tpu.memory_space<hbm>>
      %dma_wait3A_23 = tpu.memref_slice %arg2[%add3A] : memref<327680xi32, #tpu.memory_space<hbm>> -> memref<10240xi32, #tpu.memory_space<hbm>>
      tpu.wait_dma2 semaphore(%run_scoped3A : memref<!tpu.dma_semaphore, #tpu.memory_space<semaphore_mem>>) src(%dma_wait3A_23 : memref<10240xi32, #tpu.memory_space<hbm>>) dst(%arg4 : memref<10240xi32, #tpu.memory_space<vmem>>)
      tpu.yield
    }) : () -> ()
    %broadcast_in_dim3A = arith.constant 0.000000e+00 : f32
    %broadcast_in_dim3A_3 = vector.broadcast %broadcast_in_dim3A : f32 to vector<16xf32>
    %scan3A = arith.constant 0 : i32
    %scan3A_4 = arith.constant 640 : i32
    %scan3A_5 = arith.addi %scan3A, %scan3A_4 : i32
    %scan3A_6 = arith.constant 1 : i32
    scf.for %scan3A_22 = %scan3A to %scan3A_5 step %scan3A_6  : i32 {
      %mul3A_23 = arith.constant 16 : i32
      %mul3A_24 = arith.muli %scan3A_22, %mul3A_23 : i32
      %add3A_25 = arith.constant 0 : i32
      %add3A_26 = arith.addi %add3A_25, %mul3A_24 : i32
      %swap3A = arith.index_cast %add3A_26 : i32 to index
      %swap3A_27 = tpu.vector_load %arg5[%swap3A] {strides = array<i32>} : memref<10240xf32, #tpu.memory_space<vmem>>, vector<16xf32>,
      tpu.vector_store %arg5[%swap3A], %broadcast_in_dim3A_3 {strides = array<i32>} : memref<10240xf32, #tpu.memory_space<vmem>>, vector<16xf32>,
    }
    %scan3A_7 = arith.constant 640 : i32
    %broadcast_in_dim3A_8 = arith.constant 1.000000e+00 : f32
    %broadcast_in_dim3A_9 = vector.broadcast %broadcast_in_dim3A_8 : f32 to vector<16xf32>
    %iota3A = tpu.iota {dimensions = array<i32: 0>} : vector<16xi32>
    %mul3A_10 = arith.constant 10240 : i32
    %mul3A_11 = arith.muli %arg1, %mul3A_10 : i32
    %scan3A_12 = arith.constant 0 : i32
    %scan3A_13 = arith.constant 640 : i32
    %scan3A_14 = arith.addi %scan3A_12, %scan3A_13 : i32
    %scan3A_15 = arith.constant 1 : i32
    scf.for %scan3A_22 = %scan3A_12 to %scan3A_14 step %scan3A_15  : i32 {
      %mul3A_23 = arith.constant 16 : i32
      %mul3A_24 = arith.muli %scan3A_22, %mul3A_23 : i32
      %add3A_25 = arith.constant 0 : i32
      %add3A_26 = arith.addi %add3A_25, %mul3A_24 : i32
      %add3A_27 = arith.addi %mul3A_11, %add3A_26 : i32
      %add3A_28 = vector.broadcast %add3A_27 : i32 to vector<16xi32>
      %add3A_29 = arith.addi %iota3A, %add3A_28 : vector<16xi32>
      %lt3A = arith.constant 160000 : i32
      %lt3A_30 = vector.broadcast %lt3A : i32 to vector<16xi32>
      %lt3A_31 = arith.cmpi slt, %add3A_29, %lt3A_30 : vector<16xi32>
      %get3A = arith.index_cast %add3A_26 : i32 to index
      %get3A_32 = tpu.vector_load %arg4[%get3A] {strides = array<i32>} : memref<10240xi32, #tpu.memory_space<vmem>>, vector<16xi32>,
      tpu.vector_store_idx %arg5[%get3A_32], %broadcast_in_dim3A_9 masked %lt3A_31 {add = true} : memref<10240xf32, #tpu.memory_space<vmem>>[vector<16xi32>], vector<16xf32>, vector<16xi1>
    }
    %scan3A_16 = arith.constant 640 : i32
    %mul3A_17 = arith.constant 16 : i32
    %mul3A_18 = arith.muli %arg0, %mul3A_17 : i32
    %add3A_19 = arith.addi %mul3A_18, %arg1 : i32
    %mul3A_20 = arith.constant 10240 : i32
    %mul3A_21 = arith.muli %add3A_19, %mul3A_20 : i32
    "tpu.region"() ({
      %run_scoped3A = tpu.sem_alloc : memref<!tpu.dma_semaphore, #tpu.memory_space<semaphore_mem>>
      %dma_start3A = tpu.memref_slice %arg3[%mul3A_21] : memref<327680xf32, #tpu.memory_space<hbm>> -> memref<10240xf32, #tpu.memory_space<hbm>>
      %dma_start3A_22 = tpu.memref_slice %arg3[%mul3A_21] : memref<327680xf32, #tpu.memory_space<hbm>> -> memref<10240xf32, #tpu.memory_space<hbm>>
      tpu.enqueue_dma source(%arg5 : memref<10240xf32, #tpu.memory_space<vmem>>) target(%dma_start3A_22 : memref<10240xf32, #tpu.memory_space<hbm>>) target_semaphore(%run_scoped3A : memref<!tpu.dma_semaphore, #tpu.memory_space<semaphore_mem>>)
      %dma_wait3A = tpu.memref_slice %arg3[%mul3A_21] : memref<327680xf32, #tpu.memory_space<hbm>> -> memref<10240xf32, #tpu.memory_space<hbm>>
      %dma_wait3A_23 = tpu.memref_slice %arg3[%mul3A_21] : memref<327680xf32, #tpu.memory_space<hbm>> -> memref<10240xf32, #tpu.memory_space<hbm>>
      tpu.wait_dma2 semaphore(%run_scoped3A : memref<!tpu.dma_semaphore, #tpu.memory_space<semaphore_mem>>) src(%arg5 : memref<10240xf32, #tpu.memory_space<vmem>>) dst(%dma_wait3A_23 : memref<10240xf32, #tpu.memory_space<hbm>>)
      tpu.yield
    }) : () -> ()
    return
  }
}

#map = affine_map<(d0, d1) -> (0)>
module attributes {stable_mosaic.version = 14 : i64} {
  func.func @_coef_body(%arg0: i32, %arg1: i32, %arg2: memref<327680xi32, #tpu.memory_space<hbm>>, %arg3: memref<10000xf32, #tpu.memory_space<hbm>>, %arg4: memref<10000xf32, #tpu.memory_space<hbm>>, %arg5: memref<10240xf32, #tpu.memory_space<hbm>>, %arg6: memref<10240xf32, #tpu.memory_space<hbm>>, %arg7: memref<327680xf32, #tpu.memory_space<hbm>>, %arg8: memref<327680xf32, #tpu.memory_space<hbm>>, %arg9: memref<327680xf32, #tpu.memory_space<hbm>>, %arg10: memref<327680xf32, #tpu.memory_space<hbm>>, %arg11: memref<5120xi32, #tpu.memory_space<vmem>>, %arg12: memref<5120xi32, #tpu.memory_space<vmem>>, %arg13: memref<10000xf32, #tpu.memory_space<vmem>>, %arg14: memref<10000xf32, #tpu.memory_space<vmem>>, %arg15: memref<10240xf32, #tpu.memory_space<vmem>>, %arg16: memref<10240xf32, #tpu.memory_space<vmem>>, %arg17: memref<5120xf32, #tpu.memory_space<vmem>>, %arg18: memref<5120xf32, #tpu.memory_space<vmem>>, %arg19: memref<5120xf32, #tpu.memory_space<vmem>>, %arg20: memref<5120xf32, #tpu.memory_space<vmem>>, %arg21: memref<5120xf32, #tpu.memory_space<vmem>>, %arg22: memref<5120xf32, #tpu.memory_space<vmem>>) attributes {dimension_semantics = [#tpu.dimension_semantics<core_parallel>, #tpu.dimension_semantics<subcore_parallel>], iteration_bounds = array<i64: 2, 16>, scalar_prefetch = 0 : i64, scratch_operands = 12 : i64, tpu.core_type = #tpu.core_type<sc_vector_subcore>, window_params = [{transform_indices = #map}, {transform_indices = #map}, {transform_indices = #map}, {transform_indices = #map}, {transform_indices = #map}, {transform_indices = #map}, {transform_indices = #map}, {transform_indices = #map}, {transform_indices = #map}]} {
    %mul3A = arith.constant 2 : i32
    %mul3A_0 = arith.muli %arg1, %mul3A : i32
    %add3A = arith.addi %mul3A_0, %arg0 : i32
    %mul3A_1 = arith.constant 5120 : i32
    %mul3A_2 = arith.muli %add3A, %mul3A_1 : i32
    "tpu.region"() ({
      %run_scoped3A = tpu.sem_alloc : memref<!tpu.dma_semaphore, #tpu.memory_space<semaphore_mem>>
      %dma_start3A = tpu.memref_slice %arg2[%mul3A_2] : memref<327680xi32, #tpu.memory_space<hbm>> -> memref<5120xi32, #tpu.memory_space<hbm>>
      %dma_start3A_21 = tpu.memref_slice %arg2[%mul3A_2] : memref<327680xi32, #tpu.memory_space<hbm>> -> memref<5120xi32, #tpu.memory_space<hbm>>
      tpu.enqueue_dma source(%dma_start3A_21 : memref<5120xi32, #tpu.memory_space<hbm>>) target(%arg11 : memref<5120xi32, #tpu.memory_space<vmem>>) target_semaphore(%run_scoped3A : memref<!tpu.dma_semaphore, #tpu.memory_space<semaphore_mem>>)
      %dma_wait3A = tpu.memref_slice %arg2[%mul3A_2] : memref<327680xi32, #tpu.memory_space<hbm>> -> memref<5120xi32, #tpu.memory_space<hbm>>
      %dma_wait3A_22 = tpu.memref_slice %arg2[%mul3A_2] : memref<327680xi32, #tpu.memory_space<hbm>> -> memref<5120xi32, #tpu.memory_space<hbm>>
      tpu.wait_dma2 semaphore(%run_scoped3A : memref<!tpu.dma_semaphore, #tpu.memory_space<semaphore_mem>>) src(%dma_wait3A_22 : memref<5120xi32, #tpu.memory_space<hbm>>) dst(%arg11 : memref<5120xi32, #tpu.memory_space<vmem>>)
      tpu.yield
    }) : () -> ()
    %mul3A_3 = arith.constant 5120 : i32
    %mul3A_4 = arith.muli %add3A, %mul3A_3 : i32
    %add3A_5 = arith.constant 163840 : i32
    %add3A_6 = arith.addi %add3A_5, %mul3A_4 : i32
    "tpu.region"() ({
      %run_scoped3A = tpu.sem_alloc : memref<!tpu.dma_semaphore, #tpu.memory_space<semaphore_mem>>
      %dma_start3A = tpu.memref_slice %arg2[%add3A_6] : memref<327680xi32, #tpu.memory_space<hbm>> -> memref<5120xi32, #tpu.memory_space<hbm>>
      %dma_start3A_21 = tpu.memref_slice %arg2[%add3A_6] : memref<327680xi32, #tpu.memory_space<hbm>> -> memref<5120xi32, #tpu.memory_space<hbm>>
      tpu.enqueue_dma source(%dma_start3A_21 : memref<5120xi32, #tpu.memory_space<hbm>>) target(%arg12 : memref<5120xi32, #tpu.memory_space<vmem>>) target_semaphore(%run_scoped3A : memref<!tpu.dma_semaphore, #tpu.memory_space<semaphore_mem>>)
      %dma_wait3A = tpu.memref_slice %arg2[%add3A_6] : memref<327680xi32, #tpu.memory_space<hbm>> -> memref<5120xi32, #tpu.memory_space<hbm>>
      %dma_wait3A_22 = tpu.memref_slice %arg2[%add3A_6] : memref<327680xi32, #tpu.memory_space<hbm>> -> memref<5120xi32, #tpu.memory_space<hbm>>
      tpu.wait_dma2 semaphore(%run_scoped3A : memref<!tpu.dma_semaphore, #tpu.memory_space<semaphore_mem>>) src(%dma_wait3A_22 : memref<5120xi32, #tpu.memory_space<hbm>>) dst(%arg12 : memref<5120xi32, #tpu.memory_space<vmem>>)
      tpu.yield
    }) : () -> ()
    "tpu.region"() ({
      %run_scoped3A = tpu.sem_alloc : memref<!tpu.dma_semaphore, #tpu.memory_space<semaphore_mem>>
      tpu.enqueue_dma source(%arg3 : memref<10000xf32, #tpu.memory_space<hbm>>) target(%arg13 : memref<10000xf32, #tpu.memory_space<vmem>>) target_semaphore(%run_scoped3A : memref<!tpu.dma_semaphore, #tpu.memory_space<semaphore_mem>>)
      tpu.wait_dma2 semaphore(%run_scoped3A : memref<!tpu.dma_semaphore, #tpu.memory_space<semaphore_mem>>) src(%arg3 : memref<10000xf32, #tpu.memory_space<hbm>>) dst(%arg13 : memref<10000xf32, #tpu.memory_space<vmem>>)
      tpu.yield
    }) : () -> ()
    "tpu.region"() ({
      %run_scoped3A = tpu.sem_alloc : memref<!tpu.dma_semaphore, #tpu.memory_space<semaphore_mem>>
      tpu.enqueue_dma source(%arg4 : memref<10000xf32, #tpu.memory_space<hbm>>) target(%arg14 : memref<10000xf32, #tpu.memory_space<vmem>>) target_semaphore(%run_scoped3A : memref<!tpu.dma_semaphore, #tpu.memory_space<semaphore_mem>>)
      tpu.wait_dma2 semaphore(%run_scoped3A : memref<!tpu.dma_semaphore, #tpu.memory_space<semaphore_mem>>) src(%arg4 : memref<10000xf32, #tpu.memory_space<hbm>>) dst(%arg14 : memref<10000xf32, #tpu.memory_space<vmem>>)
      tpu.yield
    }) : () -> ()
    "tpu.region"() ({
      %run_scoped3A = tpu.sem_alloc : memref<!tpu.dma_semaphore, #tpu.memory_space<semaphore_mem>>
      tpu.enqueue_dma source(%arg5 : memref<10240xf32, #tpu.memory_space<hbm>>) target(%arg15 : memref<10240xf32, #tpu.memory_space<vmem>>) target_semaphore(%run_scoped3A : memref<!tpu.dma_semaphore, #tpu.memory_space<semaphore_mem>>)
      tpu.wait_dma2 semaphore(%run_scoped3A : memref<!tpu.dma_semaphore, #tpu.memory_space<semaphore_mem>>) src(%arg5 : memref<10240xf32, #tpu.memory_space<hbm>>) dst(%arg15 : memref<10240xf32, #tpu.memory_space<vmem>>)
      tpu.yield
    }) : () -> ()
    "tpu.region"() ({
      %run_scoped3A = tpu.sem_alloc : memref<!tpu.dma_semaphore, #tpu.memory_space<semaphore_mem>>
      tpu.enqueue_dma source(%arg6 : memref<10240xf32, #tpu.memory_space<hbm>>) target(%arg16 : memref<10240xf32, #tpu.memory_space<vmem>>) target_semaphore(%run_scoped3A : memref<!tpu.dma_semaphore, #tpu.memory_space<semaphore_mem>>)
      tpu.wait_dma2 semaphore(%run_scoped3A : memref<!tpu.dma_semaphore, #tpu.memory_space<semaphore_mem>>) src(%arg6 : memref<10240xf32, #tpu.memory_space<hbm>>) dst(%arg16 : memref<10240xf32, #tpu.memory_space<vmem>>)
      tpu.yield
    }) : () -> ()
    %mul3A_7 = arith.constant 5120 : i32
    %mul3A_8 = arith.muli %add3A, %mul3A_7 : i32
    %iota3A = tpu.iota {dimensions = array<i32: 0>} : vector<16xi32>
    %scan3A = arith.constant 0 : i32
    %scan3A_9 = arith.constant 320 : i32
    %scan3A_10 = arith.addi %scan3A, %scan3A_9 : i32
    %scan3A_11 = arith.constant 1 : i32
    scf.for %scan3A_21 = %scan3A to %scan3A_10 step %scan3A_11  : i32 {
      %mul3A_22 = arith.constant 16 : i32
      %mul3A_23 = arith.muli %scan3A_21, %mul3A_22 : i32
      %add3A_24 = arith.constant 0 : i32
      %add3A_25 = arith.addi %add3A_24, %mul3A_23 : i32
      %get3A = arith.index_cast %add3A_25 : i32 to index
      %get3A_26 = tpu.vector_load %arg11[%get3A] {strides = array<i32>} : memref<5120xi32, #tpu.memory_space<vmem>>, vector<16xi32>,
      %get3A_27 = arith.index_cast %add3A_25 : i32 to index
      %get3A_28 = tpu.vector_load %arg12[%get3A_27] {strides = array<i32>} : memref<5120xi32, #tpu.memory_space<vmem>>, vector<16xi32>,
      %gather3A = tpu.vector_load_idx %arg13[%get3A_26] : memref<10000xf32, #tpu.memory_space<vmem>>[vector<16xi32>], vector<16xf32>,
      %gather3A_29 = tpu.vector_load_idx %arg14[%get3A_28] : memref<10000xf32, #tpu.memory_space<vmem>>[vector<16xi32>], vector<16xf32>,
      %add3A_30 = arith.addf %gather3A, %gather3A_29 : vector<16xf32>
      %mul3A_31 = arith.constant 2.000000e+00 : f32
      %mul3A_32 = vector.broadcast %mul3A_31 : f32 to vector<16xf32>
      %mul3A_33 = arith.mulf %mul3A_32, %add3A_30 : vector<16xf32>
      %exp3A = math.exp %mul3A_33 : vector<16xf32>
      %add3A_34 = arith.constant 1.000000e+00 : f32
      %add3A_35 = vector.broadcast %add3A_34 : f32 to vector<16xf32>
      %add3A_36 = arith.addf %exp3A, %add3A_35 : vector<16xf32>
      %div3A = arith.constant 2.000000e+00 : f32
      %div3A_37 = vector.broadcast %div3A : f32 to vector<16xf32>
      %div3A_38 = arith.divf %div3A_37, %add3A_36 : vector<16xf32>
      %sub3A = arith.constant 1.000000e+00 : f32
      %sub3A_39 = vector.broadcast %sub3A : f32 to vector<16xf32>
      %sub3A_40 = arith.subf %sub3A_39, %div3A_38 : vector<16xf32>
      %mul3A_41 = arith.mulf %sub3A_40, %sub3A_40 : vector<16xf32>
      %add3A_42 = arith.constant 1.000000e+00 : f32
      %add3A_43 = vector.broadcast %add3A_42 : f32 to vector<16xf32>
      %add3A_44 = arith.addf %add3A_43, %mul3A_41 : vector<16xf32>
      %add3A_45 = arith.addi %mul3A_8, %add3A_25 : i32
      %add3A_46 = vector.broadcast %add3A_45 : i32 to vector<16xi32>
      %add3A_47 = arith.addi %iota3A, %add3A_46 : vector<16xi32>
      %lt3A = arith.constant 160000 : i32
      %lt3A_48 = vector.broadcast %lt3A : i32 to vector<16xi32>
      %lt3A_49 = arith.cmpi slt, %add3A_47, %lt3A_48 : vector<16xi32>
      %mul3A_50 = arith.mulf %sub3A_40, %sub3A_40 : vector<16xf32>
      %sub3A_51 = arith.constant 1.000000e+00 : f32
      %sub3A_52 = vector.broadcast %sub3A_51 : f32 to vector<16xf32>
      %sub3A_53 = arith.subf %mul3A_50, %sub3A_52 : vector<16xf32>
      %div3A_54 = arith.divf %sub3A_53, %add3A_44 : vector<16xf32>
      %jit3A = arith.constant 0.000000e+00 : f32
      %broadcast_in_dim3A = vector.broadcast %jit3A : f32 to vector<16xf32>
      %select_n3A = arith.select %lt3A_49, %div3A_54, %broadcast_in_dim3A : vector<16xi1>, vector<16xf32>
      %mul3A_55 = arith.constant 2.000000e+00 : f32
      %mul3A_56 = vector.broadcast %mul3A_55 : f32 to vector<16xf32>
      %mul3A_57 = arith.mulf %mul3A_56, %sub3A_40 : vector<16xf32>
      %div3A_58 = arith.divf %mul3A_57, %add3A_44 : vector<16xf32>
      %jit3A_59 = arith.constant 0.000000e+00 : f32
      %broadcast_in_dim3A_60 = vector.broadcast %jit3A_59 : f32 to vector<16xf32>
      %select_n3A_61 = arith.select %lt3A_49, %div3A_58, %broadcast_in_dim3A_60 : vector<16xi1>, vector<16xf32>
      %gather3A_62 = tpu.vector_load_idx %arg15[%get3A_26] : memref<10240xf32, #tpu.memory_space<vmem>>[vector<16xi32>], vector<16xf32>,
      %gather3A_63 = tpu.vector_load_idx %arg16[%get3A_28] : memref<10240xf32, #tpu.memory_space<vmem>>[vector<16xi32>], vector<16xf32>,
      %mul3A_64 = arith.mulf %gather3A_62, %gather3A_63 : vector<16xf32>
      %mul3A_65 = arith.mulf %select_n3A, %mul3A_64 : vector<16xf32>
      %mul3A_66 = arith.mulf %select_n3A_61, %mul3A_64 : vector<16xf32>
      %swap3A = arith.index_cast %add3A_25 : i32 to index
      %swap3A_67 = tpu.vector_load %arg17[%swap3A] {strides = array<i32>} : memref<5120xf32, #tpu.memory_space<vmem>>, vector<16xf32>,
      tpu.vector_store %arg17[%swap3A], %select_n3A {strides = array<i32>} : memref<5120xf32, #tpu.memory_space<vmem>>, vector<16xf32>,
      %swap3A_68 = arith.index_cast %add3A_25 : i32 to index
      %swap3A_69 = tpu.vector_load %arg18[%swap3A_68] {strides = array<i32>} : memref<5120xf32, #tpu.memory_space<vmem>>, vector<16xf32>,
      tpu.vector_store %arg18[%swap3A_68], %select_n3A_61 {strides = array<i32>} : memref<5120xf32, #tpu.memory_space<vmem>>, vector<16xf32>,
      %neg3A = arith.constant 0.000000e+00 : f32
      %neg3A_70 = vector.broadcast %neg3A : f32 to vector<16xf32>
      %neg3A_71 = arith.subf %neg3A_70, %select_n3A_61 : vector<16xf32>
      %swap3A_72 = arith.index_cast %add3A_25 : i32 to index
      %swap3A_73 = tpu.vector_load %arg19[%swap3A_72] {strides = array<i32>} : memref<5120xf32, #tpu.memory_space<vmem>>, vector<16xf32>,
      tpu.vector_store %arg19[%swap3A_72], %neg3A_71 {strides = array<i32>} : memref<5120xf32, #tpu.memory_space<vmem>>, vector<16xf32>,
      %swap3A_74 = arith.index_cast %add3A_25 : i32 to index
      %swap3A_75 = tpu.vector_load %arg20[%swap3A_74] {strides = array<i32>} : memref<5120xf32, #tpu.memory_space<vmem>>, vector<16xf32>,
      tpu.vector_store %arg20[%swap3A_74], %mul3A_65 {strides = array<i32>} : memref<5120xf32, #tpu.memory_space<vmem>>, vector<16xf32>,
      %swap3A_76 = arith.index_cast %add3A_25 : i32 to index
      %swap3A_77 = tpu.vector_load %arg21[%swap3A_76] {strides = array<i32>} : memref<5120xf32, #tpu.memory_space<vmem>>, vector<16xf32>,
      tpu.vector_store %arg21[%swap3A_76], %mul3A_66 {strides = array<i32>} : memref<5120xf32, #tpu.memory_space<vmem>>, vector<16xf32>,
      %neg3A_78 = arith.constant 0.000000e+00 : f32
      %neg3A_79 = vector.broadcast %neg3A_78 : f32 to vector<16xf32>
      %neg3A_80 = arith.subf %neg3A_79, %mul3A_66 : vector<16xf32>
      %swap3A_81 = arith.index_cast %add3A_25 : i32 to index
      %swap3A_82 = tpu.vector_load %arg22[%swap3A_81] {strides = array<i32>} : memref<5120xf32, #tpu.memory_space<vmem>>, vector<16xf32>,
      tpu.vector_store %arg22[%swap3A_81], %neg3A_80 {strides = array<i32>} : memref<5120xf32, #tpu.memory_space<vmem>>, vector<16xf32>,
    }
    %scan3A_12 = arith.constant 320 : i32
    "tpu.region"() ({
      %run_scoped3A = tpu.sem_alloc : memref<!tpu.dma_semaphore, #tpu.memory_space<semaphore_mem>>
      %dma_start3A = tpu.memref_slice %arg7[%mul3A_8] : memref<327680xf32, #tpu.memory_space<hbm>> -> memref<5120xf32, #tpu.memory_space<hbm>>
      %dma_start3A_21 = tpu.memref_slice %arg7[%mul3A_8] : memref<327680xf32, #tpu.memory_space<hbm>> -> memref<5120xf32, #tpu.memory_space<hbm>>
      tpu.enqueue_dma source(%arg17 : memref<5120xf32, #tpu.memory_space<vmem>>) target(%dma_start3A_21 : memref<5120xf32, #tpu.memory_space<hbm>>) target_semaphore(%run_scoped3A : memref<!tpu.dma_semaphore, #tpu.memory_space<semaphore_mem>>)
      %dma_wait3A = tpu.memref_slice %arg7[%mul3A_8] : memref<327680xf32, #tpu.memory_space<hbm>> -> memref<5120xf32, #tpu.memory_space<hbm>>
      %dma_wait3A_22 = tpu.memref_slice %arg7[%mul3A_8] : memref<327680xf32, #tpu.memory_space<hbm>> -> memref<5120xf32, #tpu.memory_space<hbm>>
      tpu.wait_dma2 semaphore(%run_scoped3A : memref<!tpu.dma_semaphore, #tpu.memory_space<semaphore_mem>>) src(%arg17 : memref<5120xf32, #tpu.memory_space<vmem>>) dst(%dma_wait3A_22 : memref<5120xf32, #tpu.memory_space<hbm>>)
      tpu.yield
    }) : () -> ()
    %add3A_13 = arith.constant 163840 : i32
    %add3A_14 = arith.addi %add3A_13, %mul3A_8 : i32
    "tpu.region"() ({
      %run_scoped3A = tpu.sem_alloc : memref<!tpu.dma_semaphore, #tpu.memory_space<semaphore_mem>>
      %dma_start3A = tpu.memref_slice %arg7[%add3A_14] : memref<327680xf32, #tpu.memory_space<hbm>> -> memref<5120xf32, #tpu.memory_space<hbm>>
      %dma_start3A_21 = tpu.memref_slice %arg7[%add3A_14] : memref<327680xf32, #tpu.memory_space<hbm>> -> memref<5120xf32, #tpu.memory_space<hbm>>
      tpu.enqueue_dma source(%arg18 : memref<5120xf32, #tpu.memory_space<vmem>>) target(%dma_start3A_21 : memref<5120xf32, #tpu.memory_space<hbm>>) target_semaphore(%run_scoped3A : memref<!tpu.dma_semaphore, #tpu.memory_space<semaphore_mem>>)
      %dma_wait3A = tpu.memref_slice %arg7[%add3A_14] : memref<327680xf32, #tpu.memory_space<hbm>> -> memref<5120xf32, #tpu.memory_space<hbm>>
      %dma_wait3A_22 = tpu.memref_slice %arg7[%add3A_14] : memref<327680xf32, #tpu.memory_space<hbm>> -> memref<5120xf32, #tpu.memory_space<hbm>>
      tpu.wait_dma2 semaphore(%run_scoped3A : memref<!tpu.dma_semaphore, #tpu.memory_space<semaphore_mem>>) src(%arg18 : memref<5120xf32, #tpu.memory_space<vmem>>) dst(%dma_wait3A_22 : memref<5120xf32, #tpu.memory_space<hbm>>)
      tpu.yield
    }) : () -> ()
    "tpu.region"() ({
      %run_scoped3A = tpu.sem_alloc : memref<!tpu.dma_semaphore, #tpu.memory_space<semaphore_mem>>
      %dma_start3A = tpu.memref_slice %arg8[%mul3A_8] : memref<327680xf32, #tpu.memory_space<hbm>> -> memref<5120xf32, #tpu.memory_space<hbm>>
      %dma_start3A_21 = tpu.memref_slice %arg8[%mul3A_8] : memref<327680xf32, #tpu.memory_space<hbm>> -> memref<5120xf32, #tpu.memory_space<hbm>>
      tpu.enqueue_dma source(%arg19 : memref<5120xf32, #tpu.memory_space<vmem>>) target(%dma_start3A_21 : memref<5120xf32, #tpu.memory_space<hbm>>) target_semaphore(%run_scoped3A : memref<!tpu.dma_semaphore, #tpu.memory_space<semaphore_mem>>)
      %dma_wait3A = tpu.memref_slice %arg8[%mul3A_8] : memref<327680xf32, #tpu.memory_space<hbm>> -> memref<5120xf32, #tpu.memory_space<hbm>>
      %dma_wait3A_22 = tpu.memref_slice %arg8[%mul3A_8] : memref<327680xf32, #tpu.memory_space<hbm>> -> memref<5120xf32, #tpu.memory_space<hbm>>
      tpu.wait_dma2 semaphore(%run_scoped3A : memref<!tpu.dma_semaphore, #tpu.memory_space<semaphore_mem>>) src(%arg19 : memref<5120xf32, #tpu.memory_space<vmem>>) dst(%dma_wait3A_22 : memref<5120xf32, #tpu.memory_space<hbm>>)
      tpu.yield
    }) : () -> ()
    %add3A_15 = arith.constant 163840 : i32
    %add3A_16 = arith.addi %add3A_15, %mul3A_8 : i32
    "tpu.region"() ({
      %run_scoped3A = tpu.sem_alloc : memref<!tpu.dma_semaphore, #tpu.memory_space<semaphore_mem>>
      %dma_start3A = tpu.memref_slice %arg8[%add3A_16] : memref<327680xf32, #tpu.memory_space<hbm>> -> memref<5120xf32, #tpu.memory_space<hbm>>
      %dma_start3A_21 = tpu.memref_slice %arg8[%add3A_16] : memref<327680xf32, #tpu.memory_space<hbm>> -> memref<5120xf32, #tpu.memory_space<hbm>>
      tpu.enqueue_dma source(%arg17 : memref<5120xf32, #tpu.memory_space<vmem>>) target(%dma_start3A_21 : memref<5120xf32, #tpu.memory_space<hbm>>) target_semaphore(%run_scoped3A : memref<!tpu.dma_semaphore, #tpu.memory_space<semaphore_mem>>)
      %dma_wait3A = tpu.memref_slice %arg8[%add3A_16] : memref<327680xf32, #tpu.memory_space<hbm>> -> memref<5120xf32, #tpu.memory_space<hbm>>
      %dma_wait3A_22 = tpu.memref_slice %arg8[%add3A_16] : memref<327680xf32, #tpu.memory_space<hbm>> -> memref<5120xf32, #tpu.memory_space<hbm>>
      tpu.wait_dma2 semaphore(%run_scoped3A : memref<!tpu.dma_semaphore, #tpu.memory_space<semaphore_mem>>) src(%arg17 : memref<5120xf32, #tpu.memory_space<vmem>>) dst(%dma_wait3A_22 : memref<5120xf32, #tpu.memory_space<hbm>>)
      tpu.yield
    }) : () -> ()
    "tpu.region"() ({
      %run_scoped3A = tpu.sem_alloc : memref<!tpu.dma_semaphore, #tpu.memory_space<semaphore_mem>>
      %dma_start3A = tpu.memref_slice %arg9[%mul3A_8] : memref<327680xf32, #tpu.memory_space<hbm>> -> memref<5120xf32, #tpu.memory_space<hbm>>
      %dma_start3A_21 = tpu.memref_slice %arg9[%mul3A_8] : memref<327680xf32, #tpu.memory_space<hbm>> -> memref<5120xf32, #tpu.memory_space<hbm>>
      tpu.enqueue_dma source(%arg20 : memref<5120xf32, #tpu.memory_space<vmem>>) target(%dma_start3A_21 : memref<5120xf32, #tpu.memory_space<hbm>>) target_semaphore(%run_scoped3A : memref<!tpu.dma_semaphore, #tpu.memory_space<semaphore_mem>>)
      %dma_wait3A = tpu.memref_slice %arg9[%mul3A_8] : memref<327680xf32, #tpu.memory_space<hbm>> -> memref<5120xf32, #tpu.memory_space<hbm>>
      %dma_wait3A_22 = tpu.memref_slice %arg9[%mul3A_8] : memref<327680xf32, #tpu.memory_space<hbm>> -> memref<5120xf32, #tpu.memory_space<hbm>>
      tpu.wait_dma2 semaphore(%run_scoped3A : memref<!tpu.dma_semaphore, #tpu.memory_space<semaphore_mem>>) src(%arg20 : memref<5120xf32, #tpu.memory_space<vmem>>) dst(%dma_wait3A_22 : memref<5120xf32, #tpu.memory_space<hbm>>)
      tpu.yield
    }) : () -> ()
    %add3A_17 = arith.constant 163840 : i32
    %add3A_18 = arith.addi %add3A_17, %mul3A_8 : i32
    "tpu.region"() ({
      %run_scoped3A = tpu.sem_alloc : memref<!tpu.dma_semaphore, #tpu.memory_space<semaphore_mem>>
      %dma_start3A = tpu.memref_slice %arg9[%add3A_18] : memref<327680xf32, #tpu.memory_space<hbm>> -> memref<5120xf32, #tpu.memory_space<hbm>>
      %dma_start3A_21 = tpu.memref_slice %arg9[%add3A_18] : memref<327680xf32, #tpu.memory_space<hbm>> -> memref<5120xf32, #tpu.memory_space<hbm>>
      tpu.enqueue_dma source(%arg22 : memref<5120xf32, #tpu.memory_space<vmem>>) target(%dma_start3A_21 : memref<5120xf32, #tpu.memory_space<hbm>>) target_semaphore(%run_scoped3A : memref<!tpu.dma_semaphore, #tpu.memory_space<semaphore_mem>>)
      %dma_wait3A = tpu.memref_slice %arg9[%add3A_18] : memref<327680xf32, #tpu.memory_space<hbm>> -> memref<5120xf32, #tpu.memory_space<hbm>>
      %dma_wait3A_22 = tpu.memref_slice %arg9[%add3A_18] : memref<327680xf32, #tpu.memory_space<hbm>> -> memref<5120xf32, #tpu.memory_space<hbm>>
      tpu.wait_dma2 semaphore(%run_scoped3A : memref<!tpu.dma_semaphore, #tpu.memory_space<semaphore_mem>>) src(%arg22 : memref<5120xf32, #tpu.memory_space<vmem>>) dst(%dma_wait3A_22 : memref<5120xf32, #tpu.memory_space<hbm>>)
      tpu.yield
    }) : () -> ()
    "tpu.region"() ({
      %run_scoped3A = tpu.sem_alloc : memref<!tpu.dma_semaphore, #tpu.memory_space<semaphore_mem>>
      %dma_start3A = tpu.memref_slice %arg10[%mul3A_8] : memref<327680xf32, #tpu.memory_space<hbm>> -> memref<5120xf32, #tpu.memory_space<hbm>>
      %dma_start3A_21 = tpu.memref_slice %arg10[%mul3A_8] : memref<327680xf32, #tpu.memory_space<hbm>> -> memref<5120xf32, #tpu.memory_space<hbm>>
      tpu.enqueue_dma source(%arg21 : memref<5120xf32, #tpu.memory_space<vmem>>) target(%dma_start3A_21 : memref<5120xf32, #tpu.memory_space<hbm>>) target_semaphore(%run_scoped3A : memref<!tpu.dma_semaphore, #tpu.memory_space<semaphore_mem>>)
      %dma_wait3A = tpu.memref_slice %arg10[%mul3A_8] : memref<327680xf32, #tpu.memory_space<hbm>> -> memref<5120xf32, #tpu.memory_space<hbm>>
      %dma_wait3A_22 = tpu.memref_slice %arg10[%mul3A_8] : memref<327680xf32, #tpu.memory_space<hbm>> -> memref<5120xf32, #tpu.memory_space<hbm>>
      tpu.wait_dma2 semaphore(%run_scoped3A : memref<!tpu.dma_semaphore, #tpu.memory_space<semaphore_mem>>) src(%arg21 : memref<5120xf32, #tpu.memory_space<vmem>>) dst(%dma_wait3A_22 : memref<5120xf32, #tpu.memory_space<hbm>>)
      tpu.yield
    }) : () -> ()
    %add3A_19 = arith.constant 163840 : i32
    %add3A_20 = arith.addi %add3A_19, %mul3A_8 : i32
    "tpu.region"() ({
      %run_scoped3A = tpu.sem_alloc : memref<!tpu.dma_semaphore, #tpu.memory_space<semaphore_mem>>
      %dma_start3A = tpu.memref_slice %arg10[%add3A_20] : memref<327680xf32, #tpu.memory_space<hbm>> -> memref<5120xf32, #tpu.memory_space<hbm>>
      %dma_start3A_21 = tpu.memref_slice %arg10[%add3A_20] : memref<327680xf32, #tpu.memory_space<hbm>> -> memref<5120xf32, #tpu.memory_space<hbm>>
      tpu.enqueue_dma source(%arg20 : memref<5120xf32, #tpu.memory_space<vmem>>) target(%dma_start3A_21 : memref<5120xf32, #tpu.memory_space<hbm>>) target_semaphore(%run_scoped3A : memref<!tpu.dma_semaphore, #tpu.memory_space<semaphore_mem>>)
      %dma_wait3A = tpu.memref_slice %arg10[%add3A_20] : memref<327680xf32, #tpu.memory_space<hbm>> -> memref<5120xf32, #tpu.memory_space<hbm>>
      %dma_wait3A_22 = tpu.memref_slice %arg10[%add3A_20] : memref<327680xf32, #tpu.memory_space<hbm>> -> memref<5120xf32, #tpu.memory_space<hbm>>
      tpu.wait_dma2 semaphore(%run_scoped3A : memref<!tpu.dma_semaphore, #tpu.memory_space<semaphore_mem>>) src(%arg20 : memref<5120xf32, #tpu.memory_space<vmem>>) dst(%dma_wait3A_22 : memref<5120xf32, #tpu.memory_space<hbm>>)
      tpu.yield
    }) : () -> ()
    return
  }
}

#map = affine_map<(d0, d1) -> (0, 0)>
#map1 = affine_map<(d0, d1) -> (0, 0, 0)>
#map2 = affine_map<(d0, d1) -> (0)>
module attributes {stable_mosaic.version = 14 : i64} {
  func.func @_prop_body(%arg0: i32, %arg1: i32, %arg2: memref<10368x128xf32, #tpu.memory_space<hbm>>, %arg3: memref<10368x128xf32, #tpu.memory_space<hbm>>, %arg4: memref<16x80x128xi32, #tpu.memory_space<hbm>>, %arg5: memref<16x80x128xi32, #tpu.memory_space<hbm>>, %arg6: memref<327680xf32, #tpu.memory_space<hbm>>, %arg7: memref<327680xf32, #tpu.memory_space<hbm>>, %arg8: memref<10368x128xf32, #tpu.memory_space<hbm>>, %arg9: memref<10368x128xf32, #tpu.memory_space<hbm>>, %arg10: memref<80x128xi32, #tpu.memory_space<vmem>>, %arg11: memref<80x128xi32, #tpu.memory_space<vmem>>, %arg12: memref<10240xf32, #tpu.memory_space<vmem>>, %arg13: memref<10240xf32, #tpu.memory_space<vmem>>, %arg14: memref<128x128xf32, #tpu.memory_space<vmem>>, %arg15: memref<128x128xf32, #tpu.memory_space<vmem>>, %arg16: memref<128x128xf32, #tpu.memory_space<vmem>>, %arg17: memref<128xi32, #tpu.memory_space<vmem>>, %arg18: memref<72x128xf32, #tpu.memory_space<vmem>>, %arg19: memref<3464x128xf32, #tpu.memory_space<vmem_shared>>, %arg20: memref<327680x128xf32, #tpu.memory_space<hbm>>) attributes {dimension_semantics = [#tpu.dimension_semantics<core_parallel>, #tpu.dimension_semantics<subcore_parallel>], iteration_bounds = array<i64: 2, 16>, scalar_prefetch = 0 : i64, scratch_operands = 11 : i64, tpu.core_type = #tpu.core_type<sc_vector_subcore>, window_params = [{transform_indices = #map}, {transform_indices = #map}, {transform_indices = #map1}, {transform_indices = #map1}, {transform_indices = #map2}, {transform_indices = #map2}, {transform_indices = #map}, {transform_indices = #map}]} {
    "tpu.region"() ({
      %run_scoped3A = tpu.sem_alloc : memref<!tpu.dma_semaphore, #tpu.memory_space<semaphore_mem>>
      %dma_start3A = arith.constant 0 : i32
      %dma_start3A_91 = arith.constant 0 : i32
      %dma_start3A_92 = tpu.memref_slice %arg4[%arg1, %dma_start3A, %dma_start3A_91] : memref<16x80x128xi32, #tpu.memory_space<hbm>> -> memref<1x80x128xi32, #tpu.memory_space<hbm>>
      %dma_start3A_93 = tpu.memref_squeeze %dma_start3A_92 : memref<1x80x128xi32, #tpu.memory_space<hbm>> -> memref<80x128xi32, #tpu.memory_space<hbm>>
      %dma_start3A_94 = arith.constant 0 : i32
      %dma_start3A_95 = arith.constant 0 : i32
      %dma_start3A_96 = tpu.memref_slice %arg4[%arg1, %dma_start3A_94, %dma_start3A_95] : memref<16x80x128xi32, #tpu.memory_space<hbm>> -> memref<1x80x128xi32, #tpu.memory_space<hbm>>
      %dma_start3A_97 = tpu.memref_squeeze %dma_start3A_96 : memref<1x80x128xi32, #tpu.memory_space<hbm>> -> memref<80x128xi32, #tpu.memory_space<hbm>>
      tpu.enqueue_dma source(%dma_start3A_97 : memref<80x128xi32, #tpu.memory_space<hbm>>) target(%arg10 : memref<80x128xi32, #tpu.memory_space<vmem>>) target_semaphore(%run_scoped3A : memref<!tpu.dma_semaphore, #tpu.memory_space<semaphore_mem>>)
      %dma_wait3A = arith.constant 0 : i32
      %dma_wait3A_98 = arith.constant 0 : i32
      %dma_wait3A_99 = tpu.memref_slice %arg4[%arg1, %dma_wait3A, %dma_wait3A_98] : memref<16x80x128xi32, #tpu.memory_space<hbm>> -> memref<1x80x128xi32, #tpu.memory_space<hbm>>
      %dma_wait3A_100 = tpu.memref_squeeze %dma_wait3A_99 : memref<1x80x128xi32, #tpu.memory_space<hbm>> -> memref<80x128xi32, #tpu.memory_space<hbm>>
      %dma_wait3A_101 = arith.constant 0 : i32
      %dma_wait3A_102 = arith.constant 0 : i32
      %dma_wait3A_103 = tpu.memref_slice %arg4[%arg1, %dma_wait3A_101, %dma_wait3A_102] : memref<16x80x128xi32, #tpu.memory_space<hbm>> -> memref<1x80x128xi32, #tpu.memory_space<hbm>>
      %dma_wait3A_104 = tpu.memref_squeeze %dma_wait3A_103 : memref<1x80x128xi32, #tpu.memory_space<hbm>> -> memref<80x128xi32, #tpu.memory_space<hbm>>
      tpu.wait_dma2 semaphore(%run_scoped3A : memref<!tpu.dma_semaphore, #tpu.memory_space<semaphore_mem>>) src(%dma_wait3A_104 : memref<80x128xi32, #tpu.memory_space<hbm>>) dst(%arg10 : memref<80x128xi32, #tpu.memory_space<vmem>>)
      tpu.yield
    }) : () -> ()
    "tpu.region"() ({
      %run_scoped3A = tpu.sem_alloc : memref<!tpu.dma_semaphore, #tpu.memory_space<semaphore_mem>>
      %dma_start3A = arith.constant 0 : i32
      %dma_start3A_91 = arith.constant 0 : i32
      %dma_start3A_92 = tpu.memref_slice %arg5[%arg1, %dma_start3A, %dma_start3A_91] : memref<16x80x128xi32, #tpu.memory_space<hbm>> -> memref<1x80x128xi32, #tpu.memory_space<hbm>>
      %dma_start3A_93 = tpu.memref_squeeze %dma_start3A_92 : memref<1x80x128xi32, #tpu.memory_space<hbm>> -> memref<80x128xi32, #tpu.memory_space<hbm>>
      %dma_start3A_94 = arith.constant 0 : i32
      %dma_start3A_95 = arith.constant 0 : i32
      %dma_start3A_96 = tpu.memref_slice %arg5[%arg1, %dma_start3A_94, %dma_start3A_95] : memref<16x80x128xi32, #tpu.memory_space<hbm>> -> memref<1x80x128xi32, #tpu.memory_space<hbm>>
      %dma_start3A_97 = tpu.memref_squeeze %dma_start3A_96 : memref<1x80x128xi32, #tpu.memory_space<hbm>> -> memref<80x128xi32, #tpu.memory_space<hbm>>
      tpu.enqueue_dma source(%dma_start3A_97 : memref<80x128xi32, #tpu.memory_space<hbm>>) target(%arg11 : memref<80x128xi32, #tpu.memory_space<vmem>>) target_semaphore(%run_scoped3A : memref<!tpu.dma_semaphore, #tpu.memory_space<semaphore_mem>>)
      %dma_wait3A = arith.constant 0 : i32
      %dma_wait3A_98 = arith.constant 0 : i32
      %dma_wait3A_99 = tpu.memref_slice %arg5[%arg1, %dma_wait3A, %dma_wait3A_98] : memref<16x80x128xi32, #tpu.memory_space<hbm>> -> memref<1x80x128xi32, #tpu.memory_space<hbm>>
      %dma_wait3A_100 = tpu.memref_squeeze %dma_wait3A_99 : memref<1x80x128xi32, #tpu.memory_space<hbm>> -> memref<80x128xi32, #tpu.memory_space<hbm>>
      %dma_wait3A_101 = arith.constant 0 : i32
      %dma_wait3A_102 = arith.constant 0 : i32
      %dma_wait3A_103 = tpu.memref_slice %arg5[%arg1, %dma_wait3A_101, %dma_wait3A_102] : memref<16x80x128xi32, #tpu.memory_space<hbm>> -> memref<1x80x128xi32, #tpu.memory_space<hbm>>
      %dma_wait3A_104 = tpu.memref_squeeze %dma_wait3A_103 : memref<1x80x128xi32, #tpu.memory_space<hbm>> -> memref<80x128xi32, #tpu.memory_space<hbm>>
      tpu.wait_dma2 semaphore(%run_scoped3A : memref<!tpu.dma_semaphore, #tpu.memory_space<semaphore_mem>>) src(%dma_wait3A_104 : memref<80x128xi32, #tpu.memory_space<hbm>>) dst(%arg11 : memref<80x128xi32, #tpu.memory_space<vmem>>)
      tpu.yield
    }) : () -> ()
    %mul3A = arith.constant 163840 : i32
    %mul3A_0 = arith.muli %arg0, %mul3A : i32
    %mul3A_1 = arith.constant 10240 : i32
    %mul3A_2 = arith.muli %arg1, %mul3A_1 : i32
    %add3A = arith.addi %mul3A_0, %mul3A_2 : i32
    "tpu.region"() ({
      %run_scoped3A = tpu.sem_alloc : memref<!tpu.dma_semaphore, #tpu.memory_space<semaphore_mem>>
      %dma_start3A = tpu.memref_slice %arg6[%add3A] : memref<327680xf32, #tpu.memory_space<hbm>> -> memref<10240xf32, #tpu.memory_space<hbm>>
      %dma_start3A_91 = tpu.memref_slice %arg6[%add3A] : memref<327680xf32, #tpu.memory_space<hbm>> -> memref<10240xf32, #tpu.memory_space<hbm>>
      tpu.enqueue_dma source(%dma_start3A_91 : memref<10240xf32, #tpu.memory_space<hbm>>) target(%arg12 : memref<10240xf32, #tpu.memory_space<vmem>>) target_semaphore(%run_scoped3A : memref<!tpu.dma_semaphore, #tpu.memory_space<semaphore_mem>>)
      %dma_wait3A = tpu.memref_slice %arg6[%add3A] : memref<327680xf32, #tpu.memory_space<hbm>> -> memref<10240xf32, #tpu.memory_space<hbm>>
      %dma_wait3A_92 = tpu.memref_slice %arg6[%add3A] : memref<327680xf32, #tpu.memory_space<hbm>> -> memref<10240xf32, #tpu.memory_space<hbm>>
      tpu.wait_dma2 semaphore(%run_scoped3A : memref<!tpu.dma_semaphore, #tpu.memory_space<semaphore_mem>>) src(%dma_wait3A_92 : memref<10240xf32, #tpu.memory_space<hbm>>) dst(%arg12 : memref<10240xf32, #tpu.memory_space<vmem>>)
      tpu.yield
    }) : () -> ()
    "tpu.region"() ({
      %run_scoped3A = tpu.sem_alloc : memref<!tpu.dma_semaphore, #tpu.memory_space<semaphore_mem>>
      %dma_start3A = tpu.memref_slice %arg7[%add3A] : memref<327680xf32, #tpu.memory_space<hbm>> -> memref<10240xf32, #tpu.memory_space<hbm>>
      %dma_start3A_91 = tpu.memref_slice %arg7[%add3A] : memref<327680xf32, #tpu.memory_space<hbm>> -> memref<10240xf32, #tpu.memory_space<hbm>>
      tpu.enqueue_dma source(%dma_start3A_91 : memref<10240xf32, #tpu.memory_space<hbm>>) target(%arg13 : memref<10240xf32, #tpu.memory_space<vmem>>) target_semaphore(%run_scoped3A : memref<!tpu.dma_semaphore, #tpu.memory_space<semaphore_mem>>)
      %dma_wait3A = tpu.memref_slice %arg7[%add3A] : memref<327680xf32, #tpu.memory_space<hbm>> -> memref<10240xf32, #tpu.memory_space<hbm>>
      %dma_wait3A_92 = tpu.memref_slice %arg7[%add3A] : memref<327680xf32, #tpu.memory_space<hbm>> -> memref<10240xf32, #tpu.memory_space<hbm>>
      tpu.wait_dma2 semaphore(%run_scoped3A : memref<!tpu.dma_semaphore, #tpu.memory_space<semaphore_mem>>) src(%dma_wait3A_92 : memref<10240xf32, #tpu.memory_space<hbm>>) dst(%arg13 : memref<10240xf32, #tpu.memory_space<vmem>>)
      tpu.yield
    }) : () -> ()
    %broadcast_in_dim3A = arith.constant 0.000000e+00 : f32
    %broadcast_in_dim3A_3 = vector.broadcast %broadcast_in_dim3A : f32 to vector<16xf32>
    %scan3A = arith.constant 0 : i32
    %scan3A_4 = arith.constant 72 : i32
    %scan3A_5 = arith.addi %scan3A, %scan3A_4 : i32
    %scan3A_6 = arith.constant 1 : i32
    scf.for %scan3A_91 = %scan3A to %scan3A_5 step %scan3A_6  : i32 {
      %mul3A_92 = arith.constant 1 : i32
      %mul3A_93 = arith.muli %scan3A_91, %mul3A_92 : i32
      %add3A_94 = arith.constant 0 : i32
      %add3A_95 = arith.addi %add3A_94, %mul3A_93 : i32
      %swap3A = arith.index_cast %add3A_95 : i32 to index
      %swap3A_96 = arith.constant 0 : index
      %swap3A_97 = tpu.vector_load %arg18[%swap3A, %swap3A_96] {strides = array<i32>} : memref<72x128xf32, #tpu.memory_space<vmem>>, vector<16xf32>,
      tpu.vector_store %arg18[%swap3A, %swap3A_96], %broadcast_in_dim3A_3 {strides = array<i32>} : memref<72x128xf32, #tpu.memory_space<vmem>>, vector<16xf32>,
      %swap3A_98 = arith.index_cast %add3A_95 : i32 to index
      %swap3A_99 = arith.constant 16 : index
      %swap3A_100 = tpu.vector_load %arg18[%swap3A_98, %swap3A_99] {strides = array<i32>} : memref<72x128xf32, #tpu.memory_space<vmem>>, vector<16xf32>,
      tpu.vector_store %arg18[%swap3A_98, %swap3A_99], %broadcast_in_dim3A_3 {strides = array<i32>} : memref<72x128xf32, #tpu.memory_space<vmem>>, vector<16xf32>,
      %swap3A_101 = arith.index_cast %add3A_95 : i32 to index
      %swap3A_102 = arith.constant 32 : index
      %swap3A_103 = tpu.vector_load %arg18[%swap3A_101, %swap3A_102] {strides = array<i32>} : memref<72x128xf32, #tpu.memory_space<vmem>>, vector<16xf32>,
      tpu.vector_store %arg18[%swap3A_101, %swap3A_102], %broadcast_in_dim3A_3 {strides = array<i32>} : memref<72x128xf32, #tpu.memory_space<vmem>>, vector<16xf32>,
      %swap3A_104 = arith.index_cast %add3A_95 : i32 to index
      %swap3A_105 = arith.constant 48 : index
      %swap3A_106 = tpu.vector_load %arg18[%swap3A_104, %swap3A_105] {strides = array<i32>} : memref<72x128xf32, #tpu.memory_space<vmem>>, vector<16xf32>,
      tpu.vector_store %arg18[%swap3A_104, %swap3A_105], %broadcast_in_dim3A_3 {strides = array<i32>} : memref<72x128xf32, #tpu.memory_space<vmem>>, vector<16xf32>,
      %swap3A_107 = arith.index_cast %add3A_95 : i32 to index
      %swap3A_108 = arith.constant 64 : index
      %swap3A_109 = tpu.vector_load %arg18[%swap3A_107, %swap3A_108] {strides = array<i32>} : memref<72x128xf32, #tpu.memory_space<vmem>>, vector<16xf32>,
      tpu.vector_store %arg18[%swap3A_107, %swap3A_108], %broadcast_in_dim3A_3 {strides = array<i32>} : memref<72x128xf32, #tpu.memory_space<vmem>>, vector<16xf32>,
      %swap3A_110 = arith.index_cast %add3A_95 : i32 to index
      %swap3A_111 = arith.constant 80 : index
      %swap3A_112 = tpu.vector_load %arg18[%swap3A_110, %swap3A_111] {strides = array<i32>} : memref<72x128xf32, #tpu.memory_space<vmem>>, vector<16xf32>,
      tpu.vector_store %arg18[%swap3A_110, %swap3A_111], %broadcast_in_dim3A_3 {strides = array<i32>} : memref<72x128xf32, #tpu.memory_space<vmem>>, vector<16xf32>,
      %swap3A_113 = arith.index_cast %add3A_95 : i32 to index
      %swap3A_114 = arith.constant 96 : index
      %swap3A_115 = tpu.vector_load %arg18[%swap3A_113, %swap3A_114] {strides = array<i32>} : memref<72x128xf32, #tpu.memory_space<vmem>>, vector<16xf32>,
      tpu.vector_store %arg18[%swap3A_113, %swap3A_114], %broadcast_in_dim3A_3 {strides = array<i32>} : memref<72x128xf32, #tpu.memory_space<vmem>>, vector<16xf32>,
      %swap3A_116 = arith.index_cast %add3A_95 : i32 to index
      %swap3A_117 = arith.constant 112 : index
      %swap3A_118 = tpu.vector_load %arg18[%swap3A_116, %swap3A_117] {strides = array<i32>} : memref<72x128xf32, #tpu.memory_space<vmem>>, vector<16xf32>,
      tpu.vector_store %arg18[%swap3A_116, %swap3A_117], %broadcast_in_dim3A_3 {strides = array<i32>} : memref<72x128xf32, #tpu.memory_space<vmem>>, vector<16xf32>,
    }
    %scan3A_7 = arith.constant 72 : i32
    %mul3A_8 = arith.constant 216 : i32
    %mul3A_9 = arith.muli %arg1, %mul3A_8 : i32
    %add3A_10 = arith.constant 0 : i32
    %add3A_11 = arith.addi %mul3A_9, %add3A_10 : i32
    "tpu.region"() ({
      %run_scoped3A = tpu.sem_alloc : memref<!tpu.dma_semaphore, #tpu.memory_space<semaphore_mem>>
      %dma_start3A = arith.constant 0 : i32
      %dma_start3A_91 = tpu.memref_slice %arg19[%add3A_11, %dma_start3A] : memref<3464x128xf32, #tpu.memory_space<vmem_shared>> -> memref<72x128xf32, #tpu.memory_space<vmem_shared>>
      %dma_start3A_92 = arith.constant 0 : i32
      %dma_start3A_93 = tpu.memref_slice %arg19[%add3A_11, %dma_start3A_92] : memref<3464x128xf32, #tpu.memory_space<vmem_shared>> -> memref<72x128xf32, #tpu.memory_space<vmem_shared>>
      tpu.enqueue_dma source(%arg18 : memref<72x128xf32, #tpu.memory_space<vmem>>) target(%dma_start3A_93 : memref<72x128xf32, #tpu.memory_space<vmem_shared>>) target_semaphore(%run_scoped3A : memref<!tpu.dma_semaphore, #tpu.memory_space<semaphore_mem>>)
      %dma_wait3A = arith.constant 0 : i32
      %dma_wait3A_94 = tpu.memref_slice %arg19[%add3A_11, %dma_wait3A] : memref<3464x128xf32, #tpu.memory_space<vmem_shared>> -> memref<72x128xf32, #tpu.memory_space<vmem_shared>>
      %dma_wait3A_95 = arith.constant 0 : i32
      %dma_wait3A_96 = tpu.memref_slice %arg19[%add3A_11, %dma_wait3A_95] : memref<3464x128xf32, #tpu.memory_space<vmem_shared>> -> memref<72x128xf32, #tpu.memory_space<vmem_shared>>
      tpu.wait_dma2 semaphore(%run_scoped3A : memref<!tpu.dma_semaphore, #tpu.memory_space<semaphore_mem>>) src(%arg18 : memref<72x128xf32, #tpu.memory_space<vmem>>) dst(%dma_wait3A_96 : memref<72x128xf32, #tpu.memory_space<vmem_shared>>)
      tpu.yield
    }) : () -> ()
    %mul3A_12 = arith.constant 216 : i32
    %mul3A_13 = arith.muli %arg1, %mul3A_12 : i32
    %add3A_14 = arith.constant 72 : i32
    %add3A_15 = arith.addi %mul3A_13, %add3A_14 : i32
    "tpu.region"() ({
      %run_scoped3A = tpu.sem_alloc : memref<!tpu.dma_semaphore, #tpu.memory_space<semaphore_mem>>
      %dma_start3A = arith.constant 0 : i32
      %dma_start3A_91 = tpu.memref_slice %arg19[%add3A_15, %dma_start3A] : memref<3464x128xf32, #tpu.memory_space<vmem_shared>> -> memref<72x128xf32, #tpu.memory_space<vmem_shared>>
      %dma_start3A_92 = arith.constant 0 : i32
      %dma_start3A_93 = tpu.memref_slice %arg19[%add3A_15, %dma_start3A_92] : memref<3464x128xf32, #tpu.memory_space<vmem_shared>> -> memref<72x128xf32, #tpu.memory_space<vmem_shared>>
      tpu.enqueue_dma source(%arg18 : memref<72x128xf32, #tpu.memory_space<vmem>>) target(%dma_start3A_93 : memref<72x128xf32, #tpu.memory_space<vmem_shared>>) target_semaphore(%run_scoped3A : memref<!tpu.dma_semaphore, #tpu.memory_space<semaphore_mem>>)
      %dma_wait3A = arith.constant 0 : i32
      %dma_wait3A_94 = tpu.memref_slice %arg19[%add3A_15, %dma_wait3A] : memref<3464x128xf32, #tpu.memory_space<vmem_shared>> -> memref<72x128xf32, #tpu.memory_space<vmem_shared>>
      %dma_wait3A_95 = arith.constant 0 : i32
      %dma_wait3A_96 = tpu.memref_slice %arg19[%add3A_15, %dma_wait3A_95] : memref<3464x128xf32, #tpu.memory_space<vmem_shared>> -> memref<72x128xf32, #tpu.memory_space<vmem_shared>>
      tpu.wait_dma2 semaphore(%run_scoped3A : memref<!tpu.dma_semaphore, #tpu.memory_space<semaphore_mem>>) src(%arg18 : memref<72x128xf32, #tpu.memory_space<vmem>>) dst(%dma_wait3A_96 : memref<72x128xf32, #tpu.memory_space<vmem_shared>>)
      tpu.yield
    }) : () -> ()
    %mul3A_16 = arith.constant 216 : i32
    %mul3A_17 = arith.muli %arg1, %mul3A_16 : i32
    %add3A_18 = arith.constant 144 : i32
    %add3A_19 = arith.addi %mul3A_17, %add3A_18 : i32
    "tpu.region"() ({
      %run_scoped3A = tpu.sem_alloc : memref<!tpu.dma_semaphore, #tpu.memory_space<semaphore_mem>>
      %dma_start3A = arith.constant 0 : i32
      %dma_start3A_91 = tpu.memref_slice %arg19[%add3A_19, %dma_start3A] : memref<3464x128xf32, #tpu.memory_space<vmem_shared>> -> memref<72x128xf32, #tpu.memory_space<vmem_shared>>
      %dma_start3A_92 = arith.constant 0 : i32
      %dma_start3A_93 = tpu.memref_slice %arg19[%add3A_19, %dma_start3A_92] : memref<3464x128xf32, #tpu.memory_space<vmem_shared>> -> memref<72x128xf32, #tpu.memory_space<vmem_shared>>
      tpu.enqueue_dma source(%arg18 : memref<72x128xf32, #tpu.memory_space<vmem>>) target(%dma_start3A_93 : memref<72x128xf32, #tpu.memory_space<vmem_shared>>) target_semaphore(%run_scoped3A : memref<!tpu.dma_semaphore, #tpu.memory_space<semaphore_mem>>)
      %dma_wait3A = arith.constant 0 : i32
      %dma_wait3A_94 = tpu.memref_slice %arg19[%add3A_19, %dma_wait3A] : memref<3464x128xf32, #tpu.memory_space<vmem_shared>> -> memref<72x128xf32, #tpu.memory_space<vmem_shared>>
      %dma_wait3A_95 = arith.constant 0 : i32
      %dma_wait3A_96 = tpu.memref_slice %arg19[%add3A_19, %dma_wait3A_95] : memref<3464x128xf32, #tpu.memory_space<vmem_shared>> -> memref<72x128xf32, #tpu.memory_space<vmem_shared>>
      tpu.wait_dma2 semaphore(%run_scoped3A : memref<!tpu.dma_semaphore, #tpu.memory_space<semaphore_mem>>) src(%arg18 : memref<72x128xf32, #tpu.memory_space<vmem>>) dst(%dma_wait3A_96 : memref<72x128xf32, #tpu.memory_space<vmem_shared>>)
      tpu.yield
    }) : () -> ()
    %barrier3A = arith.constant 0 : index
    tpu.barrier barrier_id(%barrier3A)
    %scan3A_20 = arith.constant 0 : i32
    %scan3A_21 = arith.constant 80 : i32
    %scan3A_22 = arith.addi %scan3A_20, %scan3A_21 : i32
    %scan3A_23 = arith.constant 1 : i32
    scf.for %scan3A_91 = %scan3A_20 to %scan3A_22 step %scan3A_23  : i32 {
      %mul3A_92 = arith.constant 1 : i32
      %mul3A_93 = arith.muli %scan3A_91, %mul3A_92 : i32
      %add3A_94 = arith.constant 0 : i32
      %add3A_95 = arith.addi %add3A_94, %mul3A_93 : i32
      "tpu.region"() ({
        %run_scoped3A = tpu.sem_alloc : memref<!tpu.dma_semaphore, #tpu.memory_space<semaphore_mem>>
        %dma_start3A = arith.constant 0 : i32
        %dma_start3A_240 = tpu.memref_slice %arg10[%add3A_95, %dma_start3A] : memref<80x128xi32, #tpu.memory_space<vmem>> -> memref<1x128xi32, #tpu.memory_space<vmem>>
        %dma_start3A_241 = tpu.memref_squeeze %dma_start3A_240 : memref<1x128xi32, #tpu.memory_space<vmem>> -> memref<128xi32, #tpu.memory_space<vmem>>
        %dma_start3A_242 = arith.constant 0 : i32
        %dma_start3A_243 = arith.constant 0 : i32
        %dma_start3A_244 = tpu.memref_slice %arg2[%dma_start3A_242, %dma_start3A_243] : memref<10368x128xf32, #tpu.memory_space<hbm>> -> memref<10368x128xf32, #tpu.memory_space<hbm>>
        tpu.enqueue_indirect_dma source(%dma_start3A_244 : memref<10368x128xf32, #tpu.memory_space<hbm>>) target(%arg14 : memref<128x128xf32, #tpu.memory_space<vmem>>) offsets(%dma_start3A_241 : memref<128xi32, #tpu.memory_space<vmem>>) semaphore(%run_scoped3A : memref<!tpu.dma_semaphore, #tpu.memory_space<semaphore_mem>>)
        %dma_wait3A = arith.constant 0 : i32
        %dma_wait3A_245 = tpu.memref_slice %arg10[%add3A_95, %dma_wait3A] : memref<80x128xi32, #tpu.memory_space<vmem>> -> memref<1x128xi32, #tpu.memory_space<vmem>>
        %dma_wait3A_246 = tpu.memref_squeeze %dma_wait3A_245 : memref<1x128xi32, #tpu.memory_space<vmem>> -> memref<128xi32, #tpu.memory_space<vmem>>
        %dma_wait3A_247 = arith.constant 0 : i32
        %dma_wait3A_248 = arith.constant 0 : i32
        %dma_wait3A_249 = tpu.memref_slice %arg2[%dma_wait3A_247, %dma_wait3A_248] : memref<10368x128xf32, #tpu.memory_space<hbm>> -> memref<10368x128xf32, #tpu.memory_space<hbm>>
        tpu.wait_indirect_dma semaphore(%run_scoped3A : memref<!tpu.dma_semaphore, #tpu.memory_space<semaphore_mem>>) src(%dma_wait3A_249 : memref<10368x128xf32, #tpu.memory_space<hbm>>) dst(%arg14 : memref<128x128xf32, #tpu.memory_space<vmem>>)
        tpu.yield
      }) : () -> ()
      "tpu.region"() ({
        %run_scoped3A = tpu.sem_alloc : memref<!tpu.dma_semaphore, #tpu.memory_space<semaphore_mem>>
        %dma_start3A = arith.constant 0 : i32
        %dma_start3A_240 = tpu.memref_slice %arg10[%add3A_95, %dma_start3A] : memref<80x128xi32, #tpu.memory_space<vmem>> -> memref<1x128xi32, #tpu.memory_space<vmem>>
        %dma_start3A_241 = tpu.memref_squeeze %dma_start3A_240 : memref<1x128xi32, #tpu.memory_space<vmem>> -> memref<128xi32, #tpu.memory_space<vmem>>
        %dma_start3A_242 = arith.constant 0 : i32
        %dma_start3A_243 = arith.constant 0 : i32
        %dma_start3A_244 = tpu.memref_slice %arg3[%dma_start3A_242, %dma_start3A_243] : memref<10368x128xf32, #tpu.memory_space<hbm>> -> memref<10368x128xf32, #tpu.memory_space<hbm>>
        tpu.enqueue_indirect_dma source(%dma_start3A_244 : memref<10368x128xf32, #tpu.memory_space<hbm>>) target(%arg15 : memref<128x128xf32, #tpu.memory_space<vmem>>) offsets(%dma_start3A_241 : memref<128xi32, #tpu.memory_space<vmem>>) semaphore(%run_scoped3A : memref<!tpu.dma_semaphore, #tpu.memory_space<semaphore_mem>>)
        %dma_wait3A = arith.constant 0 : i32
        %dma_wait3A_245 = tpu.memref_slice %arg10[%add3A_95, %dma_wait3A] : memref<80x128xi32, #tpu.memory_space<vmem>> -> memref<1x128xi32, #tpu.memory_space<vmem>>
        %dma_wait3A_246 = tpu.memref_squeeze %dma_wait3A_245 : memref<1x128xi32, #tpu.memory_space<vmem>> -> memref<128xi32, #tpu.memory_space<vmem>>
        %dma_wait3A_247 = arith.constant 0 : i32
        %dma_wait3A_248 = arith.constant 0 : i32
        %dma_wait3A_249 = tpu.memref_slice %arg3[%dma_wait3A_247, %dma_wait3A_248] : memref<10368x128xf32, #tpu.memory_space<hbm>> -> memref<10368x128xf32, #tpu.memory_space<hbm>>
        tpu.wait_indirect_dma semaphore(%run_scoped3A : memref<!tpu.dma_semaphore, #tpu.memory_space<semaphore_mem>>) src(%dma_wait3A_249 : memref<10368x128xf32, #tpu.memory_space<hbm>>) dst(%arg15 : memref<128x128xf32, #tpu.memory_space<vmem>>)
        tpu.yield
      }) : () -> ()
      %scan3A_96 = arith.constant 0 : i32
      %scan3A_97 = arith.constant 128 : i32
      %scan3A_98 = arith.addi %scan3A_96, %scan3A_97 : i32
      %scan3A_99 = arith.constant 1 : i32
      scf.for %scan3A_240 = %scan3A_96 to %scan3A_98 step %scan3A_99  : i32 {
        %mul3A_241 = arith.constant 1 : i32
        %mul3A_242 = arith.muli %scan3A_240, %mul3A_241 : i32
        %add3A_243 = arith.constant 0 : i32
        %add3A_244 = arith.addi %add3A_243, %mul3A_242 : i32
        %mul3A_245 = arith.constant 128 : i32
        %mul3A_246 = arith.muli %add3A_95, %mul3A_245 : i32
        %add3A_247 = arith.addi %mul3A_246, %add3A_244 : i32
        %broadcast_in_dim3A_248 = vector.broadcast %add3A_247 : i32 to vector<16xi32>
        %gather3A = tpu.vector_load_idx %arg12[%broadcast_in_dim3A_248] : memref<10240xf32, #tpu.memory_space<vmem>>[vector<16xi32>], vector<16xf32>,
        %gather3A_249 = tpu.vector_load_idx %arg13[%broadcast_in_dim3A_248] : memref<10240xf32, #tpu.memory_space<vmem>>[vector<16xi32>], vector<16xf32>,
        %get3A_250 = arith.index_cast %add3A_244 : i32 to index
        %get3A_251 = arith.constant 0 : index
        %get3A_252 = tpu.vector_load %arg14[%get3A_250, %get3A_251] {strides = array<i32>} : memref<128x128xf32, #tpu.memory_space<vmem>>, vector<16xf32>,
        %mul3A_253 = arith.mulf %gather3A, %get3A_252 : vector<16xf32>
        %get3A_254 = arith.index_cast %add3A_244 : i32 to index
        %get3A_255 = arith.constant 0 : index
        %get3A_256 = tpu.vector_load %arg15[%get3A_254, %get3A_255] {strides = array<i32>} : memref<128x128xf32, #tpu.memory_space<vmem>>, vector<16xf32>,
        %mul3A_257 = arith.mulf %gather3A_249, %get3A_256 : vector<16xf32>
        %add3A_258 = arith.addf %mul3A_253, %mul3A_257 : vector<16xf32>
        %swap3A_259 = arith.index_cast %add3A_244 : i32 to index
        %swap3A_260 = arith.constant 0 : index
        %swap3A_261 = tpu.vector_load %arg16[%swap3A_259, %swap3A_260] {strides = array<i32>} : memref<128x128xf32, #tpu.memory_space<vmem>>, vector<16xf32>,
        tpu.vector_store %arg16[%swap3A_259, %swap3A_260], %add3A_258 {strides = array<i32>} : memref<128x128xf32, #tpu.memory_space<vmem>>, vector<16xf32>,
        %get3A_262 = arith.index_cast %add3A_244 : i32 to index
        %get3A_263 = arith.constant 16 : index
        %get3A_264 = tpu.vector_load %arg14[%get3A_262, %get3A_263] {strides = array<i32>} : memref<128x128xf32, #tpu.memory_space<vmem>>, vector<16xf32>,
        %mul3A_265 = arith.mulf %gather3A, %get3A_264 : vector<16xf32>
        %get3A_266 = arith.index_cast %add3A_244 : i32 to index
        %get3A_267 = arith.constant 16 : index
        %get3A_268 = tpu.vector_load %arg15[%get3A_266, %get3A_267] {strides = array<i32>} : memref<128x128xf32, #tpu.memory_space<vmem>>, vector<16xf32>,
        %mul3A_269 = arith.mulf %gather3A_249, %get3A_268 : vector<16xf32>
        %add3A_270 = arith.addf %mul3A_265, %mul3A_269 : vector<16xf32>
        %swap3A_271 = arith.index_cast %add3A_244 : i32 to index
        %swap3A_272 = arith.constant 16 : index
        %swap3A_273 = tpu.vector_load %arg16[%swap3A_271, %swap3A_272] {strides = array<i32>} : memref<128x128xf32, #tpu.memory_space<vmem>>, vector<16xf32>,
        tpu.vector_store %arg16[%swap3A_271, %swap3A_272], %add3A_270 {strides = array<i32>} : memref<128x128xf32, #tpu.memory_space<vmem>>, vector<16xf32>,
        %get3A_274 = arith.index_cast %add3A_244 : i32 to index
        %get3A_275 = arith.constant 32 : index
        %get3A_276 = tpu.vector_load %arg14[%get3A_274, %get3A_275] {strides = array<i32>} : memref<128x128xf32, #tpu.memory_space<vmem>>, vector<16xf32>,
        %mul3A_277 = arith.mulf %gather3A, %get3A_276 : vector<16xf32>
        %get3A_278 = arith.index_cast %add3A_244 : i32 to index
        %get3A_279 = arith.constant 32 : index
        %get3A_280 = tpu.vector_load %arg15[%get3A_278, %get3A_279] {strides = array<i32>} : memref<128x128xf32, #tpu.memory_space<vmem>>, vector<16xf32>,
        %mul3A_281 = arith.mulf %gather3A_249, %get3A_280 : vector<16xf32>
        %add3A_282 = arith.addf %mul3A_277, %mul3A_281 : vector<16xf32>
        %swap3A_283 = arith.index_cast %add3A_244 : i32 to index
        %swap3A_284 = arith.constant 32 : index
        %swap3A_285 = tpu.vector_load %arg16[%swap3A_283, %swap3A_284] {strides = array<i32>} : memref<128x128xf32, #tpu.memory_space<vmem>>, vector<16xf32>,
        tpu.vector_store %arg16[%swap3A_283, %swap3A_284], %add3A_282 {strides = array<i32>} : memref<128x128xf32, #tpu.memory_space<vmem>>, vector<16xf32>,
        %get3A_286 = arith.index_cast %add3A_244 : i32 to index
        %get3A_287 = arith.constant 48 : index
        %get3A_288 = tpu.vector_load %arg14[%get3A_286, %get3A_287] {strides = array<i32>} : memref<128x128xf32, #tpu.memory_space<vmem>>, vector<16xf32>,
        %mul3A_289 = arith.mulf %gather3A, %get3A_288 : vector<16xf32>
        %get3A_290 = arith.index_cast %add3A_244 : i32 to index
        %get3A_291 = arith.constant 48 : index
        %get3A_292 = tpu.vector_load %arg15[%get3A_290, %get3A_291] {strides = array<i32>} : memref<128x128xf32, #tpu.memory_space<vmem>>, vector<16xf32>,
        %mul3A_293 = arith.mulf %gather3A_249, %get3A_292 : vector<16xf32>
        %add3A_294 = arith.addf %mul3A_289, %mul3A_293 : vector<16xf32>
        %swap3A_295 = arith.index_cast %add3A_244 : i32 to index
        %swap3A_296 = arith.constant 48 : index
        %swap3A_297 = tpu.vector_load %arg16[%swap3A_295, %swap3A_296] {strides = array<i32>} : memref<128x128xf32, #tpu.memory_space<vmem>>, vector<16xf32>,
        tpu.vector_store %arg16[%swap3A_295, %swap3A_296], %add3A_294 {strides = array<i32>} : memref<128x128xf32, #tpu.memory_space<vmem>>, vector<16xf32>,
        %get3A_298 = arith.index_cast %add3A_244 : i32 to index
        %get3A_299 = arith.constant 64 : index
        %get3A_300 = tpu.vector_load %arg14[%get3A_298, %get3A_299] {strides = array<i32>} : memref<128x128xf32, #tpu.memory_space<vmem>>, vector<16xf32>,
        %mul3A_301 = arith.mulf %gather3A, %get3A_300 : vector<16xf32>
        %get3A_302 = arith.index_cast %add3A_244 : i32 to index
        %get3A_303 = arith.constant 64 : index
        %get3A_304 = tpu.vector_load %arg15[%get3A_302, %get3A_303] {strides = array<i32>} : memref<128x128xf32, #tpu.memory_space<vmem>>, vector<16xf32>,
        %mul3A_305 = arith.mulf %gather3A_249, %get3A_304 : vector<16xf32>
        %add3A_306 = arith.addf %mul3A_301, %mul3A_305 : vector<16xf32>
        %swap3A_307 = arith.index_cast %add3A_244 : i32 to index
        %swap3A_308 = arith.constant 64 : index
        %swap3A_309 = tpu.vector_load %arg16[%swap3A_307, %swap3A_308] {strides = array<i32>} : memref<128x128xf32, #tpu.memory_space<vmem>>, vector<16xf32>,
        tpu.vector_store %arg16[%swap3A_307, %swap3A_308], %add3A_306 {strides = array<i32>} : memref<128x128xf32, #tpu.memory_space<vmem>>, vector<16xf32>,
        %get3A_310 = arith.index_cast %add3A_244 : i32 to index
        %get3A_311 = arith.constant 80 : index
        %get3A_312 = tpu.vector_load %arg14[%get3A_310, %get3A_311] {strides = array<i32>} : memref<128x128xf32, #tpu.memory_space<vmem>>, vector<16xf32>,
        %mul3A_313 = arith.mulf %gather3A, %get3A_312 : vector<16xf32>
        %get3A_314 = arith.index_cast %add3A_244 : i32 to index
        %get3A_315 = arith.constant 80 : index
        %get3A_316 = tpu.vector_load %arg15[%get3A_314, %get3A_315] {strides = array<i32>} : memref<128x128xf32, #tpu.memory_space<vmem>>, vector<16xf32>,
        %mul3A_317 = arith.mulf %gather3A_249, %get3A_316 : vector<16xf32>
        %add3A_318 = arith.addf %mul3A_313, %mul3A_317 : vector<16xf32>
        %swap3A_319 = arith.index_cast %add3A_244 : i32 to index
        %swap3A_320 = arith.constant 80 : index
        %swap3A_321 = tpu.vector_load %arg16[%swap3A_319, %swap3A_320] {strides = array<i32>} : memref<128x128xf32, #tpu.memory_space<vmem>>, vector<16xf32>,
        tpu.vector_store %arg16[%swap3A_319, %swap3A_320], %add3A_318 {strides = array<i32>} : memref<128x128xf32, #tpu.memory_space<vmem>>, vector<16xf32>,
        %get3A_322 = arith.index_cast %add3A_244 : i32 to index
        %get3A_323 = arith.constant 96 : index
        %get3A_324 = tpu.vector_load %arg14[%get3A_322, %get3A_323] {strides = array<i32>} : memref<128x128xf32, #tpu.memory_space<vmem>>, vector<16xf32>,
        %mul3A_325 = arith.mulf %gather3A, %get3A_324 : vector<16xf32>
        %get3A_326 = arith.index_cast %add3A_244 : i32 to index
        %get3A_327 = arith.constant 96 : index
        %get3A_328 = tpu.vector_load %arg15[%get3A_326, %get3A_327] {strides = array<i32>} : memref<128x128xf32, #tpu.memory_space<vmem>>, vector<16xf32>,
        %mul3A_329 = arith.mulf %gather3A_249, %get3A_328 : vector<16xf32>
        %add3A_330 = arith.addf %mul3A_325, %mul3A_329 : vector<16xf32>
        %swap3A_331 = arith.index_cast %add3A_244 : i32 to index
        %swap3A_332 = arith.constant 96 : index
        %swap3A_333 = tpu.vector_load %arg16[%swap3A_331, %swap3A_332] {strides = array<i32>} : memref<128x128xf32, #tpu.memory_space<vmem>>, vector<16xf32>,
        tpu.vector_store %arg16[%swap3A_331, %swap3A_332], %add3A_330 {strides = array<i32>} : memref<128x128xf32, #tpu.memory_space<vmem>>, vector<16xf32>,
        %get3A_334 = arith.index_cast %add3A_244 : i32 to index
        %get3A_335 = arith.constant 112 : index
        %get3A_336 = tpu.vector_load %arg14[%get3A_334, %get3A_335] {strides = array<i32>} : memref<128x128xf32, #tpu.memory_space<vmem>>, vector<16xf32>,
        %mul3A_337 = arith.mulf %gather3A, %get3A_336 : vector<16xf32>
        %get3A_338 = arith.index_cast %add3A_244 : i32 to index
        %get3A_339 = arith.constant 112 : index
        %get3A_340 = tpu.vector_load %arg15[%get3A_338, %get3A_339] {strides = array<i32>} : memref<128x128xf32, #tpu.memory_space<vmem>>, vector<16xf32>,
        %mul3A_341 = arith.mulf %gather3A_249, %get3A_340 : vector<16xf32>
        %add3A_342 = arith.addf %mul3A_337, %mul3A_341 : vector<16xf32>
        %swap3A_343 = arith.index_cast %add3A_244 : i32 to index
        %swap3A_344 = arith.constant 112 : index
        %swap3A_345 = tpu.vector_load %arg16[%swap3A_343, %swap3A_344] {strides = array<i32>} : memref<128x128xf32, #tpu.memory_space<vmem>>, vector<16xf32>,
        tpu.vector_store %arg16[%swap3A_343, %swap3A_344], %add3A_342 {strides = array<i32>} : memref<128x128xf32, #tpu.memory_space<vmem>>, vector<16xf32>,
      }
      %scan3A_100 = arith.constant 128 : i32
      %mul3A_101 = arith.constant 128 : i32
      %mul3A_102 = arith.muli %add3A_95, %mul3A_101 : i32
      %add3A_103 = arith.addi %add3A, %mul3A_102 : i32
      "tpu.region"() ({
        %run_scoped3A = tpu.sem_alloc : memref<!tpu.dma_semaphore, #tpu.memory_space<semaphore_mem>>
        %dma_start3A = arith.constant 0 : i32
        %dma_start3A_240 = tpu.memref_slice %arg20[%add3A_103, %dma_start3A] : memref<327680x128xf32, #tpu.memory_space<hbm>> -> memref<128x128xf32, #tpu.memory_space<hbm>>
        %dma_start3A_241 = arith.constant 0 : i32
        %dma_start3A_242 = tpu.memref_slice %arg20[%add3A_103, %dma_start3A_241] : memref<327680x128xf32, #tpu.memory_space<hbm>> -> memref<128x128xf32, #tpu.memory_space<hbm>>
        tpu.enqueue_dma source(%arg16 : memref<128x128xf32, #tpu.memory_space<vmem>>) target(%dma_start3A_242 : memref<128x128xf32, #tpu.memory_space<hbm>>) target_semaphore(%run_scoped3A : memref<!tpu.dma_semaphore, #tpu.memory_space<semaphore_mem>>)
        %dma_wait3A = arith.constant 0 : i32
        %dma_wait3A_243 = tpu.memref_slice %arg20[%add3A_103, %dma_wait3A] : memref<327680x128xf32, #tpu.memory_space<hbm>> -> memref<128x128xf32, #tpu.memory_space<hbm>>
        %dma_wait3A_244 = arith.constant 0 : i32
        %dma_wait3A_245 = tpu.memref_slice %arg20[%add3A_103, %dma_wait3A_244] : memref<327680x128xf32, #tpu.memory_space<hbm>> -> memref<128x128xf32, #tpu.memory_space<hbm>>
        tpu.wait_dma2 semaphore(%run_scoped3A : memref<!tpu.dma_semaphore, #tpu.memory_space<semaphore_mem>>) src(%arg16 : memref<128x128xf32, #tpu.memory_space<vmem>>) dst(%dma_wait3A_245 : memref<128x128xf32, #tpu.memory_space<hbm>>)
        tpu.yield
      }) : () -> ()
      %get3A = arith.index_cast %add3A_95 : i32 to index
      %get3A_104 = arith.constant 0 : index
      %get3A_105 = tpu.vector_load %arg11[%get3A, %get3A_104] {strides = array<i32>} : memref<80x128xi32, #tpu.memory_space<vmem>>, vector<16xi32>,
      %ge3A = arith.constant 0 : i32
      %ge3A_106 = vector.broadcast %ge3A : i32 to vector<16xi32>
      %ge3A_107 = arith.cmpi sge, %get3A_105, %ge3A_106 : vector<16xi32>
      %lt3A = arith.constant 3456 : i32
      %lt3A_108 = vector.broadcast %lt3A : i32 to vector<16xi32>
      %lt3A_109 = arith.cmpi slt, %get3A_105, %lt3A_108 : vector<16xi32>
      %and3A = arith.andi %ge3A_107, %lt3A_109 : vector<16xi1>
      %sub3A = arith.constant 0 : i32
      %sub3A_110 = vector.broadcast %sub3A : i32 to vector<16xi32>
      %sub3A_111 = arith.subi %get3A_105, %sub3A_110 : vector<16xi32>
      %jit3A = arith.constant 3456 : i32
      %broadcast_in_dim3A_112 = vector.broadcast %jit3A : i32 to vector<16xi32>
      %select_n3A = arith.select %and3A, %sub3A_111, %broadcast_in_dim3A_112 : vector<16xi1>, vector<16xi32>
      %swap3A = arith.constant 0 : index
      %swap3A_113 = tpu.vector_load %arg17[%swap3A] {strides = array<i32>} : memref<128xi32, #tpu.memory_space<vmem>>, vector<16xi32>,
      tpu.vector_store %arg17[%swap3A], %select_n3A {strides = array<i32>} : memref<128xi32, #tpu.memory_space<vmem>>, vector<16xi32>,
      %get3A_114 = arith.index_cast %add3A_95 : i32 to index
      %get3A_115 = arith.constant 16 : index
      %get3A_116 = tpu.vector_load %arg11[%get3A_114, %get3A_115] {strides = array<i32>} : memref<80x128xi32, #tpu.memory_space<vmem>>, vector<16xi32>,
      %ge3A_117 = arith.constant 0 : i32
      %ge3A_118 = vector.broadcast %ge3A_117 : i32 to vector<16xi32>
      %ge3A_119 = arith.cmpi sge, %get3A_116, %ge3A_118 : vector<16xi32>
      %lt3A_120 = arith.constant 3456 : i32
      %lt3A_121 = vector.broadcast %lt3A_120 : i32 to vector<16xi32>
      %lt3A_122 = arith.cmpi slt, %get3A_116, %lt3A_121 : vector<16xi32>
      %and3A_123 = arith.andi %ge3A_119, %lt3A_122 : vector<16xi1>
      %sub3A_124 = arith.constant 0 : i32
      %sub3A_125 = vector.broadcast %sub3A_124 : i32 to vector<16xi32>
      %sub3A_126 = arith.subi %get3A_116, %sub3A_125 : vector<16xi32>
      %jit3A_127 = arith.constant 3456 : i32
      %broadcast_in_dim3A_128 = vector.broadcast %jit3A_127 : i32 to vector<16xi32>
      %select_n3A_129 = arith.select %and3A_123, %sub3A_126, %broadcast_in_dim3A_128 : vector<16xi1>, vector<16xi32>
      %swap3A_130 = arith.constant 16 : index
      %swap3A_131 = tpu.vector_load %arg17[%swap3A_130] {strides = array<i32>} : memref<128xi32, #tpu.memory_space<vmem>>, vector<16xi32>,
      tpu.vector_store %arg17[%swap3A_130], %select_n3A_129 {strides = array<i32>} : memref<128xi32, #tpu.memory_space<vmem>>, vector<16xi32>,
      %get3A_132 = arith.index_cast %add3A_95 : i32 to index
      %get3A_133 = arith.constant 32 : index
      %get3A_134 = tpu.vector_load %arg11[%get3A_132, %get3A_133] {strides = array<i32>} : memref<80x128xi32, #tpu.memory_space<vmem>>, vector<16xi32>,
      %ge3A_135 = arith.constant 0 : i32
      %ge3A_136 = vector.broadcast %ge3A_135 : i32 to vector<16xi32>
      %ge3A_137 = arith.cmpi sge, %get3A_134, %ge3A_136 : vector<16xi32>
      %lt3A_138 = arith.constant 3456 : i32
      %lt3A_139 = vector.broadcast %lt3A_138 : i32 to vector<16xi32>
      %lt3A_140 = arith.cmpi slt, %get3A_134, %lt3A_139 : vector<16xi32>
      %and3A_141 = arith.andi %ge3A_137, %lt3A_140 : vector<16xi1>
      %sub3A_142 = arith.constant 0 : i32
      %sub3A_143 = vector.broadcast %sub3A_142 : i32 to vector<16xi32>
      %sub3A_144 = arith.subi %get3A_134, %sub3A_143 : vector<16xi32>
      %jit3A_145 = arith.constant 3456 : i32
      %broadcast_in_dim3A_146 = vector.broadcast %jit3A_145 : i32 to vector<16xi32>
      %select_n3A_147 = arith.select %and3A_141, %sub3A_144, %broadcast_in_dim3A_146 : vector<16xi1>, vector<16xi32>
      %swap3A_148 = arith.constant 32 : index
      %swap3A_149 = tpu.vector_load %arg17[%swap3A_148] {strides = array<i32>} : memref<128xi32, #tpu.memory_space<vmem>>, vector<16xi32>,
      tpu.vector_store %arg17[%swap3A_148], %select_n3A_147 {strides = array<i32>} : memref<128xi32, #tpu.memory_space<vmem>>, vector<16xi32>,
      %get3A_150 = arith.index_cast %add3A_95 : i32 to index
      %get3A_151 = arith.constant 48 : index
      %get3A_152 = tpu.vector_load %arg11[%get3A_150, %get3A_151] {strides = array<i32>} : memref<80x128xi32, #tpu.memory_space<vmem>>, vector<16xi32>,
      %ge3A_153 = arith.constant 0 : i32
      %ge3A_154 = vector.broadcast %ge3A_153 : i32 to vector<16xi32>
      %ge3A_155 = arith.cmpi sge, %get3A_152, %ge3A_154 : vector<16xi32>
      %lt3A_156 = arith.constant 3456 : i32
      %lt3A_157 = vector.broadcast %lt3A_156 : i32 to vector<16xi32>
      %lt3A_158 = arith.cmpi slt, %get3A_152, %lt3A_157 : vector<16xi32>
      %and3A_159 = arith.andi %ge3A_155, %lt3A_158 : vector<16xi1>
      %sub3A_160 = arith.constant 0 : i32
      %sub3A_161 = vector.broadcast %sub3A_160 : i32 to vector<16xi32>
      %sub3A_162 = arith.subi %get3A_152, %sub3A_161 : vector<16xi32>
      %jit3A_163 = arith.constant 3456 : i32
      %broadcast_in_dim3A_164 = vector.broadcast %jit3A_163 : i32 to vector<16xi32>
      %select_n3A_165 = arith.select %and3A_159, %sub3A_162, %broadcast_in_dim3A_164 : vector<16xi1>, vector<16xi32>
      %swap3A_166 = arith.constant 48 : index
      %swap3A_167 = tpu.vector_load %arg17[%swap3A_166] {strides = array<i32>} : memref<128xi32, #tpu.memory_space<vmem>>, vector<16xi32>,
      tpu.vector_store %arg17[%swap3A_166], %select_n3A_165 {strides = array<i32>} : memref<128xi32, #tpu.memory_space<vmem>>, vector<16xi32>,
      %get3A_168 = arith.index_cast %add3A_95 : i32 to index
      %get3A_169 = arith.constant 64 : index
      %get3A_170 = tpu.vector_load %arg11[%get3A_168, %get3A_169] {strides = array<i32>} : memref<80x128xi32, #tpu.memory_space<vmem>>, vector<16xi32>,
      %ge3A_171 = arith.constant 0 : i32
      %ge3A_172 = vector.broadcast %ge3A_171 : i32 to vector<16xi32>
      %ge3A_173 = arith.cmpi sge, %get3A_170, %ge3A_172 : vector<16xi32>
      %lt3A_174 = arith.constant 3456 : i32
      %lt3A_175 = vector.broadcast %lt3A_174 : i32 to vector<16xi32>
      %lt3A_176 = arith.cmpi slt, %get3A_170, %lt3A_175 : vector<16xi32>
      %and3A_177 = arith.andi %ge3A_173, %lt3A_176 : vector<16xi1>
      %sub3A_178 = arith.constant 0 : i32
      %sub3A_179 = vector.broadcast %sub3A_178 : i32 to vector<16xi32>
      %sub3A_180 = arith.subi %get3A_170, %sub3A_179 : vector<16xi32>
      %jit3A_181 = arith.constant 3456 : i32
      %broadcast_in_dim3A_182 = vector.broadcast %jit3A_181 : i32 to vector<16xi32>
      %select_n3A_183 = arith.select %and3A_177, %sub3A_180, %broadcast_in_dim3A_182 : vector<16xi1>, vector<16xi32>
      %swap3A_184 = arith.constant 64 : index
      %swap3A_185 = tpu.vector_load %arg17[%swap3A_184] {strides = array<i32>} : memref<128xi32, #tpu.memory_space<vmem>>, vector<16xi32>,
      tpu.vector_store %arg17[%swap3A_184], %select_n3A_183 {strides = array<i32>} : memref<128xi32, #tpu.memory_space<vmem>>, vector<16xi32>,
      %get3A_186 = arith.index_cast %add3A_95 : i32 to index
      %get3A_187 = arith.constant 80 : index
      %get3A_188 = tpu.vector_load %arg11[%get3A_186, %get3A_187] {strides = array<i32>} : memref<80x128xi32, #tpu.memory_space<vmem>>, vector<16xi32>,
      %ge3A_189 = arith.constant 0 : i32
      %ge3A_190 = vector.broadcast %ge3A_189 : i32 to vector<16xi32>
      %ge3A_191 = arith.cmpi sge, %get3A_188, %ge3A_190 : vector<16xi32>
      %lt3A_192 = arith.constant 3456 : i32
      %lt3A_193 = vector.broadcast %lt3A_192 : i32 to vector<16xi32>
      %lt3A_194 = arith.cmpi slt, %get3A_188, %lt3A_193 : vector<16xi32>
      %and3A_195 = arith.andi %ge3A_191, %lt3A_194 : vector<16xi1>
      %sub3A_196 = arith.constant 0 : i32
      %sub3A_197 = vector.broadcast %sub3A_196 : i32 to vector<16xi32>
      %sub3A_198 = arith.subi %get3A_188, %sub3A_197 : vector<16xi32>
      %jit3A_199 = arith.constant 3456 : i32
      %broadcast_in_dim3A_200 = vector.broadcast %jit3A_199 : i32 to vector<16xi32>
      %select_n3A_201 = arith.select %and3A_195, %sub3A_198, %broadcast_in_dim3A_200 : vector<16xi1>, vector<16xi32>
      %swap3A_202 = arith.constant 80 : index
      %swap3A_203 = tpu.vector_load %arg17[%swap3A_202] {strides = array<i32>} : memref<128xi32, #tpu.memory_space<vmem>>, vector<16xi32>,
      tpu.vector_store %arg17[%swap3A_202], %select_n3A_201 {strides = array<i32>} : memref<128xi32, #tpu.memory_space<vmem>>, vector<16xi32>,
      %get3A_204 = arith.index_cast %add3A_95 : i32 to index
      %get3A_205 = arith.constant 96 : index
      %get3A_206 = tpu.vector_load %arg11[%get3A_204, %get3A_205] {strides = array<i32>} : memref<80x128xi32, #tpu.memory_space<vmem>>, vector<16xi32>,
      %ge3A_207 = arith.constant 0 : i32
      %ge3A_208 = vector.broadcast %ge3A_207 : i32 to vector<16xi32>
      %ge3A_209 = arith.cmpi sge, %get3A_206, %ge3A_208 : vector<16xi32>
      %lt3A_210 = arith.constant 3456 : i32
      %lt3A_211 = vector.broadcast %lt3A_210 : i32 to vector<16xi32>
      %lt3A_212 = arith.cmpi slt, %get3A_206, %lt3A_211 : vector<16xi32>
      %and3A_213 = arith.andi %ge3A_209, %lt3A_212 : vector<16xi1>
      %sub3A_214 = arith.constant 0 : i32
      %sub3A_215 = vector.broadcast %sub3A_214 : i32 to vector<16xi32>
      %sub3A_216 = arith.subi %get3A_206, %sub3A_215 : vector<16xi32>
      %jit3A_217 = arith.constant 3456 : i32
      %broadcast_in_dim3A_218 = vector.broadcast %jit3A_217 : i32 to vector<16xi32>
      %select_n3A_219 = arith.select %and3A_213, %sub3A_216, %broadcast_in_dim3A_218 : vector<16xi1>, vector<16xi32>
      %swap3A_220 = arith.constant 96 : index
      %swap3A_221 = tpu.vector_load %arg17[%swap3A_220] {strides = array<i32>} : memref<128xi32, #tpu.memory_space<vmem>>, vector<16xi32>,
      tpu.vector_store %arg17[%swap3A_220], %select_n3A_219 {strides = array<i32>} : memref<128xi32, #tpu.memory_space<vmem>>, vector<16xi32>,
      %get3A_222 = arith.index_cast %add3A_95 : i32 to index
      %get3A_223 = arith.constant 112 : index
      %get3A_224 = tpu.vector_load %arg11[%get3A_222, %get3A_223] {strides = array<i32>} : memref<80x128xi32, #tpu.memory_space<vmem>>, vector<16xi32>,
      %ge3A_225 = arith.constant 0 : i32
      %ge3A_226 = vector.broadcast %ge3A_225 : i32 to vector<16xi32>
      %ge3A_227 = arith.cmpi sge, %get3A_224, %ge3A_226 : vector<16xi32>
      %lt3A_228 = arith.constant 3456 : i32
      %lt3A_229 = vector.broadcast %lt3A_228 : i32 to vector<16xi32>
      %lt3A_230 = arith.cmpi slt, %get3A_224, %lt3A_229 : vector<16xi32>
      %and3A_231 = arith.andi %ge3A_227, %lt3A_230 : vector<16xi1>
      %sub3A_232 = arith.constant 0 : i32
      %sub3A_233 = vector.broadcast %sub3A_232 : i32 to vector<16xi32>
      %sub3A_234 = arith.subi %get3A_224, %sub3A_233 : vector<16xi32>
      %jit3A_235 = arith.constant 3456 : i32
      %broadcast_in_dim3A_236 = vector.broadcast %jit3A_235 : i32 to vector<16xi32>
      %select_n3A_237 = arith.select %and3A_231, %sub3A_234, %broadcast_in_dim3A_236 : vector<16xi1>, vector<16xi32>
      %swap3A_238 = arith.constant 112 : index
      %swap3A_239 = tpu.vector_load %arg17[%swap3A_238] {strides = array<i32>} : memref<128xi32, #tpu.memory_space<vmem>>, vector<16xi32>,
      tpu.vector_store %arg17[%swap3A_238], %select_n3A_237 {strides = array<i32>} : memref<128xi32, #tpu.memory_space<vmem>>, vector<16xi32>,
      "tpu.region"() ({
        %run_scoped3A = tpu.sem_alloc : memref<!tpu.dma_semaphore, #tpu.memory_space<semaphore_mem>>
        %dma_start3A = arith.constant 0 : i32
        %dma_start3A_240 = arith.constant 0 : i32
        %dma_start3A_241 = tpu.memref_slice %arg19[%dma_start3A, %dma_start3A_240] : memref<3464x128xf32, #tpu.memory_space<vmem_shared>> -> memref<3464x128xf32, #tpu.memory_space<vmem_shared>>
        tpu.enqueue_indirect_dma source(%arg16 : memref<128x128xf32, #tpu.memory_space<vmem>>) target(%dma_start3A_241 : memref<3464x128xf32, #tpu.memory_space<vmem_shared>>) offsets(%arg17 : memref<128xi32, #tpu.memory_space<vmem>>) semaphore(%run_scoped3A : memref<!tpu.dma_semaphore, #tpu.memory_space<semaphore_mem>>) {add = true}
        %dma_wait3A = arith.constant 0 : i32
        %dma_wait3A_242 = arith.constant 0 : i32
        %dma_wait3A_243 = tpu.memref_slice %arg19[%dma_wait3A, %dma_wait3A_242] : memref<3464x128xf32, #tpu.memory_space<vmem_shared>> -> memref<3464x128xf32, #tpu.memory_space<vmem_shared>>
        tpu.wait_indirect_dma semaphore(%run_scoped3A : memref<!tpu.dma_semaphore, #tpu.memory_space<semaphore_mem>>) src(%arg16 : memref<128x128xf32, #tpu.memory_space<vmem>>) dst(%dma_wait3A_243 : memref<3464x128xf32, #tpu.memory_space<vmem_shared>>)
        tpu.yield
      }) : () -> ()
    }
    %scan3A_24 = arith.constant 80 : i32
    %barrier3A_25 = arith.constant 0 : index
    tpu.barrier barrier_id(%barrier3A_25)
    %eq3A = arith.constant 0 : i32
    %eq3A_26 = arith.cmpi eq, %arg0, %eq3A : i32
    %convert_element_type3A = arith.extui %eq3A_26 : i1 to i32
    %cond3A = arith.constant 0 : i32
    %cond3A_27 = arith.cmpi ne, %convert_element_type3A, %cond3A : i32
    scf.if %cond3A_27 {
      %mul3A_91 = arith.constant 216 : i32
      %mul3A_92 = arith.muli %arg1, %mul3A_91 : i32
      %mul3A_93 = arith.constant 216 : i32
      %mul3A_94 = arith.muli %arg1, %mul3A_93 : i32
      %add3A_95 = arith.constant 0 : i32
      %add3A_96 = arith.addi %add3A_95, %mul3A_94 : i32
      "tpu.region"() ({
        %run_scoped3A = tpu.sem_alloc : memref<!tpu.dma_semaphore, #tpu.memory_space<semaphore_mem>>
        %dma_start3A = arith.constant 0 : i32
        %dma_start3A_97 = tpu.memref_slice %arg8[%add3A_96, %dma_start3A] : memref<10368x128xf32, #tpu.memory_space<hbm>> -> memref<216x128xf32, #tpu.memory_space<hbm>>
        %dma_start3A_98 = arith.constant 0 : i32
        %dma_start3A_99 = tpu.memref_slice %arg19[%mul3A_92, %dma_start3A_98] : memref<3464x128xf32, #tpu.memory_space<vmem_shared>> -> memref<216x128xf32, #tpu.memory_space<vmem_shared>>
        tpu.enqueue_dma source(%dma_start3A_99 : memref<216x128xf32, #tpu.memory_space<vmem_shared>>) target(%dma_start3A_97 : memref<216x128xf32, #tpu.memory_space<hbm>>) target_semaphore(%run_scoped3A : memref<!tpu.dma_semaphore, #tpu.memory_space<semaphore_mem>>)
        %dma_wait3A = arith.constant 0 : i32
        %dma_wait3A_100 = tpu.memref_slice %arg8[%add3A_96, %dma_wait3A] : memref<10368x128xf32, #tpu.memory_space<hbm>> -> memref<216x128xf32, #tpu.memory_space<hbm>>
        %dma_wait3A_101 = arith.constant 0 : i32
        %dma_wait3A_102 = tpu.memref_slice %arg19[%mul3A_92, %dma_wait3A_101] : memref<3464x128xf32, #tpu.memory_space<vmem_shared>> -> memref<216x128xf32, #tpu.memory_space<vmem_shared>>
        tpu.wait_dma2 semaphore(%run_scoped3A : memref<!tpu.dma_semaphore, #tpu.memory_space<semaphore_mem>>) src(%dma_wait3A_102 : memref<216x128xf32, #tpu.memory_space<vmem_shared>>) dst(%dma_wait3A_100 : memref<216x128xf32, #tpu.memory_space<hbm>>)
        tpu.yield
      }) : () -> ()
    } else {
    }
    %eq3A_28 = arith.constant 1 : i32
    %eq3A_29 = arith.cmpi eq, %arg0, %eq3A_28 : i32
    %convert_element_type3A_30 = arith.extui %eq3A_29 : i1 to i32
    %cond3A_31 = arith.constant 0 : i32
    %cond3A_32 = arith.cmpi ne, %convert_element_type3A_30, %cond3A_31 : i32
    scf.if %cond3A_32 {
      %mul3A_91 = arith.constant 216 : i32
      %mul3A_92 = arith.muli %arg1, %mul3A_91 : i32
      %mul3A_93 = arith.constant 216 : i32
      %mul3A_94 = arith.muli %arg1, %mul3A_93 : i32
      %add3A_95 = arith.constant 0 : i32
      %add3A_96 = arith.addi %add3A_95, %mul3A_94 : i32
      "tpu.region"() ({
        %run_scoped3A = tpu.sem_alloc : memref<!tpu.dma_semaphore, #tpu.memory_space<semaphore_mem>>
        %dma_start3A = arith.constant 0 : i32
        %dma_start3A_97 = tpu.memref_slice %arg9[%add3A_96, %dma_start3A] : memref<10368x128xf32, #tpu.memory_space<hbm>> -> memref<216x128xf32, #tpu.memory_space<hbm>>
        %dma_start3A_98 = arith.constant 0 : i32
        %dma_start3A_99 = tpu.memref_slice %arg19[%mul3A_92, %dma_start3A_98] : memref<3464x128xf32, #tpu.memory_space<vmem_shared>> -> memref<216x128xf32, #tpu.memory_space<vmem_shared>>
        tpu.enqueue_dma source(%dma_start3A_99 : memref<216x128xf32, #tpu.memory_space<vmem_shared>>) target(%dma_start3A_97 : memref<216x128xf32, #tpu.memory_space<hbm>>) target_semaphore(%run_scoped3A : memref<!tpu.dma_semaphore, #tpu.memory_space<semaphore_mem>>)
        %dma_wait3A = arith.constant 0 : i32
        %dma_wait3A_100 = tpu.memref_slice %arg9[%add3A_96, %dma_wait3A] : memref<10368x128xf32, #tpu.memory_space<hbm>> -> memref<216x128xf32, #tpu.memory_space<hbm>>
        %dma_wait3A_101 = arith.constant 0 : i32
        %dma_wait3A_102 = tpu.memref_slice %arg19[%mul3A_92, %dma_wait3A_101] : memref<3464x128xf32, #tpu.memory_space<vmem_shared>> -> memref<216x128xf32, #tpu.memory_space<vmem_shared>>
        tpu.wait_dma2 semaphore(%run_scoped3A : memref<!tpu.dma_semaphore, #tpu.memory_space<semaphore_mem>>) src(%dma_wait3A_102 : memref<216x128xf32, #tpu.memory_space<vmem_shared>>) dst(%dma_wait3A_100 : memref<216x128xf32, #tpu.memory_space<hbm>>)
        tpu.yield
      }) : () -> ()
    } else {
    }
    %mul3A_33 = arith.constant 216 : i32
    %mul3A_34 = arith.muli %arg1, %mul3A_33 : i32
    %add3A_35 = arith.constant 0 : i32
    %add3A_36 = arith.addi %mul3A_34, %add3A_35 : i32
    "tpu.region"() ({
      %run_scoped3A = tpu.sem_alloc : memref<!tpu.dma_semaphore, #tpu.memory_space<semaphore_mem>>
      %dma_start3A = arith.constant 0 : i32
      %dma_start3A_91 = tpu.memref_slice %arg19[%add3A_36, %dma_start3A] : memref<3464x128xf32, #tpu.memory_space<vmem_shared>> -> memref<72x128xf32, #tpu.memory_space<vmem_shared>>
      %dma_start3A_92 = arith.constant 0 : i32
      %dma_start3A_93 = tpu.memref_slice %arg19[%add3A_36, %dma_start3A_92] : memref<3464x128xf32, #tpu.memory_space<vmem_shared>> -> memref<72x128xf32, #tpu.memory_space<vmem_shared>>
      tpu.enqueue_dma source(%arg18 : memref<72x128xf32, #tpu.memory_space<vmem>>) target(%dma_start3A_93 : memref<72x128xf32, #tpu.memory_space<vmem_shared>>) target_semaphore(%run_scoped3A : memref<!tpu.dma_semaphore, #tpu.memory_space<semaphore_mem>>)
      %dma_wait3A = arith.constant 0 : i32
      %dma_wait3A_94 = tpu.memref_slice %arg19[%add3A_36, %dma_wait3A] : memref<3464x128xf32, #tpu.memory_space<vmem_shared>> -> memref<72x128xf32, #tpu.memory_space<vmem_shared>>
      %dma_wait3A_95 = arith.constant 0 : i32
      %dma_wait3A_96 = tpu.memref_slice %arg19[%add3A_36, %dma_wait3A_95] : memref<3464x128xf32, #tpu.memory_space<vmem_shared>> -> memref<72x128xf32, #tpu.memory_space<vmem_shared>>
      tpu.wait_dma2 semaphore(%run_scoped3A : memref<!tpu.dma_semaphore, #tpu.memory_space<semaphore_mem>>) src(%arg18 : memref<72x128xf32, #tpu.memory_space<vmem>>) dst(%dma_wait3A_96 : memref<72x128xf32, #tpu.memory_space<vmem_shared>>)
      tpu.yield
    }) : () -> ()
    %mul3A_37 = arith.constant 216 : i32
    %mul3A_38 = arith.muli %arg1, %mul3A_37 : i32
    %add3A_39 = arith.constant 72 : i32
    %add3A_40 = arith.addi %mul3A_38, %add3A_39 : i32
    "tpu.region"() ({
      %run_scoped3A = tpu.sem_alloc : memref<!tpu.dma_semaphore, #tpu.memory_space<semaphore_mem>>
      %dma_start3A = arith.constant 0 : i32
      %dma_start3A_91 = tpu.memref_slice %arg19[%add3A_40, %dma_start3A] : memref<3464x128xf32, #tpu.memory_space<vmem_shared>> -> memref<72x128xf32, #tpu.memory_space<vmem_shared>>
      %dma_start3A_92 = arith.constant 0 : i32
      %dma_start3A_93 = tpu.memref_slice %arg19[%add3A_40, %dma_start3A_92] : memref<3464x128xf32, #tpu.memory_space<vmem_shared>> -> memref<72x128xf32, #tpu.memory_space<vmem_shared>>
      tpu.enqueue_dma source(%arg18 : memref<72x128xf32, #tpu.memory_space<vmem>>) target(%dma_start3A_93 : memref<72x128xf32, #tpu.memory_space<vmem_shared>>) target_semaphore(%run_scoped3A : memref<!tpu.dma_semaphore, #tpu.memory_space<semaphore_mem>>)
      %dma_wait3A = arith.constant 0 : i32
      %dma_wait3A_94 = tpu.memref_slice %arg19[%add3A_40, %dma_wait3A] : memref<3464x128xf32, #tpu.memory_space<vmem_shared>> -> memref<72x128xf32, #tpu.memory_space<vmem_shared>>
      %dma_wait3A_95 = arith.constant 0 : i32
      %dma_wait3A_96 = tpu.memref_slice %arg19[%add3A_40, %dma_wait3A_95] : memref<3464x128xf32, #tpu.memory_space<vmem_shared>> -> memref<72x128xf32, #tpu.memory_space<vmem_shared>>
      tpu.wait_dma2 semaphore(%run_scoped3A : memref<!tpu.dma_semaphore, #tpu.memory_space<semaphore_mem>>) src(%arg18 : memref<72x128xf32, #tpu.memory_space<vmem>>) dst(%dma_wait3A_96 : memref<72x128xf32, #tpu.memory_space<vmem_shared>>)
      tpu.yield
    }) : () -> ()
    %mul3A_41 = arith.constant 216 : i32
    %mul3A_42 = arith.muli %arg1, %mul3A_41 : i32
    %add3A_43 = arith.constant 144 : i32
    %add3A_44 = arith.addi %mul3A_42, %add3A_43 : i32
    "tpu.region"() ({
      %run_scoped3A = tpu.sem_alloc : memref<!tpu.dma_semaphore, #tpu.memory_space<semaphore_mem>>
      %dma_start3A = arith.constant 0 : i32
      %dma_start3A_91 = tpu.memref_slice %arg19[%add3A_44, %dma_start3A] : memref<3464x128xf32, #tpu.memory_space<vmem_shared>> -> memref<72x128xf32, #tpu.memory_space<vmem_shared>>
      %dma_start3A_92 = arith.constant 0 : i32
      %dma_start3A_93 = tpu.memref_slice %arg19[%add3A_44, %dma_start3A_92] : memref<3464x128xf32, #tpu.memory_space<vmem_shared>> -> memref<72x128xf32, #tpu.memory_space<vmem_shared>>
      tpu.enqueue_dma source(%arg18 : memref<72x128xf32, #tpu.memory_space<vmem>>) target(%dma_start3A_93 : memref<72x128xf32, #tpu.memory_space<vmem_shared>>) target_semaphore(%run_scoped3A : memref<!tpu.dma_semaphore, #tpu.memory_space<semaphore_mem>>)
      %dma_wait3A = arith.constant 0 : i32
      %dma_wait3A_94 = tpu.memref_slice %arg19[%add3A_44, %dma_wait3A] : memref<3464x128xf32, #tpu.memory_space<vmem_shared>> -> memref<72x128xf32, #tpu.memory_space<vmem_shared>>
      %dma_wait3A_95 = arith.constant 0 : i32
      %dma_wait3A_96 = tpu.memref_slice %arg19[%add3A_44, %dma_wait3A_95] : memref<3464x128xf32, #tpu.memory_space<vmem_shared>> -> memref<72x128xf32, #tpu.memory_space<vmem_shared>>
      tpu.wait_dma2 semaphore(%run_scoped3A : memref<!tpu.dma_semaphore, #tpu.memory_space<semaphore_mem>>) src(%arg18 : memref<72x128xf32, #tpu.memory_space<vmem>>) dst(%dma_wait3A_96 : memref<72x128xf32, #tpu.memory_space<vmem_shared>>)
      tpu.yield
    }) : () -> ()
    %barrier3A_45 = arith.constant 0 : index
    tpu.barrier barrier_id(%barrier3A_45)
    %scan3A_46 = arith.constant 0 : i32
    %scan3A_47 = arith.constant 80 : i32
    %scan3A_48 = arith.addi %scan3A_46, %scan3A_47 : i32
    %scan3A_49 = arith.constant 1 : i32
    scf.for %scan3A_91 = %scan3A_46 to %scan3A_48 step %scan3A_49  : i32 {
      %mul3A_92 = arith.constant 1 : i32
      %mul3A_93 = arith.muli %scan3A_91, %mul3A_92 : i32
      %add3A_94 = arith.constant 0 : i32
      %add3A_95 = arith.addi %add3A_94, %mul3A_93 : i32
      %mul3A_96 = arith.constant 128 : i32
      %mul3A_97 = arith.muli %add3A_95, %mul3A_96 : i32
      %add3A_98 = arith.addi %add3A, %mul3A_97 : i32
      "tpu.region"() ({
        %run_scoped3A = tpu.sem_alloc : memref<!tpu.dma_semaphore, #tpu.memory_space<semaphore_mem>>
        %dma_start3A = arith.constant 0 : i32
        %dma_start3A_235 = tpu.memref_slice %arg20[%add3A_98, %dma_start3A] : memref<327680x128xf32, #tpu.memory_space<hbm>> -> memref<128x128xf32, #tpu.memory_space<hbm>>
        %dma_start3A_236 = arith.constant 0 : i32
        %dma_start3A_237 = tpu.memref_slice %arg20[%add3A_98, %dma_start3A_236] : memref<327680x128xf32, #tpu.memory_space<hbm>> -> memref<128x128xf32, #tpu.memory_space<hbm>>
        tpu.enqueue_dma source(%dma_start3A_237 : memref<128x128xf32, #tpu.memory_space<hbm>>) target(%arg16 : memref<128x128xf32, #tpu.memory_space<vmem>>) target_semaphore(%run_scoped3A : memref<!tpu.dma_semaphore, #tpu.memory_space<semaphore_mem>>)
        %dma_wait3A = arith.constant 0 : i32
        %dma_wait3A_238 = tpu.memref_slice %arg20[%add3A_98, %dma_wait3A] : memref<327680x128xf32, #tpu.memory_space<hbm>> -> memref<128x128xf32, #tpu.memory_space<hbm>>
        %dma_wait3A_239 = arith.constant 0 : i32
        %dma_wait3A_240 = tpu.memref_slice %arg20[%add3A_98, %dma_wait3A_239] : memref<327680x128xf32, #tpu.memory_space<hbm>> -> memref<128x128xf32, #tpu.memory_space<hbm>>
        tpu.wait_dma2 semaphore(%run_scoped3A : memref<!tpu.dma_semaphore, #tpu.memory_space<semaphore_mem>>) src(%dma_wait3A_240 : memref<128x128xf32, #tpu.memory_space<hbm>>) dst(%arg16 : memref<128x128xf32, #tpu.memory_space<vmem>>)
        tpu.yield
      }) : () -> ()
      %get3A = arith.index_cast %add3A_95 : i32 to index
      %get3A_99 = arith.constant 0 : index
      %get3A_100 = tpu.vector_load %arg11[%get3A, %get3A_99] {strides = array<i32>} : memref<80x128xi32, #tpu.memory_space<vmem>>, vector<16xi32>,
      %ge3A = arith.constant 3456 : i32
      %ge3A_101 = vector.broadcast %ge3A : i32 to vector<16xi32>
      %ge3A_102 = arith.cmpi sge, %get3A_100, %ge3A_101 : vector<16xi32>
      %lt3A = arith.constant 6912 : i32
      %lt3A_103 = vector.broadcast %lt3A : i32 to vector<16xi32>
      %lt3A_104 = arith.cmpi slt, %get3A_100, %lt3A_103 : vector<16xi32>
      %and3A = arith.andi %ge3A_102, %lt3A_104 : vector<16xi1>
      %sub3A = arith.constant 3456 : i32
      %sub3A_105 = vector.broadcast %sub3A : i32 to vector<16xi32>
      %sub3A_106 = arith.subi %get3A_100, %sub3A_105 : vector<16xi32>
      %jit3A = arith.constant 3456 : i32
      %broadcast_in_dim3A_107 = vector.broadcast %jit3A : i32 to vector<16xi32>
      %select_n3A = arith.select %and3A, %sub3A_106, %broadcast_in_dim3A_107 : vector<16xi1>, vector<16xi32>
      %swap3A = arith.constant 0 : index
      %swap3A_108 = tpu.vector_load %arg17[%swap3A] {strides = array<i32>} : memref<128xi32, #tpu.memory_space<vmem>>, vector<16xi32>,
      tpu.vector_store %arg17[%swap3A], %select_n3A {strides = array<i32>} : memref<128xi32, #tpu.memory_space<vmem>>, vector<16xi32>,
      %get3A_109 = arith.index_cast %add3A_95 : i32 to index
      %get3A_110 = arith.constant 16 : index
      %get3A_111 = tpu.vector_load %arg11[%get3A_109, %get3A_110] {strides = array<i32>} : memref<80x128xi32, #tpu.memory_space<vmem>>, vector<16xi32>,
      %ge3A_112 = arith.constant 3456 : i32
      %ge3A_113 = vector.broadcast %ge3A_112 : i32 to vector<16xi32>
      %ge3A_114 = arith.cmpi sge, %get3A_111, %ge3A_113 : vector<16xi32>
      %lt3A_115 = arith.constant 6912 : i32
      %lt3A_116 = vector.broadcast %lt3A_115 : i32 to vector<16xi32>
      %lt3A_117 = arith.cmpi slt, %get3A_111, %lt3A_116 : vector<16xi32>
      %and3A_118 = arith.andi %ge3A_114, %lt3A_117 : vector<16xi1>
      %sub3A_119 = arith.constant 3456 : i32
      %sub3A_120 = vector.broadcast %sub3A_119 : i32 to vector<16xi32>
      %sub3A_121 = arith.subi %get3A_111, %sub3A_120 : vector<16xi32>
      %jit3A_122 = arith.constant 3456 : i32
      %broadcast_in_dim3A_123 = vector.broadcast %jit3A_122 : i32 to vector<16xi32>
      %select_n3A_124 = arith.select %and3A_118, %sub3A_121, %broadcast_in_dim3A_123 : vector<16xi1>, vector<16xi32>
      %swap3A_125 = arith.constant 16 : index
      %swap3A_126 = tpu.vector_load %arg17[%swap3A_125] {strides = array<i32>} : memref<128xi32, #tpu.memory_space<vmem>>, vector<16xi32>,
      tpu.vector_store %arg17[%swap3A_125], %select_n3A_124 {strides = array<i32>} : memref<128xi32, #tpu.memory_space<vmem>>, vector<16xi32>,
      %get3A_127 = arith.index_cast %add3A_95 : i32 to index
      %get3A_128 = arith.constant 32 : index
      %get3A_129 = tpu.vector_load %arg11[%get3A_127, %get3A_128] {strides = array<i32>} : memref<80x128xi32, #tpu.memory_space<vmem>>, vector<16xi32>,
      %ge3A_130 = arith.constant 3456 : i32
      %ge3A_131 = vector.broadcast %ge3A_130 : i32 to vector<16xi32>
      %ge3A_132 = arith.cmpi sge, %get3A_129, %ge3A_131 : vector<16xi32>
      %lt3A_133 = arith.constant 6912 : i32
      %lt3A_134 = vector.broadcast %lt3A_133 : i32 to vector<16xi32>
      %lt3A_135 = arith.cmpi slt, %get3A_129, %lt3A_134 : vector<16xi32>
      %and3A_136 = arith.andi %ge3A_132, %lt3A_135 : vector<16xi1>
      %sub3A_137 = arith.constant 3456 : i32
      %sub3A_138 = vector.broadcast %sub3A_137 : i32 to vector<16xi32>
      %sub3A_139 = arith.subi %get3A_129, %sub3A_138 : vector<16xi32>
      %jit3A_140 = arith.constant 3456 : i32
      %broadcast_in_dim3A_141 = vector.broadcast %jit3A_140 : i32 to vector<16xi32>
      %select_n3A_142 = arith.select %and3A_136, %sub3A_139, %broadcast_in_dim3A_141 : vector<16xi1>, vector<16xi32>
      %swap3A_143 = arith.constant 32 : index
      %swap3A_144 = tpu.vector_load %arg17[%swap3A_143] {strides = array<i32>} : memref<128xi32, #tpu.memory_space<vmem>>, vector<16xi32>,
      tpu.vector_store %arg17[%swap3A_143], %select_n3A_142 {strides = array<i32>} : memref<128xi32, #tpu.memory_space<vmem>>, vector<16xi32>,
      %get3A_145 = arith.index_cast %add3A_95 : i32 to index
      %get3A_146 = arith.constant 48 : index
      %get3A_147 = tpu.vector_load %arg11[%get3A_145, %get3A_146] {strides = array<i32>} : memref<80x128xi32, #tpu.memory_space<vmem>>, vector<16xi32>,
      %ge3A_148 = arith.constant 3456 : i32
      %ge3A_149 = vector.broadcast %ge3A_148 : i32 to vector<16xi32>
      %ge3A_150 = arith.cmpi sge, %get3A_147, %ge3A_149 : vector<16xi32>
      %lt3A_151 = arith.constant 6912 : i32
      %lt3A_152 = vector.broadcast %lt3A_151 : i32 to vector<16xi32>
      %lt3A_153 = arith.cmpi slt, %get3A_147, %lt3A_152 : vector<16xi32>
      %and3A_154 = arith.andi %ge3A_150, %lt3A_153 : vector<16xi1>
      %sub3A_155 = arith.constant 3456 : i32
      %sub3A_156 = vector.broadcast %sub3A_155 : i32 to vector<16xi32>
      %sub3A_157 = arith.subi %get3A_147, %sub3A_156 : vector<16xi32>
      %jit3A_158 = arith.constant 3456 : i32
      %broadcast_in_dim3A_159 = vector.broadcast %jit3A_158 : i32 to vector<16xi32>
      %select_n3A_160 = arith.select %and3A_154, %sub3A_157, %broadcast_in_dim3A_159 : vector<16xi1>, vector<16xi32>
      %swap3A_161 = arith.constant 48 : index
      %swap3A_162 = tpu.vector_load %arg17[%swap3A_161] {strides = array<i32>} : memref<128xi32, #tpu.memory_space<vmem>>, vector<16xi32>,
      tpu.vector_store %arg17[%swap3A_161], %select_n3A_160 {strides = array<i32>} : memref<128xi32, #tpu.memory_space<vmem>>, vector<16xi32>,
      %get3A_163 = arith.index_cast %add3A_95 : i32 to index
      %get3A_164 = arith.constant 64 : index
      %get3A_165 = tpu.vector_load %arg11[%get3A_163, %get3A_164] {strides = array<i32>} : memref<80x128xi32, #tpu.memory_space<vmem>>, vector<16xi32>,
      %ge3A_166 = arith.constant 3456 : i32
      %ge3A_167 = vector.broadcast %ge3A_166 : i32 to vector<16xi32>
      %ge3A_168 = arith.cmpi sge, %get3A_165, %ge3A_167 : vector<16xi32>
      %lt3A_169 = arith.constant 6912 : i32
      %lt3A_170 = vector.broadcast %lt3A_169 : i32 to vector<16xi32>
      %lt3A_171 = arith.cmpi slt, %get3A_165, %lt3A_170 : vector<16xi32>
      %and3A_172 = arith.andi %ge3A_168, %lt3A_171 : vector<16xi1>
      %sub3A_173 = arith.constant 3456 : i32
      %sub3A_174 = vector.broadcast %sub3A_173 : i32 to vector<16xi32>
      %sub3A_175 = arith.subi %get3A_165, %sub3A_174 : vector<16xi32>
      %jit3A_176 = arith.constant 3456 : i32
      %broadcast_in_dim3A_177 = vector.broadcast %jit3A_176 : i32 to vector<16xi32>
      %select_n3A_178 = arith.select %and3A_172, %sub3A_175, %broadcast_in_dim3A_177 : vector<16xi1>, vector<16xi32>
      %swap3A_179 = arith.constant 64 : index
      %swap3A_180 = tpu.vector_load %arg17[%swap3A_179] {strides = array<i32>} : memref<128xi32, #tpu.memory_space<vmem>>, vector<16xi32>,
      tpu.vector_store %arg17[%swap3A_179], %select_n3A_178 {strides = array<i32>} : memref<128xi32, #tpu.memory_space<vmem>>, vector<16xi32>,
      %get3A_181 = arith.index_cast %add3A_95 : i32 to index
      %get3A_182 = arith.constant 80 : index
      %get3A_183 = tpu.vector_load %arg11[%get3A_181, %get3A_182] {strides = array<i32>} : memref<80x128xi32, #tpu.memory_space<vmem>>, vector<16xi32>,
      %ge3A_184 = arith.constant 3456 : i32
      %ge3A_185 = vector.broadcast %ge3A_184 : i32 to vector<16xi32>
      %ge3A_186 = arith.cmpi sge, %get3A_183, %ge3A_185 : vector<16xi32>
      %lt3A_187 = arith.constant 6912 : i32
      %lt3A_188 = vector.broadcast %lt3A_187 : i32 to vector<16xi32>
      %lt3A_189 = arith.cmpi slt, %get3A_183, %lt3A_188 : vector<16xi32>
      %and3A_190 = arith.andi %ge3A_186, %lt3A_189 : vector<16xi1>
      %sub3A_191 = arith.constant 3456 : i32
      %sub3A_192 = vector.broadcast %sub3A_191 : i32 to vector<16xi32>
      %sub3A_193 = arith.subi %get3A_183, %sub3A_192 : vector<16xi32>
      %jit3A_194 = arith.constant 3456 : i32
      %broadcast_in_dim3A_195 = vector.broadcast %jit3A_194 : i32 to vector<16xi32>
      %select_n3A_196 = arith.select %and3A_190, %sub3A_193, %broadcast_in_dim3A_195 : vector<16xi1>, vector<16xi32>
      %swap3A_197 = arith.constant 80 : index
      %swap3A_198 = tpu.vector_load %arg17[%swap3A_197] {strides = array<i32>} : memref<128xi32, #tpu.memory_space<vmem>>, vector<16xi32>,
      tpu.vector_store %arg17[%swap3A_197], %select_n3A_196 {strides = array<i32>} : memref<128xi32, #tpu.memory_space<vmem>>, vector<16xi32>,
      %get3A_199 = arith.index_cast %add3A_95 : i32 to index
      %get3A_200 = arith.constant 96 : index
      %get3A_201 = tpu.vector_load %arg11[%get3A_199, %get3A_200] {strides = array<i32>} : memref<80x128xi32, #tpu.memory_space<vmem>>, vector<16xi32>,
      %ge3A_202 = arith.constant 3456 : i32
      %ge3A_203 = vector.broadcast %ge3A_202 : i32 to vector<16xi32>
      %ge3A_204 = arith.cmpi sge, %get3A_201, %ge3A_203 : vector<16xi32>
      %lt3A_205 = arith.constant 6912 : i32
      %lt3A_206 = vector.broadcast %lt3A_205 : i32 to vector<16xi32>
      %lt3A_207 = arith.cmpi slt, %get3A_201, %lt3A_206 : vector<16xi32>
      %and3A_208 = arith.andi %ge3A_204, %lt3A_207 : vector<16xi1>
      %sub3A_209 = arith.constant 3456 : i32
      %sub3A_210 = vector.broadcast %sub3A_209 : i32 to vector<16xi32>
      %sub3A_211 = arith.subi %get3A_201, %sub3A_210 : vector<16xi32>
      %jit3A_212 = arith.constant 3456 : i32
      %broadcast_in_dim3A_213 = vector.broadcast %jit3A_212 : i32 to vector<16xi32>
      %select_n3A_214 = arith.select %and3A_208, %sub3A_211, %broadcast_in_dim3A_213 : vector<16xi1>, vector<16xi32>
      %swap3A_215 = arith.constant 96 : index
      %swap3A_216 = tpu.vector_load %arg17[%swap3A_215] {strides = array<i32>} : memref<128xi32, #tpu.memory_space<vmem>>, vector<16xi32>,
      tpu.vector_store %arg17[%swap3A_215], %select_n3A_214 {strides = array<i32>} : memref<128xi32, #tpu.memory_space<vmem>>, vector<16xi32>,
      %get3A_217 = arith.index_cast %add3A_95 : i32 to index
      %get3A_218 = arith.constant 112 : index
      %get3A_219 = tpu.vector_load %arg11[%get3A_217, %get3A_218] {strides = array<i32>} : memref<80x128xi32, #tpu.memory_space<vmem>>, vector<16xi32>,
      %ge3A_220 = arith.constant 3456 : i32
      %ge3A_221 = vector.broadcast %ge3A_220 : i32 to vector<16xi32>
      %ge3A_222 = arith.cmpi sge, %get3A_219, %ge3A_221 : vector<16xi32>
      %lt3A_223 = arith.constant 6912 : i32
      %lt3A_224 = vector.broadcast %lt3A_223 : i32 to vector<16xi32>
      %lt3A_225 = arith.cmpi slt, %get3A_219, %lt3A_224 : vector<16xi32>
      %and3A_226 = arith.andi %ge3A_222, %lt3A_225 : vector<16xi1>
      %sub3A_227 = arith.constant 3456 : i32
      %sub3A_228 = vector.broadcast %sub3A_227 : i32 to vector<16xi32>
      %sub3A_229 = arith.subi %get3A_219, %sub3A_228 : vector<16xi32>
      %jit3A_230 = arith.constant 3456 : i32
      %broadcast_in_dim3A_231 = vector.broadcast %jit3A_230 : i32 to vector<16xi32>
      %select_n3A_232 = arith.select %and3A_226, %sub3A_229, %broadcast_in_dim3A_231 : vector<16xi1>, vector<16xi32>
      %swap3A_233 = arith.constant 112 : index
      %swap3A_234 = tpu.vector_load %arg17[%swap3A_233] {strides = array<i32>} : memref<128xi32, #tpu.memory_space<vmem>>, vector<16xi32>,
      tpu.vector_store %arg17[%swap3A_233], %select_n3A_232 {strides = array<i32>} : memref<128xi32, #tpu.memory_space<vmem>>, vector<16xi32>,
      "tpu.region"() ({
        %run_scoped3A = tpu.sem_alloc : memref<!tpu.dma_semaphore, #tpu.memory_space<semaphore_mem>>
        %dma_start3A = arith.constant 0 : i32
        %dma_start3A_235 = arith.constant 0 : i32
        %dma_start3A_236 = tpu.memref_slice %arg19[%dma_start3A, %dma_start3A_235] : memref<3464x128xf32, #tpu.memory_space<vmem_shared>> -> memref<3464x128xf32, #tpu.memory_space<vmem_shared>>
        tpu.enqueue_indirect_dma source(%arg16 : memref<128x128xf32, #tpu.memory_space<vmem>>) target(%dma_start3A_236 : memref<3464x128xf32, #tpu.memory_space<vmem_shared>>) offsets(%arg17 : memref<128xi32, #tpu.memory_space<vmem>>) semaphore(%run_scoped3A : memref<!tpu.dma_semaphore, #tpu.memory_space<semaphore_mem>>) {add = true}
        %dma_wait3A = arith.constant 0 : i32
        %dma_wait3A_237 = arith.constant 0 : i32
        %dma_wait3A_238 = tpu.memref_slice %arg19[%dma_wait3A, %dma_wait3A_237] : memref<3464x128xf32, #tpu.memory_space<vmem_shared>> -> memref<3464x128xf32, #tpu.memory_space<vmem_shared>>
        tpu.wait_indirect_dma semaphore(%run_scoped3A : memref<!tpu.dma_semaphore, #tpu.memory_space<semaphore_mem>>) src(%arg16 : memref<128x128xf32, #tpu.memory_space<vmem>>) dst(%dma_wait3A_238 : memref<3464x128xf32, #tpu.memory_space<vmem_shared>>)
        tpu.yield
      }) : () -> ()
    }
    %scan3A_50 = arith.constant 80 : i32
    %barrier3A_51 = arith.constant 0 : index
    tpu.barrier barrier_id(%barrier3A_51)
    %eq3A_52 = arith.constant 0 : i32
    %eq3A_53 = arith.cmpi eq, %arg0, %eq3A_52 : i32
    %convert_element_type3A_54 = arith.extui %eq3A_53 : i1 to i32
    %cond3A_55 = arith.constant 0 : i32
    %cond3A_56 = arith.cmpi ne, %convert_element_type3A_54, %cond3A_55 : i32
    scf.if %cond3A_56 {
      %mul3A_91 = arith.constant 216 : i32
      %mul3A_92 = arith.muli %arg1, %mul3A_91 : i32
      %mul3A_93 = arith.constant 216 : i32
      %mul3A_94 = arith.muli %arg1, %mul3A_93 : i32
      %add3A_95 = arith.constant 3456 : i32
      %add3A_96 = arith.addi %add3A_95, %mul3A_94 : i32
      "tpu.region"() ({
        %run_scoped3A = tpu.sem_alloc : memref<!tpu.dma_semaphore, #tpu.memory_space<semaphore_mem>>
        %dma_start3A = arith.constant 0 : i32
        %dma_start3A_97 = tpu.memref_slice %arg8[%add3A_96, %dma_start3A] : memref<10368x128xf32, #tpu.memory_space<hbm>> -> memref<216x128xf32, #tpu.memory_space<hbm>>
        %dma_start3A_98 = arith.constant 0 : i32
        %dma_start3A_99 = tpu.memref_slice %arg19[%mul3A_92, %dma_start3A_98] : memref<3464x128xf32, #tpu.memory_space<vmem_shared>> -> memref<216x128xf32, #tpu.memory_space<vmem_shared>>
        tpu.enqueue_dma source(%dma_start3A_99 : memref<216x128xf32, #tpu.memory_space<vmem_shared>>) target(%dma_start3A_97 : memref<216x128xf32, #tpu.memory_space<hbm>>) target_semaphore(%run_scoped3A : memref<!tpu.dma_semaphore, #tpu.memory_space<semaphore_mem>>)
        %dma_wait3A = arith.constant 0 : i32
        %dma_wait3A_100 = tpu.memref_slice %arg8[%add3A_96, %dma_wait3A] : memref<10368x128xf32, #tpu.memory_space<hbm>> -> memref<216x128xf32, #tpu.memory_space<hbm>>
        %dma_wait3A_101 = arith.constant 0 : i32
        %dma_wait3A_102 = tpu.memref_slice %arg19[%mul3A_92, %dma_wait3A_101] : memref<3464x128xf32, #tpu.memory_space<vmem_shared>> -> memref<216x128xf32, #tpu.memory_space<vmem_shared>>
        tpu.wait_dma2 semaphore(%run_scoped3A : memref<!tpu.dma_semaphore, #tpu.memory_space<semaphore_mem>>) src(%dma_wait3A_102 : memref<216x128xf32, #tpu.memory_space<vmem_shared>>) dst(%dma_wait3A_100 : memref<216x128xf32, #tpu.memory_space<hbm>>)
        tpu.yield
      }) : () -> ()
    } else {
    }
    %eq3A_57 = arith.constant 1 : i32
    %eq3A_58 = arith.cmpi eq, %arg0, %eq3A_57 : i32
    %convert_element_type3A_59 = arith.extui %eq3A_58 : i1 to i32
    %cond3A_60 = arith.constant 0 : i32
    %cond3A_61 = arith.cmpi ne, %convert_element_type3A_59, %cond3A_60 : i32
    scf.if %cond3A_61 {
      %mul3A_91 = arith.constant 216 : i32
      %mul3A_92 = arith.muli %arg1, %mul3A_91 : i32
      %mul3A_93 = arith.constant 216 : i32
      %mul3A_94 = arith.muli %arg1, %mul3A_93 : i32
      %add3A_95 = arith.constant 3456 : i32
      %add3A_96 = arith.addi %add3A_95, %mul3A_94 : i32
      "tpu.region"() ({
        %run_scoped3A = tpu.sem_alloc : memref<!tpu.dma_semaphore, #tpu.memory_space<semaphore_mem>>
        %dma_start3A = arith.constant 0 : i32
        %dma_start3A_97 = tpu.memref_slice %arg9[%add3A_96, %dma_start3A] : memref<10368x128xf32, #tpu.memory_space<hbm>> -> memref<216x128xf32, #tpu.memory_space<hbm>>
        %dma_start3A_98 = arith.constant 0 : i32
        %dma_start3A_99 = tpu.memref_slice %arg19[%mul3A_92, %dma_start3A_98] : memref<3464x128xf32, #tpu.memory_space<vmem_shared>> -> memref<216x128xf32, #tpu.memory_space<vmem_shared>>
        tpu.enqueue_dma source(%dma_start3A_99 : memref<216x128xf32, #tpu.memory_space<vmem_shared>>) target(%dma_start3A_97 : memref<216x128xf32, #tpu.memory_space<hbm>>) target_semaphore(%run_scoped3A : memref<!tpu.dma_semaphore, #tpu.memory_space<semaphore_mem>>)
        %dma_wait3A = arith.constant 0 : i32
        %dma_wait3A_100 = tpu.memref_slice %arg9[%add3A_96, %dma_wait3A] : memref<10368x128xf32, #tpu.memory_space<hbm>> -> memref<216x128xf32, #tpu.memory_space<hbm>>
        %dma_wait3A_101 = arith.constant 0 : i32
        %dma_wait3A_102 = tpu.memref_slice %arg19[%mul3A_92, %dma_wait3A_101] : memref<3464x128xf32, #tpu.memory_space<vmem_shared>> -> memref<216x128xf32, #tpu.memory_space<vmem_shared>>
        tpu.wait_dma2 semaphore(%run_scoped3A : memref<!tpu.dma_semaphore, #tpu.memory_space<semaphore_mem>>) src(%dma_wait3A_102 : memref<216x128xf32, #tpu.memory_space<vmem_shared>>) dst(%dma_wait3A_100 : memref<216x128xf32, #tpu.memory_space<hbm>>)
        tpu.yield
      }) : () -> ()
    } else {
    }
    %mul3A_62 = arith.constant 216 : i32
    %mul3A_63 = arith.muli %arg1, %mul3A_62 : i32
    %add3A_64 = arith.constant 0 : i32
    %add3A_65 = arith.addi %mul3A_63, %add3A_64 : i32
    "tpu.region"() ({
      %run_scoped3A = tpu.sem_alloc : memref<!tpu.dma_semaphore, #tpu.memory_space<semaphore_mem>>
      %dma_start3A = arith.constant 0 : i32
      %dma_start3A_91 = tpu.memref_slice %arg19[%add3A_65, %dma_start3A] : memref<3464x128xf32, #tpu.memory_space<vmem_shared>> -> memref<72x128xf32, #tpu.memory_space<vmem_shared>>
      %dma_start3A_92 = arith.constant 0 : i32
      %dma_start3A_93 = tpu.memref_slice %arg19[%add3A_65, %dma_start3A_92] : memref<3464x128xf32, #tpu.memory_space<vmem_shared>> -> memref<72x128xf32, #tpu.memory_space<vmem_shared>>
      tpu.enqueue_dma source(%arg18 : memref<72x128xf32, #tpu.memory_space<vmem>>) target(%dma_start3A_93 : memref<72x128xf32, #tpu.memory_space<vmem_shared>>) target_semaphore(%run_scoped3A : memref<!tpu.dma_semaphore, #tpu.memory_space<semaphore_mem>>)
      %dma_wait3A = arith.constant 0 : i32
      %dma_wait3A_94 = tpu.memref_slice %arg19[%add3A_65, %dma_wait3A] : memref<3464x128xf32, #tpu.memory_space<vmem_shared>> -> memref<72x128xf32, #tpu.memory_space<vmem_shared>>
      %dma_wait3A_95 = arith.constant 0 : i32
      %dma_wait3A_96 = tpu.memref_slice %arg19[%add3A_65, %dma_wait3A_95] : memref<3464x128xf32, #tpu.memory_space<vmem_shared>> -> memref<72x128xf32, #tpu.memory_space<vmem_shared>>
      tpu.wait_dma2 semaphore(%run_scoped3A : memref<!tpu.dma_semaphore, #tpu.memory_space<semaphore_mem>>) src(%arg18 : memref<72x128xf32, #tpu.memory_space<vmem>>) dst(%dma_wait3A_96 : memref<72x128xf32, #tpu.memory_space<vmem_shared>>)
      tpu.yield
    }) : () -> ()
    %mul3A_66 = arith.constant 216 : i32
    %mul3A_67 = arith.muli %arg1, %mul3A_66 : i32
    %add3A_68 = arith.constant 72 : i32
    %add3A_69 = arith.addi %mul3A_67, %add3A_68 : i32
    "tpu.region"() ({
      %run_scoped3A = tpu.sem_alloc : memref<!tpu.dma_semaphore, #tpu.memory_space<semaphore_mem>>
      %dma_start3A = arith.constant 0 : i32
      %dma_start3A_91 = tpu.memref_slice %arg19[%add3A_69, %dma_start3A] : memref<3464x128xf32, #tpu.memory_space<vmem_shared>> -> memref<72x128xf32, #tpu.memory_space<vmem_shared>>
      %dma_start3A_92 = arith.constant 0 : i32
      %dma_start3A_93 = tpu.memref_slice %arg19[%add3A_69, %dma_start3A_92] : memref<3464x128xf32, #tpu.memory_space<vmem_shared>> -> memref<72x128xf32, #tpu.memory_space<vmem_shared>>
      tpu.enqueue_dma source(%arg18 : memref<72x128xf32, #tpu.memory_space<vmem>>) target(%dma_start3A_93 : memref<72x128xf32, #tpu.memory_space<vmem_shared>>) target_semaphore(%run_scoped3A : memref<!tpu.dma_semaphore, #tpu.memory_space<semaphore_mem>>)
      %dma_wait3A = arith.constant 0 : i32
      %dma_wait3A_94 = tpu.memref_slice %arg19[%add3A_69, %dma_wait3A] : memref<3464x128xf32, #tpu.memory_space<vmem_shared>> -> memref<72x128xf32, #tpu.memory_space<vmem_shared>>
      %dma_wait3A_95 = arith.constant 0 : i32
      %dma_wait3A_96 = tpu.memref_slice %arg19[%add3A_69, %dma_wait3A_95] : memref<3464x128xf32, #tpu.memory_space<vmem_shared>> -> memref<72x128xf32, #tpu.memory_space<vmem_shared>>
      tpu.wait_dma2 semaphore(%run_scoped3A : memref<!tpu.dma_semaphore, #tpu.memory_space<semaphore_mem>>) src(%arg18 : memref<72x128xf32, #tpu.memory_space<vmem>>) dst(%dma_wait3A_96 : memref<72x128xf32, #tpu.memory_space<vmem_shared>>)
      tpu.yield
    }) : () -> ()
    %mul3A_70 = arith.constant 216 : i32
    %mul3A_71 = arith.muli %arg1, %mul3A_70 : i32
    %add3A_72 = arith.constant 144 : i32
    %add3A_73 = arith.addi %mul3A_71, %add3A_72 : i32
    "tpu.region"() ({
      %run_scoped3A = tpu.sem_alloc : memref<!tpu.dma_semaphore, #tpu.memory_space<semaphore_mem>>
      %dma_start3A = arith.constant 0 : i32
      %dma_start3A_91 = tpu.memref_slice %arg19[%add3A_73, %dma_start3A] : memref<3464x128xf32, #tpu.memory_space<vmem_shared>> -> memref<72x128xf32, #tpu.memory_space<vmem_shared>>
      %dma_start3A_92 = arith.constant 0 : i32
      %dma_start3A_93 = tpu.memref_slice %arg19[%add3A_73, %dma_start3A_92] : memref<3464x128xf32, #tpu.memory_space<vmem_shared>> -> memref<72x128xf32, #tpu.memory_space<vmem_shared>>
      tpu.enqueue_dma source(%arg18 : memref<72x128xf32, #tpu.memory_space<vmem>>) target(%dma_start3A_93 : memref<72x128xf32, #tpu.memory_space<vmem_shared>>) target_semaphore(%run_scoped3A : memref<!tpu.dma_semaphore, #tpu.memory_space<semaphore_mem>>)
      %dma_wait3A = arith.constant 0 : i32
      %dma_wait3A_94 = tpu.memref_slice %arg19[%add3A_73, %dma_wait3A] : memref<3464x128xf32, #tpu.memory_space<vmem_shared>> -> memref<72x128xf32, #tpu.memory_space<vmem_shared>>
      %dma_wait3A_95 = arith.constant 0 : i32
      %dma_wait3A_96 = tpu.memref_slice %arg19[%add3A_73, %dma_wait3A_95] : memref<3464x128xf32, #tpu.memory_space<vmem_shared>> -> memref<72x128xf32, #tpu.memory_space<vmem_shared>>
      tpu.wait_dma2 semaphore(%run_scoped3A : memref<!tpu.dma_semaphore, #tpu.memory_space<semaphore_mem>>) src(%arg18 : memref<72x128xf32, #tpu.memory_space<vmem>>) dst(%dma_wait3A_96 : memref<72x128xf32, #tpu.memory_space<vmem_shared>>)
      tpu.yield
    }) : () -> ()
    %barrier3A_74 = arith.constant 0 : index
    tpu.barrier barrier_id(%barrier3A_74)
    %scan3A_75 = arith.constant 0 : i32
    %scan3A_76 = arith.constant 80 : i32
    %scan3A_77 = arith.addi %scan3A_75, %scan3A_76 : i32
    %scan3A_78 = arith.constant 1 : i32
    scf.for %scan3A_91 = %scan3A_75 to %scan3A_77 step %scan3A_78  : i32 {
      %mul3A_92 = arith.constant 1 : i32
      %mul3A_93 = arith.muli %scan3A_91, %mul3A_92 : i32
      %add3A_94 = arith.constant 0 : i32
      %add3A_95 = arith.addi %add3A_94, %mul3A_93 : i32
      %mul3A_96 = arith.constant 128 : i32
      %mul3A_97 = arith.muli %add3A_95, %mul3A_96 : i32
      %add3A_98 = arith.addi %add3A, %mul3A_97 : i32
      "tpu.region"() ({
        %run_scoped3A = tpu.sem_alloc : memref<!tpu.dma_semaphore, #tpu.memory_space<semaphore_mem>>
        %dma_start3A = arith.constant 0 : i32
        %dma_start3A_235 = tpu.memref_slice %arg20[%add3A_98, %dma_start3A] : memref<327680x128xf32, #tpu.memory_space<hbm>> -> memref<128x128xf32, #tpu.memory_space<hbm>>
        %dma_start3A_236 = arith.constant 0 : i32
        %dma_start3A_237 = tpu.memref_slice %arg20[%add3A_98, %dma_start3A_236] : memref<327680x128xf32, #tpu.memory_space<hbm>> -> memref<128x128xf32, #tpu.memory_space<hbm>>
        tpu.enqueue_dma source(%dma_start3A_237 : memref<128x128xf32, #tpu.memory_space<hbm>>) target(%arg16 : memref<128x128xf32, #tpu.memory_space<vmem>>) target_semaphore(%run_scoped3A : memref<!tpu.dma_semaphore, #tpu.memory_space<semaphore_mem>>)
        %dma_wait3A = arith.constant 0 : i32
        %dma_wait3A_238 = tpu.memref_slice %arg20[%add3A_98, %dma_wait3A] : memref<327680x128xf32, #tpu.memory_space<hbm>> -> memref<128x128xf32, #tpu.memory_space<hbm>>
        %dma_wait3A_239 = arith.constant 0 : i32
        %dma_wait3A_240 = tpu.memref_slice %arg20[%add3A_98, %dma_wait3A_239] : memref<327680x128xf32, #tpu.memory_space<hbm>> -> memref<128x128xf32, #tpu.memory_space<hbm>>
        tpu.wait_dma2 semaphore(%run_scoped3A : memref<!tpu.dma_semaphore, #tpu.memory_space<semaphore_mem>>) src(%dma_wait3A_240 : memref<128x128xf32, #tpu.memory_space<hbm>>) dst(%arg16 : memref<128x128xf32, #tpu.memory_space<vmem>>)
        tpu.yield
      }) : () -> ()
      %get3A = arith.index_cast %add3A_95 : i32 to index
      %get3A_99 = arith.constant 0 : index
      %get3A_100 = tpu.vector_load %arg11[%get3A, %get3A_99] {strides = array<i32>} : memref<80x128xi32, #tpu.memory_space<vmem>>, vector<16xi32>,
      %ge3A = arith.constant 6912 : i32
      %ge3A_101 = vector.broadcast %ge3A : i32 to vector<16xi32>
      %ge3A_102 = arith.cmpi sge, %get3A_100, %ge3A_101 : vector<16xi32>
      %lt3A = arith.constant 10368 : i32
      %lt3A_103 = vector.broadcast %lt3A : i32 to vector<16xi32>
      %lt3A_104 = arith.cmpi slt, %get3A_100, %lt3A_103 : vector<16xi32>
      %and3A = arith.andi %ge3A_102, %lt3A_104 : vector<16xi1>
      %sub3A = arith.constant 6912 : i32
      %sub3A_105 = vector.broadcast %sub3A : i32 to vector<16xi32>
      %sub3A_106 = arith.subi %get3A_100, %sub3A_105 : vector<16xi32>
      %jit3A = arith.constant 3456 : i32
      %broadcast_in_dim3A_107 = vector.broadcast %jit3A : i32 to vector<16xi32>
      %select_n3A = arith.select %and3A, %sub3A_106, %broadcast_in_dim3A_107 : vector<16xi1>, vector<16xi32>
      %swap3A = arith.constant 0 : index
      %swap3A_108 = tpu.vector_load %arg17[%swap3A] {strides = array<i32>} : memref<128xi32, #tpu.memory_space<vmem>>, vector<16xi32>,
      tpu.vector_store %arg17[%swap3A], %select_n3A {strides = array<i32>} : memref<128xi32, #tpu.memory_space<vmem>>, vector<16xi32>,
      %get3A_109 = arith.index_cast %add3A_95 : i32 to index
      %get3A_110 = arith.constant 16 : index
      %get3A_111 = tpu.vector_load %arg11[%get3A_109, %get3A_110] {strides = array<i32>} : memref<80x128xi32, #tpu.memory_space<vmem>>, vector<16xi32>,
      %ge3A_112 = arith.constant 6912 : i32
      %ge3A_113 = vector.broadcast %ge3A_112 : i32 to vector<16xi32>
      %ge3A_114 = arith.cmpi sge, %get3A_111, %ge3A_113 : vector<16xi32>
      %lt3A_115 = arith.constant 10368 : i32
      %lt3A_116 = vector.broadcast %lt3A_115 : i32 to vector<16xi32>
      %lt3A_117 = arith.cmpi slt, %get3A_111, %lt3A_116 : vector<16xi32>
      %and3A_118 = arith.andi %ge3A_114, %lt3A_117 : vector<16xi1>
      %sub3A_119 = arith.constant 6912 : i32
      %sub3A_120 = vector.broadcast %sub3A_119 : i32 to vector<16xi32>
      %sub3A_121 = arith.subi %get3A_111, %sub3A_120 : vector<16xi32>
      %jit3A_122 = arith.constant 3456 : i32
      %broadcast_in_dim3A_123 = vector.broadcast %jit3A_122 : i32 to vector<16xi32>
      %select_n3A_124 = arith.select %and3A_118, %sub3A_121, %broadcast_in_dim3A_123 : vector<16xi1>, vector<16xi32>
      %swap3A_125 = arith.constant 16 : index
      %swap3A_126 = tpu.vector_load %arg17[%swap3A_125] {strides = array<i32>} : memref<128xi32, #tpu.memory_space<vmem>>, vector<16xi32>,
      tpu.vector_store %arg17[%swap3A_125], %select_n3A_124 {strides = array<i32>} : memref<128xi32, #tpu.memory_space<vmem>>, vector<16xi32>,
      %get3A_127 = arith.index_cast %add3A_95 : i32 to index
      %get3A_128 = arith.constant 32 : index
      %get3A_129 = tpu.vector_load %arg11[%get3A_127, %get3A_128] {strides = array<i32>} : memref<80x128xi32, #tpu.memory_space<vmem>>, vector<16xi32>,
      %ge3A_130 = arith.constant 6912 : i32
      %ge3A_131 = vector.broadcast %ge3A_130 : i32 to vector<16xi32>
      %ge3A_132 = arith.cmpi sge, %get3A_129, %ge3A_131 : vector<16xi32>
      %lt3A_133 = arith.constant 10368 : i32
      %lt3A_134 = vector.broadcast %lt3A_133 : i32 to vector<16xi32>
      %lt3A_135 = arith.cmpi slt, %get3A_129, %lt3A_134 : vector<16xi32>
      %and3A_136 = arith.andi %ge3A_132, %lt3A_135 : vector<16xi1>
      %sub3A_137 = arith.constant 6912 : i32
      %sub3A_138 = vector.broadcast %sub3A_137 : i32 to vector<16xi32>
      %sub3A_139 = arith.subi %get3A_129, %sub3A_138 : vector<16xi32>
      %jit3A_140 = arith.constant 3456 : i32
      %broadcast_in_dim3A_141 = vector.broadcast %jit3A_140 : i32 to vector<16xi32>
      %select_n3A_142 = arith.select %and3A_136, %sub3A_139, %broadcast_in_dim3A_141 : vector<16xi1>, vector<16xi32>
      %swap3A_143 = arith.constant 32 : index
      %swap3A_144 = tpu.vector_load %arg17[%swap3A_143] {strides = array<i32>} : memref<128xi32, #tpu.memory_space<vmem>>, vector<16xi32>,
      tpu.vector_store %arg17[%swap3A_143], %select_n3A_142 {strides = array<i32>} : memref<128xi32, #tpu.memory_space<vmem>>, vector<16xi32>,
      %get3A_145 = arith.index_cast %add3A_95 : i32 to index
      %get3A_146 = arith.constant 48 : index
      %get3A_147 = tpu.vector_load %arg11[%get3A_145, %get3A_146] {strides = array<i32>} : memref<80x128xi32, #tpu.memory_space<vmem>>, vector<16xi32>,
      %ge3A_148 = arith.constant 6912 : i32
      %ge3A_149 = vector.broadcast %ge3A_148 : i32 to vector<16xi32>
      %ge3A_150 = arith.cmpi sge, %get3A_147, %ge3A_149 : vector<16xi32>
      %lt3A_151 = arith.constant 10368 : i32
      %lt3A_152 = vector.broadcast %lt3A_151 : i32 to vector<16xi32>
      %lt3A_153 = arith.cmpi slt, %get3A_147, %lt3A_152 : vector<16xi32>
      %and3A_154 = arith.andi %ge3A_150, %lt3A_153 : vector<16xi1>
      %sub3A_155 = arith.constant 6912 : i32
      %sub3A_156 = vector.broadcast %sub3A_155 : i32 to vector<16xi32>
      %sub3A_157 = arith.subi %get3A_147, %sub3A_156 : vector<16xi32>
      %jit3A_158 = arith.constant 3456 : i32
      %broadcast_in_dim3A_159 = vector.broadcast %jit3A_158 : i32 to vector<16xi32>
      %select_n3A_160 = arith.select %and3A_154, %sub3A_157, %broadcast_in_dim3A_159 : vector<16xi1>, vector<16xi32>
      %swap3A_161 = arith.constant 48 : index
      %swap3A_162 = tpu.vector_load %arg17[%swap3A_161] {strides = array<i32>} : memref<128xi32, #tpu.memory_space<vmem>>, vector<16xi32>,
      tpu.vector_store %arg17[%swap3A_161], %select_n3A_160 {strides = array<i32>} : memref<128xi32, #tpu.memory_space<vmem>>, vector<16xi32>,
      %get3A_163 = arith.index_cast %add3A_95 : i32 to index
      %get3A_164 = arith.constant 64 : index
      %get3A_165 = tpu.vector_load %arg11[%get3A_163, %get3A_164] {strides = array<i32>} : memref<80x128xi32, #tpu.memory_space<vmem>>, vector<16xi32>,
      %ge3A_166 = arith.constant 6912 : i32
      %ge3A_167 = vector.broadcast %ge3A_166 : i32 to vector<16xi32>
      %ge3A_168 = arith.cmpi sge, %get3A_165, %ge3A_167 : vector<16xi32>
      %lt3A_169 = arith.constant 10368 : i32
      %lt3A_170 = vector.broadcast %lt3A_169 : i32 to vector<16xi32>
      %lt3A_171 = arith.cmpi slt, %get3A_165, %lt3A_170 : vector<16xi32>
      %and3A_172 = arith.andi %ge3A_168, %lt3A_171 : vector<16xi1>
      %sub3A_173 = arith.constant 6912 : i32
      %sub3A_174 = vector.broadcast %sub3A_173 : i32 to vector<16xi32>
      %sub3A_175 = arith.subi %get3A_165, %sub3A_174 : vector<16xi32>
      %jit3A_176 = arith.constant 3456 : i32
      %broadcast_in_dim3A_177 = vector.broadcast %jit3A_176 : i32 to vector<16xi32>
      %select_n3A_178 = arith.select %and3A_172, %sub3A_175, %broadcast_in_dim3A_177 : vector<16xi1>, vector<16xi32>
      %swap3A_179 = arith.constant 64 : index
      %swap3A_180 = tpu.vector_load %arg17[%swap3A_179] {strides = array<i32>} : memref<128xi32, #tpu.memory_space<vmem>>, vector<16xi32>,
      tpu.vector_store %arg17[%swap3A_179], %select_n3A_178 {strides = array<i32>} : memref<128xi32, #tpu.memory_space<vmem>>, vector<16xi32>,
      %get3A_181 = arith.index_cast %add3A_95 : i32 to index
      %get3A_182 = arith.constant 80 : index
      %get3A_183 = tpu.vector_load %arg11[%get3A_181, %get3A_182] {strides = array<i32>} : memref<80x128xi32, #tpu.memory_space<vmem>>, vector<16xi32>,
      %ge3A_184 = arith.constant 6912 : i32
      %ge3A_185 = vector.broadcast %ge3A_184 : i32 to vector<16xi32>
      %ge3A_186 = arith.cmpi sge, %get3A_183, %ge3A_185 : vector<16xi32>
      %lt3A_187 = arith.constant 10368 : i32
      %lt3A_188 = vector.broadcast %lt3A_187 : i32 to vector<16xi32>
      %lt3A_189 = arith.cmpi slt, %get3A_183, %lt3A_188 : vector<16xi32>
      %and3A_190 = arith.andi %ge3A_186, %lt3A_189 : vector<16xi1>
      %sub3A_191 = arith.constant 6912 : i32
      %sub3A_192 = vector.broadcast %sub3A_191 : i32 to vector<16xi32>
      %sub3A_193 = arith.subi %get3A_183, %sub3A_192 : vector<16xi32>
      %jit3A_194 = arith.constant 3456 : i32
      %broadcast_in_dim3A_195 = vector.broadcast %jit3A_194 : i32 to vector<16xi32>
      %select_n3A_196 = arith.select %and3A_190, %sub3A_193, %broadcast_in_dim3A_195 : vector<16xi1>, vector<16xi32>
      %swap3A_197 = arith.constant 80 : index
      %swap3A_198 = tpu.vector_load %arg17[%swap3A_197] {strides = array<i32>} : memref<128xi32, #tpu.memory_space<vmem>>, vector<16xi32>,
      tpu.vector_store %arg17[%swap3A_197], %select_n3A_196 {strides = array<i32>} : memref<128xi32, #tpu.memory_space<vmem>>, vector<16xi32>,
      %get3A_199 = arith.index_cast %add3A_95 : i32 to index
      %get3A_200 = arith.constant 96 : index
      %get3A_201 = tpu.vector_load %arg11[%get3A_199, %get3A_200] {strides = array<i32>} : memref<80x128xi32, #tpu.memory_space<vmem>>, vector<16xi32>,
      %ge3A_202 = arith.constant 6912 : i32
      %ge3A_203 = vector.broadcast %ge3A_202 : i32 to vector<16xi32>
      %ge3A_204 = arith.cmpi sge, %get3A_201, %ge3A_203 : vector<16xi32>
      %lt3A_205 = arith.constant 10368 : i32
      %lt3A_206 = vector.broadcast %lt3A_205 : i32 to vector<16xi32>
      %lt3A_207 = arith.cmpi slt, %get3A_201, %lt3A_206 : vector<16xi32>
      %and3A_208 = arith.andi %ge3A_204, %lt3A_207 : vector<16xi1>
      %sub3A_209 = arith.constant 6912 : i32
      %sub3A_210 = vector.broadcast %sub3A_209 : i32 to vector<16xi32>
      %sub3A_211 = arith.subi %get3A_201, %sub3A_210 : vector<16xi32>
      %jit3A_212 = arith.constant 3456 : i32
      %broadcast_in_dim3A_213 = vector.broadcast %jit3A_212 : i32 to vector<16xi32>
      %select_n3A_214 = arith.select %and3A_208, %sub3A_211, %broadcast_in_dim3A_213 : vector<16xi1>, vector<16xi32>
      %swap3A_215 = arith.constant 96 : index
      %swap3A_216 = tpu.vector_load %arg17[%swap3A_215] {strides = array<i32>} : memref<128xi32, #tpu.memory_space<vmem>>, vector<16xi32>,
      tpu.vector_store %arg17[%swap3A_215], %select_n3A_214 {strides = array<i32>} : memref<128xi32, #tpu.memory_space<vmem>>, vector<16xi32>,
      %get3A_217 = arith.index_cast %add3A_95 : i32 to index
      %get3A_218 = arith.constant 112 : index
      %get3A_219 = tpu.vector_load %arg11[%get3A_217, %get3A_218] {strides = array<i32>} : memref<80x128xi32, #tpu.memory_space<vmem>>, vector<16xi32>,
      %ge3A_220 = arith.constant 6912 : i32
      %ge3A_221 = vector.broadcast %ge3A_220 : i32 to vector<16xi32>
      %ge3A_222 = arith.cmpi sge, %get3A_219, %ge3A_221 : vector<16xi32>
      %lt3A_223 = arith.constant 10368 : i32
      %lt3A_224 = vector.broadcast %lt3A_223 : i32 to vector<16xi32>
      %lt3A_225 = arith.cmpi slt, %get3A_219, %lt3A_224 : vector<16xi32>
      %and3A_226 = arith.andi %ge3A_222, %lt3A_225 : vector<16xi1>
      %sub3A_227 = arith.constant 6912 : i32
      %sub3A_228 = vector.broadcast %sub3A_227 : i32 to vector<16xi32>
      %sub3A_229 = arith.subi %get3A_219, %sub3A_228 : vector<16xi32>
      %jit3A_230 = arith.constant 3456 : i32
      %broadcast_in_dim3A_231 = vector.broadcast %jit3A_230 : i32 to vector<16xi32>
      %select_n3A_232 = arith.select %and3A_226, %sub3A_229, %broadcast_in_dim3A_231 : vector<16xi1>, vector<16xi32>
      %swap3A_233 = arith.constant 112 : index
      %swap3A_234 = tpu.vector_load %arg17[%swap3A_233] {strides = array<i32>} : memref<128xi32, #tpu.memory_space<vmem>>, vector<16xi32>,
      tpu.vector_store %arg17[%swap3A_233], %select_n3A_232 {strides = array<i32>} : memref<128xi32, #tpu.memory_space<vmem>>, vector<16xi32>,
      "tpu.region"() ({
        %run_scoped3A = tpu.sem_alloc : memref<!tpu.dma_semaphore, #tpu.memory_space<semaphore_mem>>
        %dma_start3A = arith.constant 0 : i32
        %dma_start3A_235 = arith.constant 0 : i32
        %dma_start3A_236 = tpu.memref_slice %arg19[%dma_start3A, %dma_start3A_235] : memref<3464x128xf32, #tpu.memory_space<vmem_shared>> -> memref<3464x128xf32, #tpu.memory_space<vmem_shared>>
        tpu.enqueue_indirect_dma source(%arg16 : memref<128x128xf32, #tpu.memory_space<vmem>>) target(%dma_start3A_236 : memref<3464x128xf32, #tpu.memory_space<vmem_shared>>) offsets(%arg17 : memref<128xi32, #tpu.memory_space<vmem>>) semaphore(%run_scoped3A : memref<!tpu.dma_semaphore, #tpu.memory_space<semaphore_mem>>) {add = true}
        %dma_wait3A = arith.constant 0 : i32
        %dma_wait3A_237 = arith.constant 0 : i32
        %dma_wait3A_238 = tpu.memref_slice %arg19[%dma_wait3A, %dma_wait3A_237] : memref<3464x128xf32, #tpu.memory_space<vmem_shared>> -> memref<3464x128xf32, #tpu.memory_space<vmem_shared>>
        tpu.wait_indirect_dma semaphore(%run_scoped3A : memref<!tpu.dma_semaphore, #tpu.memory_space<semaphore_mem>>) src(%arg16 : memref<128x128xf32, #tpu.memory_space<vmem>>) dst(%dma_wait3A_238 : memref<3464x128xf32, #tpu.memory_space<vmem_shared>>)
        tpu.yield
      }) : () -> ()
    }
    %scan3A_79 = arith.constant 80 : i32
    %barrier3A_80 = arith.constant 0 : index
    tpu.barrier barrier_id(%barrier3A_80)
    %eq3A_81 = arith.constant 0 : i32
    %eq3A_82 = arith.cmpi eq, %arg0, %eq3A_81 : i32
    %convert_element_type3A_83 = arith.extui %eq3A_82 : i1 to i32
    %cond3A_84 = arith.constant 0 : i32
    %cond3A_85 = arith.cmpi ne, %convert_element_type3A_83, %cond3A_84 : i32
    scf.if %cond3A_85 {
      %mul3A_91 = arith.constant 216 : i32
      %mul3A_92 = arith.muli %arg1, %mul3A_91 : i32
      %mul3A_93 = arith.constant 216 : i32
      %mul3A_94 = arith.muli %arg1, %mul3A_93 : i32
      %add3A_95 = arith.constant 6912 : i32
      %add3A_96 = arith.addi %add3A_95, %mul3A_94 : i32
      "tpu.region"() ({
        %run_scoped3A = tpu.sem_alloc : memref<!tpu.dma_semaphore, #tpu.memory_space<semaphore_mem>>
        %dma_start3A = arith.constant 0 : i32
        %dma_start3A_97 = tpu.memref_slice %arg8[%add3A_96, %dma_start3A] : memref<10368x128xf32, #tpu.memory_space<hbm>> -> memref<216x128xf32, #tpu.memory_space<hbm>>
        %dma_start3A_98 = arith.constant 0 : i32
        %dma_start3A_99 = tpu.memref_slice %arg19[%mul3A_92, %dma_start3A_98] : memref<3464x128xf32, #tpu.memory_space<vmem_shared>> -> memref<216x128xf32, #tpu.memory_space<vmem_shared>>
        tpu.enqueue_dma source(%dma_start3A_99 : memref<216x128xf32, #tpu.memory_space<vmem_shared>>) target(%dma_start3A_97 : memref<216x128xf32, #tpu.memory_space<hbm>>) target_semaphore(%run_scoped3A : memref<!tpu.dma_semaphore, #tpu.memory_space<semaphore_mem>>)
        %dma_wait3A = arith.constant 0 : i32
        %dma_wait3A_100 = tpu.memref_slice %arg8[%add3A_96, %dma_wait3A] : memref<10368x128xf32, #tpu.memory_space<hbm>> -> memref<216x128xf32, #tpu.memory_space<hbm>>
        %dma_wait3A_101 = arith.constant 0 : i32
        %dma_wait3A_102 = tpu.memref_slice %arg19[%mul3A_92, %dma_wait3A_101] : memref<3464x128xf32, #tpu.memory_space<vmem_shared>> -> memref<216x128xf32, #tpu.memory_space<vmem_shared>>
        tpu.wait_dma2 semaphore(%run_scoped3A : memref<!tpu.dma_semaphore, #tpu.memory_space<semaphore_mem>>) src(%dma_wait3A_102 : memref<216x128xf32, #tpu.memory_space<vmem_shared>>) dst(%dma_wait3A_100 : memref<216x128xf32, #tpu.memory_space<hbm>>)
        tpu.yield
      }) : () -> ()
    } else {
    }
    %eq3A_86 = arith.constant 1 : i32
    %eq3A_87 = arith.cmpi eq, %arg0, %eq3A_86 : i32
    %convert_element_type3A_88 = arith.extui %eq3A_87 : i1 to i32
    %cond3A_89 = arith.constant 0 : i32
    %cond3A_90 = arith.cmpi ne, %convert_element_type3A_88, %cond3A_89 : i32
    scf.if %cond3A_90 {
      %mul3A_91 = arith.constant 216 : i32
      %mul3A_92 = arith.muli %arg1, %mul3A_91 : i32
      %mul3A_93 = arith.constant 216 : i32
      %mul3A_94 = arith.muli %arg1, %mul3A_93 : i32
      %add3A_95 = arith.constant 6912 : i32
      %add3A_96 = arith.addi %add3A_95, %mul3A_94 : i32
      "tpu.region"() ({
        %run_scoped3A = tpu.sem_alloc : memref<!tpu.dma_semaphore, #tpu.memory_space<semaphore_mem>>
        %dma_start3A = arith.constant 0 : i32
        %dma_start3A_97 = tpu.memref_slice %arg9[%add3A_96, %dma_start3A] : memref<10368x128xf32, #tpu.memory_space<hbm>> -> memref<216x128xf32, #tpu.memory_space<hbm>>
        %dma_start3A_98 = arith.constant 0 : i32
        %dma_start3A_99 = tpu.memref_slice %arg19[%mul3A_92, %dma_start3A_98] : memref<3464x128xf32, #tpu.memory_space<vmem_shared>> -> memref<216x128xf32, #tpu.memory_space<vmem_shared>>
        tpu.enqueue_dma source(%dma_start3A_99 : memref<216x128xf32, #tpu.memory_space<vmem_shared>>) target(%dma_start3A_97 : memref<216x128xf32, #tpu.memory_space<hbm>>) target_semaphore(%run_scoped3A : memref<!tpu.dma_semaphore, #tpu.memory_space<semaphore_mem>>)
        %dma_wait3A = arith.constant 0 : i32
        %dma_wait3A_100 = tpu.memref_slice %arg9[%add3A_96, %dma_wait3A] : memref<10368x128xf32, #tpu.memory_space<hbm>> -> memref<216x128xf32, #tpu.memory_space<hbm>>
        %dma_wait3A_101 = arith.constant 0 : i32
        %dma_wait3A_102 = tpu.memref_slice %arg19[%mul3A_92, %dma_wait3A_101] : memref<3464x128xf32, #tpu.memory_space<vmem_shared>> -> memref<216x128xf32, #tpu.memory_space<vmem_shared>>
        tpu.wait_dma2 semaphore(%run_scoped3A : memref<!tpu.dma_semaphore, #tpu.memory_space<semaphore_mem>>) src(%dma_wait3A_102 : memref<216x128xf32, #tpu.memory_space<vmem_shared>>) dst(%dma_wait3A_100 : memref<216x128xf32, #tpu.memory_space<hbm>>)
        tpu.yield
      }) : () -> ()
    } else {
    }
    return
  }
}

module attributes {stable_mosaic.version = 14 : i64} {
  func.func @_k1_body(%arg0: i32, %arg1: memref<1000x128xf32, #tpu.memory_space<vmem>>, %arg2: memref<1000x128xf32, #tpu.memory_space<vmem>>, %arg3: memref<128x256xf32, #tpu.memory_space<vmem>>, %arg4: memref<128x128xf32, #tpu.memory_space<vmem>>, %arg5: memref<128x128xf32, #tpu.memory_space<vmem>>, %arg6: memref<1000x128xf32, #tpu.memory_space<vmem>>, %arg7: memref<1000x128xf32, #tpu.memory_space<vmem>>, %arg8: memref<1000x128xf32, #tpu.memory_space<vmem>>, %arg9: memref<1000x128xf32, #tpu.memory_space<vmem>>) attributes {dimension_semantics = [#tpu.dimension_semantics<arbitrary>], iteration_bounds = array<i64: 10>, scalar_prefetch = 0 : i64, scratch_operands = 0 : i64, tpu.core_type = #tpu.core_type<tc>, window_params = [{transform_indices = @transform_0, window_bounds = array<i64: 1000, 128>}, {transform_indices = @transform_1, window_bounds = array<i64: 1000, 128>}, {pipeline_mode = #tpu.pipeline_mode<synchronous>, transform_indices = @transform_2, window_bounds = array<i64: 128, 256>}, {pipeline_mode = #tpu.pipeline_mode<synchronous>, transform_indices = @transform_3, window_bounds = array<i64: 128, 128>}, {pipeline_mode = #tpu.pipeline_mode<synchronous>, transform_indices = @transform_4, window_bounds = array<i64: 128, 128>}, {transform_indices = @transform_5, window_bounds = array<i64: 1000, 128>}, {transform_indices = @transform_6, window_bounds = array<i64: 1000, 128>}, {transform_indices = @transform_7, window_bounds = array<i64: 1000, 128>}, {transform_indices = @transform_8, window_bounds = array<i64: 1000, 128>}]} {
    %get3A = arith.constant 0 : index
    %get3A_0 = arith.constant 0 : index
    %get3A_1 = vector.load %arg1[%get3A, %get3A_0] : memref<1000x128xf32, #tpu.memory_space<vmem>>, vector<1000x128xf32>
    %get3A_2 = arith.constant 0 : index
    %get3A_3 = arith.constant 0 : index
    %get3A_4 = vector.load %arg3[%get3A_2, %get3A_3] : memref<128x256xf32, #tpu.memory_space<vmem>>, vector<128x256xf32>
    %dot_general3A = arith.constant dense<0.000000e+00> : vector<1000x256xf32>
    %dot_general3A_5 = tpu.matmul %get3A_1, %get3A_4, %dot_general3A {dimension_numbers = #tpu.dot_dimension_numbers<[1], [0], [0], [1], [0, 0, 1, 1], [], []>, precision = #tpu.contract_precision<fp32>, transpose_lhs_hint = false} : vector<1000x128xf32>, vector<128x256xf32>, vector<1000x256xf32> -> vector<1000x256xf32>
    %get3A_6 = arith.constant 0 : index
    %get3A_7 = arith.constant 0 : index
    %get3A_8 = vector.load %arg2[%get3A_6, %get3A_7] : memref<1000x128xf32, #tpu.memory_space<vmem>>, vector<1000x128xf32>
    %get3A_9 = arith.constant 0 : index
    %get3A_10 = arith.constant 0 : index
    %get3A_11 = vector.load %arg3[%get3A_9, %get3A_10] : memref<128x256xf32, #tpu.memory_space<vmem>>, vector<128x256xf32>
    %dot_general3A_12 = arith.constant dense<0.000000e+00> : vector<1000x256xf32>
    %dot_general3A_13 = tpu.matmul %get3A_8, %get3A_11, %dot_general3A_12 {dimension_numbers = #tpu.dot_dimension_numbers<[1], [0], [0], [1], [0, 0, 1, 1], [], []>, precision = #tpu.contract_precision<fp32>, transpose_lhs_hint = false} : vector<1000x128xf32>, vector<128x256xf32>, vector<1000x256xf32> -> vector<1000x256xf32>
    %slice3A = vector.extract_strided_slice %dot_general3A_5 {offsets = [0, 0], sizes = [1000, 128], strides = [1, 1]} : vector<1000x256xf32> to vector<1000x128xf32>
    %slice3A_14 = vector.extract_strided_slice %dot_general3A_5 {offsets = [0, 128], sizes = [1000, 128], strides = [1, 1]} : vector<1000x256xf32> to vector<1000x128xf32>
    %slice3A_15 = vector.extract_strided_slice %dot_general3A_13 {offsets = [0, 0], sizes = [1000, 128], strides = [1, 1]} : vector<1000x256xf32> to vector<1000x128xf32>
    %slice3A_16 = vector.extract_strided_slice %dot_general3A_13 {offsets = [0, 128], sizes = [1000, 128], strides = [1, 1]} : vector<1000x256xf32> to vector<1000x128xf32>
    %get3A_17 = arith.constant 0 : index
    %get3A_18 = arith.constant 0 : index
    %get3A_19 = vector.load %arg4[%get3A_17, %get3A_18] : memref<128x128xf32, #tpu.memory_space<vmem>>, vector<128x128xf32>
    %dot_general3A_20 = arith.constant dense<0.000000e+00> : vector<1000x128xf32>
    %dot_general3A_21 = tpu.matmul %slice3A, %get3A_19, %dot_general3A_20 {dimension_numbers = #tpu.dot_dimension_numbers<[1], [0], [0], [1], [0, 0, 1, 1], [], []>, precision = #tpu.contract_precision<fp32>, transpose_lhs_hint = false} : vector<1000x128xf32>, vector<128x128xf32>, vector<1000x128xf32> -> vector<1000x128xf32>
    %swap3A = arith.constant 0 : index
    %swap3A_22 = arith.constant 0 : index
    %swap3A_23 = vector.load %arg6[%swap3A, %swap3A_22] : memref<1000x128xf32, #tpu.memory_space<vmem>>, vector<1000x128xf32>
    tpu.vector_store %arg6[%swap3A, %swap3A_22], %dot_general3A_21 {strides = array<i32>} : memref<1000x128xf32, #tpu.memory_space<vmem>>, vector<1000x128xf32>,
    %dot_general3A_24 = arith.constant dense<0.000000e+00> : vector<1000x128xf32>
    %dot_general3A_25 = tpu.matmul %slice3A_14, %get3A_19, %dot_general3A_24 {dimension_numbers = #tpu.dot_dimension_numbers<[1], [0], [0], [1], [0, 0, 1, 1], [], []>, precision = #tpu.contract_precision<fp32>, transpose_lhs_hint = false} : vector<1000x128xf32>, vector<128x128xf32>, vector<1000x128xf32> -> vector<1000x128xf32>
    %swap3A_26 = arith.constant 0 : index
    %swap3A_27 = arith.constant 0 : index
    %swap3A_28 = vector.load %arg7[%swap3A_26, %swap3A_27] : memref<1000x128xf32, #tpu.memory_space<vmem>>, vector<1000x128xf32>
    tpu.vector_store %arg7[%swap3A_26, %swap3A_27], %dot_general3A_25 {strides = array<i32>} : memref<1000x128xf32, #tpu.memory_space<vmem>>, vector<1000x128xf32>,
    %get3A_29 = arith.constant 0 : index
    %get3A_30 = arith.constant 0 : index
    %get3A_31 = vector.load %arg5[%get3A_29, %get3A_30] : memref<128x128xf32, #tpu.memory_space<vmem>>, vector<128x128xf32>
    %add3A = arith.addf %slice3A, %slice3A_14 : vector<1000x128xf32>
    %mul3A = arith.constant 5.000000e-01 : f32
    %mul3A_32 = vector.broadcast %mul3A : f32 to vector<1000x128xf32>
    %mul3A_33 = arith.mulf %mul3A_32, %add3A : vector<1000x128xf32>
    %dot_general3A_34 = arith.constant dense<0.000000e+00> : vector<1000x128xf32>
    %dot_general3A_35 = tpu.matmul %mul3A_33, %get3A_31, %dot_general3A_34 {dimension_numbers = #tpu.dot_dimension_numbers<[1], [0], [0], [1], [0, 0, 1, 1], [], []>, precision = #tpu.contract_precision<fp32>, transpose_lhs_hint = false} : vector<1000x128xf32>, vector<128x128xf32>, vector<1000x128xf32> -> vector<1000x128xf32>
    %swap3A_36 = arith.constant 0 : index
    %swap3A_37 = arith.constant 0 : index
    %swap3A_38 = vector.load %arg8[%swap3A_36, %swap3A_37] : memref<1000x128xf32, #tpu.memory_space<vmem>>, vector<1000x128xf32>
    tpu.vector_store %arg8[%swap3A_36, %swap3A_37], %dot_general3A_35 {strides = array<i32>} : memref<1000x128xf32, #tpu.memory_space<vmem>>, vector<1000x128xf32>,
    %add3A_39 = arith.addf %slice3A_15, %slice3A_16 : vector<1000x128xf32>
    %mul3A_40 = arith.constant 5.000000e-01 : f32
    %mul3A_41 = vector.broadcast %mul3A_40 : f32 to vector<1000x128xf32>
    %mul3A_42 = arith.mulf %mul3A_41, %add3A_39 : vector<1000x128xf32>
    %dot_general3A_43 = arith.constant dense<0.000000e+00> : vector<1000x128xf32>
    %dot_general3A_44 = tpu.matmul %mul3A_42, %get3A_31, %dot_general3A_43 {dimension_numbers = #tpu.dot_dimension_numbers<[1], [0], [0], [1], [0, 0, 1, 1], [], []>, precision = #tpu.contract_precision<fp32>, transpose_lhs_hint = false} : vector<1000x128xf32>, vector<128x128xf32>, vector<1000x128xf32> -> vector<1000x128xf32>
    %swap3A_45 = arith.constant 0 : index
    %swap3A_46 = arith.constant 0 : index
    %swap3A_47 = vector.load %arg9[%swap3A_45, %swap3A_46] : memref<1000x128xf32, #tpu.memory_space<vmem>>, vector<1000x128xf32>
    tpu.vector_store %arg9[%swap3A_45, %swap3A_46], %dot_general3A_44 {strides = array<i32>} : memref<1000x128xf32, #tpu.memory_space<vmem>>, vector<1000x128xf32>,
    return
  }
  func.func @transform_0(%arg0: i32) -> (i32, i32) {
    %c0_i32 = arith.constant 0 : i32
    %c0_i32_0 = arith.constant 0 : i32
    return %arg0, %c0_i32 : i32, i32
  }
  func.func @transform_1(%arg0: i32) -> (i32, i32) {
    %c0_i32 = arith.constant 0 : i32
    %c0_i32_0 = arith.constant 0 : i32
    return %arg0, %c0_i32 : i32, i32
  }
  func.func @transform_2(%arg0: i32) -> (i32, i32) {
    %c0_i32 = arith.constant 0 : i32
    %c0_i32_0 = arith.constant 0 : i32
    %c0_i32_1 = arith.constant 0 : i32
    return %c0_i32, %c0_i32_0 : i32, i32
  }
  func.func @transform_3(%arg0: i32) -> (i32, i32) {
    %c0_i32 = arith.constant 0 : i32
    %c0_i32_0 = arith.constant 0 : i32
    %c0_i32_1 = arith.constant 0 : i32
    return %c0_i32, %c0_i32_0 : i32, i32
  }
  func.func @transform_4(%arg0: i32) -> (i32, i32) {
    %c0_i32 = arith.constant 0 : i32
    %c0_i32_0 = arith.constant 0 : i32
    %c0_i32_1 = arith.constant 0 : i32
    return %c0_i32, %c0_i32_0 : i32, i32
  }
  func.func @transform_5(%arg0: i32) -> (i32, i32) {
    %c0_i32 = arith.constant 0 : i32
    %c0_i32_0 = arith.constant 0 : i32
    return %arg0, %c0_i32 : i32, i32
  }
  func.func @transform_6(%arg0: i32) -> (i32, i32) {
    %c0_i32 = arith.constant 0 : i32
    %c0_i32_0 = arith.constant 0 : i32
    return %arg0, %c0_i32 : i32, i32
  }
  func.func @transform_7(%arg0: i32) -> (i32, i32) {
    %c0_i32 = arith.constant 0 : i32
    %c0_i32_0 = arith.constant 0 : i32
    return %arg0, %c0_i32 : i32, i32
  }
  func.func @transform_8(%arg0: i32) -> (i32, i32) {
    %c0_i32 = arith.constant 0 : i32
    %c0_i32_0 = arith.constant 0 : i32
    return %arg0, %c0_i32 : i32, i32
  }
}

module attributes {stable_mosaic.version = 14 : i64} {
  func.func @_kd_body(%arg0: i32, %arg1: memref<32x2048xf32, #tpu.memory_space<vmem>>, %arg2: memref<8x2048xf32, #tpu.memory_space<vmem>>, %arg3: memref<8x2048xf32, #tpu.memory_space<vmem>>) attributes {dimension_semantics = [#tpu.dimension_semantics<arbitrary>], iteration_bounds = array<i64: 5>, scalar_prefetch = 0 : i64, scratch_operands = 0 : i64, tpu.core_type = #tpu.core_type<tc>, window_params = [{transform_indices = @transform_0, window_bounds = array<i64: 32, 2048>}, {transform_indices = @transform_1, window_bounds = array<i64: 8, 2048>}, {transform_indices = @transform_2, window_bounds = array<i64: 8, 2048>}]} {
    %get3A = arith.constant 0 : index
    %get3A_0 = arith.constant 0 : index
    %get3A_1 = vector.load %arg1[%get3A, %get3A_0] : memref<32x2048xf32, #tpu.memory_space<vmem>>, vector<32x2048xf32>
    %slice3A = vector.extract_strided_slice %get3A_1 {offsets = [0, 0], sizes = [16, 2048], strides = [1, 1]} : vector<32x2048xf32> to vector<16x2048xf32>
    %reduce_sum3A = arith.constant dense<0.000000e+00> : vector<2048xf32>
    %reduce_sum3A_2 = vector.multi_reduction <add>, %slice3A, %reduce_sum3A [0] : vector<16x2048xf32> to vector<2048xf32>
    %slice3A_3 = vector.extract_strided_slice %get3A_1 {offsets = [16, 0], sizes = [16, 2048], strides = [1, 1]} : vector<32x2048xf32> to vector<16x2048xf32>
    %reduce_sum3A_4 = arith.constant dense<0.000000e+00> : vector<2048xf32>
    %reduce_sum3A_5 = vector.multi_reduction <add>, %slice3A_3, %reduce_sum3A_4 [0] : vector<16x2048xf32> to vector<2048xf32>
    %gt3A = arith.constant 0.000000e+00 : f32
    %gt3A_6 = vector.broadcast %gt3A : f32 to vector<2048xf32>
    %gt3A_7 = arith.cmpf ogt, %reduce_sum3A_2, %gt3A_6 : vector<2048xf32>
    %div3A = arith.constant 5.000000e-01 : f32
    %div3A_8 = vector.broadcast %div3A : f32 to vector<2048xf32>
    %div3A_9 = arith.divf %div3A_8, %reduce_sum3A_2 : vector<2048xf32>
    %jit3A = arith.constant 0.000000e+00 : f32
    %broadcast_in_dim3A = vector.broadcast %jit3A : f32 to vector<2048xf32>
    %select_n3A = arith.select %gt3A_7, %div3A_9, %broadcast_in_dim3A : vector<2048xi1>, vector<2048xf32>
    %gt3A_10 = arith.constant 0.000000e+00 : f32
    %gt3A_11 = vector.broadcast %gt3A_10 : f32 to vector<2048xf32>
    %gt3A_12 = arith.cmpf ogt, %reduce_sum3A_5, %gt3A_11 : vector<2048xf32>
    %div3A_13 = arith.constant 5.000000e-01 : f32
    %div3A_14 = vector.broadcast %div3A_13 : f32 to vector<2048xf32>
    %div3A_15 = arith.divf %div3A_14, %reduce_sum3A_5 : vector<2048xf32>
    %jit3A_16 = arith.constant 0.000000e+00 : f32
    %broadcast_in_dim3A_17 = vector.broadcast %jit3A_16 : f32 to vector<2048xf32>
    %select_n3A_18 = arith.select %gt3A_12, %div3A_15, %broadcast_in_dim3A_17 : vector<2048xi1>, vector<2048xf32>
    %broadcast_in_dim3A_19 = vector.shape_cast %select_n3A : vector<2048xf32> to vector<1x2048xf32>
    %broadcast_in_dim3A_20 = vector.shape_cast %broadcast_in_dim3A_19 : vector<1x2048xf32> to vector<1x2048xf32>
    %broadcast_in_dim3A_21 = vector.broadcast %broadcast_in_dim3A_20 : vector<1x2048xf32> to vector<8x2048xf32>
    %swap3A = arith.constant 0 : index
    %swap3A_22 = arith.constant 0 : index
    %swap3A_23 = vector.load %arg2[%swap3A, %swap3A_22] : memref<8x2048xf32, #tpu.memory_space<vmem>>, vector<8x2048xf32>
    tpu.vector_store %arg2[%swap3A, %swap3A_22], %broadcast_in_dim3A_21 {strides = array<i32>} : memref<8x2048xf32, #tpu.memory_space<vmem>>, vector<8x2048xf32>,
    %broadcast_in_dim3A_24 = vector.shape_cast %select_n3A_18 : vector<2048xf32> to vector<1x2048xf32>
    %broadcast_in_dim3A_25 = vector.shape_cast %broadcast_in_dim3A_24 : vector<1x2048xf32> to vector<1x2048xf32>
    %broadcast_in_dim3A_26 = vector.broadcast %broadcast_in_dim3A_25 : vector<1x2048xf32> to vector<8x2048xf32>
    %swap3A_27 = arith.constant 0 : index
    %swap3A_28 = arith.constant 0 : index
    %swap3A_29 = vector.load %arg3[%swap3A_27, %swap3A_28] : memref<8x2048xf32, #tpu.memory_space<vmem>>, vector<8x2048xf32>
    tpu.vector_store %arg3[%swap3A_27, %swap3A_28], %broadcast_in_dim3A_26 {strides = array<i32>} : memref<8x2048xf32, #tpu.memory_space<vmem>>, vector<8x2048xf32>,
    return
  }
  func.func @transform_0(%arg0: i32) -> (i32, i32) {
    %c0_i32 = arith.constant 0 : i32
    %c0_i32_0 = arith.constant 0 : i32
    return %c0_i32, %arg0 : i32, i32
  }
  func.func @transform_1(%arg0: i32) -> (i32, i32) {
    %c0_i32 = arith.constant 0 : i32
    %c0_i32_0 = arith.constant 0 : i32
    return %c0_i32, %arg0 : i32, i32
  }
  func.func @transform_2(%arg0: i32) -> (i32, i32) {
    %c0_i32 = arith.constant 0 : i32
    %c0_i32_0 = arith.constant 0 : i32
    return %c0_i32, %arg0 : i32, i32
  }
}

module attributes {stable_mosaic.version = 14 : i64} {
  func.func @_k2_body(%arg0: i32, %arg1: memref<1296x128xf32, #tpu.memory_space<vmem>>, %arg2: memref<1296x128xf32, #tpu.memory_space<vmem>>, %arg3: memref<128x128xf32, #tpu.memory_space<vmem>>, %arg4: memref<1296x128xf32, #tpu.memory_space<vmem>>, %arg5: memref<1296x128xf32, #tpu.memory_space<vmem>>) attributes {dimension_semantics = [#tpu.dimension_semantics<arbitrary>], iteration_bounds = array<i64: 8>, scalar_prefetch = 0 : i64, scratch_operands = 0 : i64, tpu.core_type = #tpu.core_type<tc>, window_params = [{transform_indices = @transform_0, window_bounds = array<i64: 1296, 128>}, {transform_indices = @transform_1, window_bounds = array<i64: 1296, 128>}, {pipeline_mode = #tpu.pipeline_mode<synchronous>, transform_indices = @transform_2, window_bounds = array<i64: 128, 128>}, {transform_indices = @transform_3, window_bounds = array<i64: 1296, 128>}, {transform_indices = @transform_4, window_bounds = array<i64: 1296, 128>}]} {
    %get3A = arith.constant 0 : index
    %get3A_0 = arith.constant 0 : index
    %get3A_1 = vector.load %arg3[%get3A, %get3A_0] : memref<128x128xf32, #tpu.memory_space<vmem>>, vector<128x128xf32>
    %get3A_2 = arith.constant 0 : index
    %get3A_3 = arith.constant 0 : index
    %get3A_4 = vector.load %arg1[%get3A_2, %get3A_3] : memref<1296x128xf32, #tpu.memory_space<vmem>>, vector<1296x128xf32>
    %get3A_5 = arith.constant 0 : index
    %get3A_6 = arith.constant 0 : index
    %get3A_7 = vector.load %arg2[%get3A_5, %get3A_6] : memref<1296x128xf32, #tpu.memory_space<vmem>>, vector<1296x128xf32>
    %gt3A = arith.constant 0.000000e+00 : f32
    %gt3A_8 = vector.broadcast %gt3A : f32 to vector<1296x128xf32>
    %gt3A_9 = arith.cmpf ogt, %get3A_4, %gt3A_8 : vector<1296x128xf32>
    %min3A = arith.constant 0.000000e+00 : f32
    %min3A_10 = vector.broadcast %min3A : f32 to vector<1296x128xf32>
    %min3A_11 = arith.minimumf %get3A_4, %min3A_10 : vector<1296x128xf32>
    %exp3A = math.exp %min3A_11 : vector<1296x128xf32>
    %sub3A = arith.constant 1.000000e+00 : f32
    %sub3A_12 = vector.broadcast %sub3A : f32 to vector<1296x128xf32>
    %sub3A_13 = arith.subf %exp3A, %sub3A_12 : vector<1296x128xf32>
    %select_n3A = arith.select %gt3A_9, %get3A_4, %sub3A_13 : vector<1296x128xi1>, vector<1296x128xf32>
    %gt3A_14 = arith.constant 0.000000e+00 : f32
    %gt3A_15 = vector.broadcast %gt3A_14 : f32 to vector<1296x128xf32>
    %gt3A_16 = arith.cmpf ogt, %get3A_7, %gt3A_15 : vector<1296x128xf32>
    %min3A_17 = arith.constant 0.000000e+00 : f32
    %min3A_18 = vector.broadcast %min3A_17 : f32 to vector<1296x128xf32>
    %min3A_19 = arith.minimumf %get3A_7, %min3A_18 : vector<1296x128xf32>
    %exp3A_20 = math.exp %min3A_19 : vector<1296x128xf32>
    %sub3A_21 = arith.constant 1.000000e+00 : f32
    %sub3A_22 = vector.broadcast %sub3A_21 : f32 to vector<1296x128xf32>
    %sub3A_23 = arith.subf %exp3A_20, %sub3A_22 : vector<1296x128xf32>
    %select_n3A_24 = arith.select %gt3A_16, %get3A_7, %sub3A_23 : vector<1296x128xi1>, vector<1296x128xf32>
    %dot_general3A = arith.constant dense<0.000000e+00> : vector<1296x128xf32>
    %dot_general3A_25 = tpu.matmul %select_n3A, %get3A_1, %dot_general3A {dimension_numbers = #tpu.dot_dimension_numbers<[1], [0], [0], [1], [0, 0, 1, 1], [], []>, precision = #tpu.contract_precision<fp32>, transpose_lhs_hint = false} : vector<1296x128xf32>, vector<128x128xf32>, vector<1296x128xf32> -> vector<1296x128xf32>
    %swap3A = arith.constant 0 : index
    %swap3A_26 = arith.constant 0 : index
    %swap3A_27 = vector.load %arg4[%swap3A, %swap3A_26] : memref<1296x128xf32, #tpu.memory_space<vmem>>, vector<1296x128xf32>
    tpu.vector_store %arg4[%swap3A, %swap3A_26], %dot_general3A_25 {strides = array<i32>} : memref<1296x128xf32, #tpu.memory_space<vmem>>, vector<1296x128xf32>,
    %dot_general3A_28 = arith.constant dense<0.000000e+00> : vector<1296x128xf32>
    %dot_general3A_29 = tpu.matmul %select_n3A_24, %get3A_1, %dot_general3A_28 {dimension_numbers = #tpu.dot_dimension_numbers<[1], [0], [0], [1], [0, 0, 1, 1], [], []>, precision = #tpu.contract_precision<fp32>, transpose_lhs_hint = false} : vector<1296x128xf32>, vector<128x128xf32>, vector<1296x128xf32> -> vector<1296x128xf32>
    %swap3A_30 = arith.constant 0 : index
    %swap3A_31 = arith.constant 0 : index
    %swap3A_32 = vector.load %arg5[%swap3A_30, %swap3A_31] : memref<1296x128xf32, #tpu.memory_space<vmem>>, vector<1296x128xf32>
    tpu.vector_store %arg5[%swap3A_30, %swap3A_31], %dot_general3A_29 {strides = array<i32>} : memref<1296x128xf32, #tpu.memory_space<vmem>>, vector<1296x128xf32>,
    return
  }
  func.func @transform_0(%arg0: i32) -> (i32, i32) {
    %c0_i32 = arith.constant 0 : i32
    %c0_i32_0 = arith.constant 0 : i32
    return %arg0, %c0_i32 : i32, i32
  }
  func.func @transform_1(%arg0: i32) -> (i32, i32) {
    %c0_i32 = arith.constant 0 : i32
    %c0_i32_0 = arith.constant 0 : i32
    return %arg0, %c0_i32 : i32, i32
  }
  func.func @transform_2(%arg0: i32) -> (i32, i32) {
    %c0_i32 = arith.constant 0 : i32
    %c0_i32_0 = arith.constant 0 : i32
    %c0_i32_1 = arith.constant 0 : i32
    return %c0_i32, %c0_i32_0 : i32, i32
  }
  func.func @transform_3(%arg0: i32) -> (i32, i32) {
    %c0_i32 = arith.constant 0 : i32
    %c0_i32_0 = arith.constant 0 : i32
    return %arg0, %c0_i32 : i32, i32
  }
  func.func @transform_4(%arg0: i32) -> (i32, i32) {
    %c0_i32 = arith.constant 0 : i32
    %c0_i32_0 = arith.constant 0 : i32
    return %arg0, %c0_i32 : i32, i32
  }
}

module attributes {stable_mosaic.version = 14 : i64} {
  func.func @_k3_body(%arg0: i32, %arg1: memref<1296x128xf32, #tpu.memory_space<vmem>>, %arg2: memref<1296x128xf32, #tpu.memory_space<vmem>>, %arg3: memref<128x40xf32, #tpu.memory_space<vmem>>, %arg4: memref<128x40xf32, #tpu.memory_space<vmem>>, %arg5: memref<1296x40xf32, #tpu.memory_space<vmem>>) attributes {dimension_semantics = [#tpu.dimension_semantics<arbitrary>], iteration_bounds = array<i64: 8>, scalar_prefetch = 0 : i64, scratch_operands = 0 : i64, tpu.core_type = #tpu.core_type<tc>, window_params = [{transform_indices = @transform_0, window_bounds = array<i64: 1296, 128>}, {transform_indices = @transform_1, window_bounds = array<i64: 1296, 128>}, {pipeline_mode = #tpu.pipeline_mode<synchronous>, transform_indices = @transform_2, window_bounds = array<i64: 128, 40>}, {pipeline_mode = #tpu.pipeline_mode<synchronous>, transform_indices = @transform_3, window_bounds = array<i64: 128, 40>}, {transform_indices = @transform_4, window_bounds = array<i64: 1296, 40>}]} {
    %get3A = arith.constant 0 : index
    %get3A_0 = arith.constant 0 : index
    %get3A_1 = vector.load %arg1[%get3A, %get3A_0] : memref<1296x128xf32, #tpu.memory_space<vmem>>, vector<1296x128xf32>
    %get3A_2 = arith.constant 0 : index
    %get3A_3 = arith.constant 0 : index
    %get3A_4 = vector.load %arg3[%get3A_2, %get3A_3] : memref<128x40xf32, #tpu.memory_space<vmem>>, vector<128x40xf32>
    %dot_general3A = arith.constant dense<0.000000e+00> : vector<1296x40xf32>
    %dot_general3A_5 = tpu.matmul %get3A_1, %get3A_4, %dot_general3A {dimension_numbers = #tpu.dot_dimension_numbers<[1], [0], [0], [1], [0, 0, 1, 1], [], []>, precision = #tpu.contract_precision<fp32>, transpose_lhs_hint = false} : vector<1296x128xf32>, vector<128x40xf32>, vector<1296x40xf32> -> vector<1296x40xf32>
    %get3A_6 = arith.constant 0 : index
    %get3A_7 = arith.constant 0 : index
    %get3A_8 = vector.load %arg2[%get3A_6, %get3A_7] : memref<1296x128xf32, #tpu.memory_space<vmem>>, vector<1296x128xf32>
    %get3A_9 = arith.constant 0 : index
    %get3A_10 = arith.constant 0 : index
    %get3A_11 = vector.load %arg4[%get3A_9, %get3A_10] : memref<128x40xf32, #tpu.memory_space<vmem>>, vector<128x40xf32>
    %dot_general3A_12 = arith.constant dense<0.000000e+00> : vector<1296x40xf32>
    %dot_general3A_13 = tpu.matmul %get3A_8, %get3A_11, %dot_general3A_12 {dimension_numbers = #tpu.dot_dimension_numbers<[1], [0], [0], [1], [0, 0, 1, 1], [], []>, precision = #tpu.contract_precision<fp32>, transpose_lhs_hint = false} : vector<1296x128xf32>, vector<128x40xf32>, vector<1296x40xf32> -> vector<1296x40xf32>
    %add3A = arith.addf %dot_general3A_5, %dot_general3A_13 : vector<1296x40xf32>
    %swap3A = arith.constant 0 : index
    %swap3A_14 = arith.constant 0 : index
    %swap3A_15 = vector.load %arg5[%swap3A, %swap3A_14] : memref<1296x40xf32, #tpu.memory_space<vmem>>, vector<1296x40xf32>
    tpu.vector_store %arg5[%swap3A, %swap3A_14], %add3A {strides = array<i32>} : memref<1296x40xf32, #tpu.memory_space<vmem>>, vector<1296x40xf32>,
    return
  }
  func.func @transform_0(%arg0: i32) -> (i32, i32) {
    %c0_i32 = arith.constant 0 : i32
    %c0_i32_0 = arith.constant 0 : i32
    return %arg0, %c0_i32 : i32, i32
  }
  func.func @transform_1(%arg0: i32) -> (i32, i32) {
    %c0_i32 = arith.constant 0 : i32
    %c0_i32_0 = arith.constant 0 : i32
    return %arg0, %c0_i32 : i32, i32
  }
  func.func @transform_2(%arg0: i32) -> (i32, i32) {
    %c0_i32 = arith.constant 0 : i32
    %c0_i32_0 = arith.constant 0 : i32
    %c0_i32_1 = arith.constant 0 : i32
    return %c0_i32, %c0_i32_0 : i32, i32
  }
  func.func @transform_3(%arg0: i32) -> (i32, i32) {
    %c0_i32 = arith.constant 0 : i32
    %c0_i32_0 = arith.constant 0 : i32
    %c0_i32_1 = arith.constant 0 : i32
    return %c0_i32, %c0_i32_0 : i32, i32
  }
  func.func @transform_4(%arg0: i32) -> (i32, i32) {
    %c0_i32 = arith.constant 0 : i32
    %c0_i32_0 = arith.constant 0 : i32
    return %arg0, %c0_i32 : i32, i32
  }
}

</mosaic_0001>

<sc_bundles>
// kernel: closed_call.11.cloned.1.call-start
scs
__scs_entry_jumppad:
0x0: {  	(pc) =	sbr.rel $0x88, $3  }
0x1: {  	(tag) =	ssettag $0x0;
	lr =	simm.s32 $0x1  }
0x2: {  	[smem:$0x3F99] =	sst lr;
	_ =	strace $0xD0000000  }
0x3: {  	_ = 	snop  }
0x4: {  	_ = 	snop  }
0x5: {  	_ = 	snop  }
0x6: {  	_ = 	snop  }
0x7: {  	_ = 	snop  }
__scs_overlays_trampoline_lowered:
0x8: {  	[smem:$0x3FA8] =	sst s0  }
0x9: {  	[smem:$0x3FA9] =	sst s1  }
0xa: {  	[smem:$0x3FAA] =	sst s2  }
0xb: {  	[smem:$0x3FAB] =	sst s3  }
0xc: {  	[smem:$0x3FAC] =	sst s4  }
0xd: {  	[smem:$0x3FAD] =	sst s5  }
0xe: {  	[smem:$0x3FAE] =	sst s6  }
0xf: {  	[smem:$0x3FAF] =	sst s7  }
0x10: {  	[smem:$0x3FB0] =	sst s8  }
0x11: {  	[smem:$0x3FB1] =	sst s9;
	s0 =	simm.s32 @!p0 $0x0  }
0x12: {  	s1 =	sld [smem:$0x3F97];
	s0 =	simm.s32 @p0 $0x1  }
0x13: {  	[smem:$0x3FB2] =	sst s0;
	s0 =	simm.s32 @!p1 $0x0  }
0x14: {  	s2 =	sld [smem:$0x3F96];
	s0 =	simm.s32 @p1 $0x1  }
0x15: {  	[smem:$0x3FB3] =	sst s0;
	s0 =	simm.s32 @!p2 $0x0  }
0x16: {  	s3 =	sld [smem:$0x3FDB];
	s0 =	simm.s32 @p2 $0x1  }
0x17: {  	s4 =	simm.s32 $0x1BF5;
	[smem:$0x3FB5] =	sst s0  }
0x18: {  	s0 =	sld [smem:$0x3F98];
	_ =	swait.ge [sflag:s4], $0x0  }
0x19: {  	s7 =	sld [smem:$0x3F99]  }
0x1a: {  	s8 =	sadd.s32 $0xFFFFE003, lr  }
0x1b: {  	s9 =	sadd.s32 $0xFFFFFEF7, lr;
	s5 =	simm.s32 $0xFFFFFFFF;
	p2 =	slt.u32 s8, $0xFFFFF086  }
0x1c: {  	p1 =	slt.u32 s9, $0xF7A;
	s5 =	simm.s32 @!p2 $0x0  }
0x1d: {  	s5 =	simm.s32 @p1 $0x1;
	p0 =	seq.s32 s7, s2  }
0x1e: {  	s7 =	smul.u32 @!p0 $0xF7A, s2;
	p2 =	seq.s32 @!p0 s5, $0x0  }
0x1f: {  	s9 =	smul.u32 $0xF7A, s1;
	s8 =	simm.s32 @!p0 $0x1BF5;
	p2 =	por !p2, p0  }
0x20: {  	[sflag:s8] =	ssyncset.s32 @!p0 $0xFFFFF086;
	s6 =	sadd.s32 @!p0 s3, s7;
	s7 =	simm.s32 @!p0 $0x108  }
0x21: {  	s3 =	sadd.s32 s3, s9;
	s6 =	sadd.s32 @!p0 $0x88, s6;
	s7 =	simm.s32 @p2 $0x1082  }
0x22: {  	[simem:s7], [sflag:s8] =	dma.local @!p0 [hbm:s6], $0xF7A  }
0x23: {  	s9 =	sor.u32 $0xD0000000, s2;
	s6 =	simm.s32 $0x108;
	_ =	swait.ge @!p0 [sflag:s8], $0x0  }
0x24: {  	s3 =	sadd.s32 $0x88, s3;
	s6 =	simm.s32 @!p1 $0x1082;
	[sflag:s4] =	ssyncset.s32 $0xFFFFF086  }
0x25: {  	[simem:s6], [sflag:s4] =	dma.local [hbm:s3], $0xF7A  }
0x26: {  	[smem:$0x3F99] =	sst s1;
	(tag) =	ssettag s2;
	_ =	strace s9  }
0x27: {  	s1 =	sld [smem:$0x3FA9]  }
0x28: {  	s2 =	sld [smem:$0x3FAA]  }
0x29: {  	s4 =	sld [smem:$0x3FAC]  }
0x2a: {  	p0 =	seq.s32 s5, $0x0;
	s5 =	sld [smem:$0x3FAD]  }
0x2b: {  	s6 =	sld [smem:$0x3FAE]  }
0x2c: {  	s7 =	sld [smem:$0x3FAF]  }
0x2d: {  	s3 =	simm.s32 $0x108;
	s8 =	sld [smem:$0x3FB0]  }
0x2e: {  	s3 =	simm.s32 @!p0 $0x1082;
	s9 =	sld [smem:$0x3FB1]  }
0x2f: {  	lr =	sadd.s32 s0, s3;
	s0 =	sld [smem:$0x3FA8]  }
0x30: {  	s3 =	sld [smem:$0x3FAB]  }
0x31: {  	[smem:$0x3FB4] =	sst s10  }
0x32: {  	s10 =	sld [smem:$0x3FB2];
	_ =	sdelay $0x3  }
0x33: {  	p0 =	seq.s32 s10, $0x1;
	s10 =	sld [smem:$0x3FB4];
	_ =	sdelay $0x3  }
0x34: {  	[smem:$0x3FB4] =	sst s10  }
0x35: {  	s10 =	sld [smem:$0x3FB3];
	_ =	sdelay $0x3  }
0x36: {  	p1 =	seq.s32 s10, $0x1;
	s10 =	sld [smem:$0x3FB4];
	_ =	sdelay $0x3  }
0x37: {  	[smem:$0x3FB4] =	sst s10  }
0x38: {  	s10 =	sld [smem:$0x3FB5]  }
0x39: {  	_ = 	snop;
	(pc) =	sbr.ind lr, $3  }
0x3a: {  	_ = 	snop  }
0x3b: {  	_ = 	snop  }
0x3c: {  	p2 =	seq.s32 s10, $0x1;
	s10 =	sld [smem:$0x3FB4]  }
0x3d: {  	_ =	shalt  }
0x3e: {  	_ =	shalt  }
0x3f: {  	_ =	shalt  }
0x40: {  	_ =	shalt  }
0x41: {  	_ =	shalt  }
0x42: {  	_ =	shalt  }
0x43: {  	_ =	shalt  }
0x44: {  	_ =	shalt  }
0x45: {  	_ =	shalt  }
0x46: {  	_ =	shalt  }
0x47: {  	_ =	shalt  }
0x48: {  	_ =	shalt  }
0x49: {  	_ =	shalt  }
0x4a: {  	_ =	shalt  }
0x4b: {  	_ =	shalt  }
0x4c: {  	_ =	shalt  }
0x4d: {  	_ =	shalt  }
0x4e: {  	_ =	shalt  }
0x4f: {  	_ =	shalt  }
0x50: {  	_ =	shalt  }
0x51: {  	_ =	shalt  }
0x52: {  	_ =	shalt  }
0x53: {  	_ =	shalt  }
0x54: {  	_ =	shalt  }
0x55: {  	_ =	shalt  }
0x56: {  	_ =	shalt  }
0x57: {  	_ =	shalt  }
0x58: {  	_ =	shalt  }
0x59: {  	_ =	shalt  }
0x5a: {  	_ =	shalt  }
0x5b: {  	_ =	shalt  }
0x5c: {  	_ =	shalt  }
0x5d: {  	_ =	shalt  }
0x5e: {  	_ =	shalt  }
0x5f: {  	_ =	shalt  }
0x60: {  	_ =	shalt  }
0x61: {  	_ =	shalt  }
0x62: {  	_ =	shalt  }
0x63: {  	_ =	shalt  }
0x64: {  	_ =	shalt  }
0x65: {  	_ =	shalt  }
0x66: {  	_ =	shalt  }
0x67: {  	_ =	shalt  }
0x68: {  	_ =	shalt  }
0x69: {  	_ =	shalt  }
0x6a: {  	_ =	shalt  }
0x6b: {  	_ =	shalt  }
0x6c: {  	_ =	shalt  }
0x6d: {  	_ =	shalt  }
0x6e: {  	_ =	shalt  }
0x6f: {  	_ =	shalt  }
0x70: {  	_ =	shalt  }
0x71: {  	_ =	shalt  }
0x72: {  	_ =	shalt  }
0x73: {  	_ =	shalt  }
0x74: {  	_ =	shalt  }
0x75: {  	_ =	shalt  }
0x76: {  	_ =	shalt  }
0x77: {  	_ =	shalt  }
0x78: {  	_ =	shalt  }
0x79: {  	_ =	shalt  }
0x7a: {  	_ =	shalt  }
0x7b: {  	_ =	shalt  }
0x7c: {  	_ =	shalt  }
0x7d: {  	_ =	shalt  }
0x7e: {  	_ =	shalt  }
0x7f: {  	_ =	shalt  }
0x80: {  	_ =	shalt  }
0x81: {  	_ =	shalt  }
0x82: {  	_ =	shalt  }
0x83: {  	_ =	shalt  }
0x84: {  	_ =	shalt  }
0x85: {  	_ =	shalt  }
0x86: {  	_ =	shalt  }
0x87: {  	_ =	shalt  }
.Lfunc_end0:
.L_simem_size_0:
called_computation_lowered:
.L_overlay_start_0:
0x88: {  	s2 =	sld [smem:$0x3FD9]  }
0x89: {  	s3 =	sld [smem:$0x3FFE];
	_ =	sdelay $0x1  }
0x8a: {  	s1 =	srdreg.scid  }
0x8b: {  	s0 =	sand.u32 $0x1, s1  }
0x8c: {  	s18 =	sshll.u32 s0, $0xA;
	s2 =	sadd.s32 s3, s2  }
0x8d: {  	s3 =	sadd.s32 s2, s18  }
0x8e: {  	[smem:$0x3FC0] =	sst s3  }
0x8f: {  	_ = 	snop  }
0x90: {  	s3 =	sld [smem:$0x3FD0];
	(tm) =	ssettm $0x1  }
0x91: {  	s4 =	sld [smem:$0x3FFB];
	_ =	sdelay $0x3  }
0x92: {  	_ =	strace s4  }
0x93: {  	s4 =	sld [smem:$0x3FFC];
	_ =	sdelay $0x3  }
0x94: {  	_ =	strace s4  }
0x95: {  	s4 =	sld [smem:$0x3FFD];
	_ =	sdelay $0x3  }
0x96: {  	_ =	strace s4  }
0x97: {  	_ =	strace $0x8FFFFFFF  }
0x98: {  	s19 =	sld [smem:$0x3FDB];
	_ =	sdelay $0x1  }
0x99: {  	s5 =	simm.s32 $_scs_section_size  }
0x9a: {  	s6 =	simm.s32 $_size__tile_overlayer_lowered;
	s7 =	simm.s32 $_tile_overlayer_lowered  }
0x9b: {  	s22 =	simm.s32 $0x1BFF;
	s21 =	sshll.u32 s7, $0x1;
	s4 =	sadd.s32 s5, s19  }
0x9c: {  	s8 =	simm.s32 $0x0;
	s20 =	sshll.u32 s6, $0x1;
	s6 =	sadd.s32 s21, s4  }
0x9d: {  	[timem:s8], [sflag:s22] =	dma.local [hbm:s6], s20  }
0x9e: {  	_ =	swait.ge [sflag:s22], s20  }
0x9f: {  	s5 =	ssub.s32 $0x0, s20;
	[sflag:s22] =	ssyncset.done $0x0  }
0xa0: {  	[sflag:s22] =	ssyncadd.s32 s5;
	_ =	sdelay $0x1  }
0xa1: {  	s23 =	simm.s32 $0x1B8B  }
0xa2: {  	_ =	swait.ge [sflag:s23], $0x1  }
0xa3: {  	[sflag:s23] =	ssyncset.done $0x0  }
0xa4: {  	s25 =	simm.s32 $0x1B8E;
	s24 =	sld [smem:$0x3FFE];
	[sflag:s23] =	ssyncadd.s32 $0xFFFFFFFF  }
0xa5: {  	s26 =	simm.s32 $execute0_lowered;
	[smem:$0x3FD2] =	sst s25  }
0xa6: {  	s6 =	sshll.u32 s26, $0x1;
	_ =	strace $0x8000004C;
	[dreg:$0x1] =	wrdreg $0xFFFFFFFF  }
0xa7: {  	s28 =	simm.s32 $_size_execute0_lowered;
	s4 =	sadd.s32 s4, s6;
	[dreg:$0x0] =	wrdreg $0x0  }
0xa8: {  	s6 =	sshll.u32 s28, $0x1;
	[dreg:$0x2] =	wrdreg s4  }
0xa9: {  	[dreg:$0x3] =	wrdreg s6  }
0xaa: {  	[dreg:$0x4] =	wrdreg $0xC0  }
0xab: {  	_ =	task [dreg:s8], $0x5FFFF  }
0xac: {  	[dreg:$0x1] =	wrdreg $0xFFFFFFFF  }
0xad: {  	[dreg:$0x0] =	wrdreg $0x60  }
0xae: {  	[dreg:$0x2] =	wrdreg s24  }
0xaf: {  	[dreg:$0x3] =	wrdreg s3  }
0xb0: {  	s2 =	sadd.s32 $0x800, s2;
	[dreg:$0x4] =	wrdreg $0x184800  }
0xb1: {  	[dreg:$0x5] =	wrdreg s2  }
0xb2: {  	[dreg:$0x6] =	wrdreg $0x9  }
0xb3: {  	_ =	task.clear_ibuf [dreg:s8], $0x7FFFF;
	_ =	strace $0x9000004C  }
0xb4: {  	s29 =	simm.s32 $0x9;
	_ =	strace $0x8000004E  }
0xb5: {  	_ =	swait.ge [sflag:s29], $0x1  }
0xb6: {  	[sflag:s29] =	ssyncadd.s32 $0xFFFFFFFF  }
0xb7: {  	_ =	strace $0x9000004E  }
0xb8: {  	_ =	sfence  }
0xb9: {  	s30 =	sld [smem:$0x0];
	_ =	sdelay $0x2  }
0xba: {  	s31 =	sshll.u32 s1, $0xD;
	s1 =	sshrl.u32 s1, $0x2  }
0xbb: {  	s3 =	sand.u32 $0x4000, s31;
	s1 =	sadd.s32 s1, s30  }
0xbc: {  	s0 =	sor.u32 s3, s0;
	s1 =	sshll.u32 s1, $0x11  }
0xbd: {  	s0 =	sor.u32 s1, s0  }
0xbe: {  	s0 =	sadd.s32 $0x8F2B, s0  }
0xbf: {  	[sflag:s0] =	ssyncadd.remote.s32 $0x1  }
0xc0: {  	_ =	sfence.sel $0xFFFF  }
0xc1: {  	[dreg:$0x0] =	wrdreg $0xFFFFFFFF;
	(pc) =	sbr.abs _section_cstart, $3  }
0xc2: {  	[dreg:$0x1] =	wrdreg $0xFFFFFFFF  }
0xc3: {  	_ =	task.clear_ibuf [dreg:s8], $0x2FFFF;
	_ =	strace $0x9FFFFFFF  }
0xc4: {  	(tm) =	ssettm $0x7FFFFFFF  }
0xc5: {  	_ =	shalt  }
tec
execute0_lowered:
.L_overlay_start_1:
0x0: {  	(tag) =	ssettag $0x1  }
0x1: {  	s0 =	rddreg [dreg:$0x0]  }
0x2: {  	s1 =	rddreg [dreg:$0x1]  }
0x3: {  	s2 =	rddreg [dreg:$0x2]  }
0x4: {  	s3 =	rddreg [dreg:$0x3]  }
0x5: {  	s4 =	simm.s32 $0x0;
	s15 =	stileid.u32;
	s5 =	srdreg.scid  }
0x6: {  	s20 =	simm.s32 $0x1;
	s28 =	simm.s32 $0xE000;
	s7 =	smul.u32 $0x2800, s15  }
0x7: {  	s29 =	simm.s32 $0x12000;
	s30 =	simm.s32 $0x16000;
	s11 =	smul.u32 $0x1B000, s15  }
0x8: {  	s31 =	simm.s32 $0x0;
	[smem:$0x7FF] =	sst s4;
	s24 =	smul.u32 $0x6C00, s15  }
0x9: {  	s8 =	sand.u32 $0x1, s5;
	s5 =	sadd.s32 $0x9A000, s0;
	s25 =	smul.u32 $0xD80, s15  }
0xa: {  	s6 =	sadd.s32 $0x35800, s0;
	s26 =	smul.u32 $0x28000, s15;
	_ =	strace $0x8000004D  }
0xb: {  	s9 =	smul.u32 $0x28000, s8;
	s21 =	ssub.s32 $0x2, s8;
	p0 =	seq.s32 s8, $0x0  }
0xc: {  	s8 =	smul.u32 $0x280000, s8;
	s10 =	sshrl.u32 s7, $0x3;
	s13 =	sshrl.u32 s21, $0x1  }
0xd: {  	s11 =	sshrl.u32 s11, $0x2;
	s7 =	sadd.s32 s7, s9;
	s10 =	sadd.s32 s10, s0  }
0xe: {  	s9 =	ssub.s32 s21, s13;
	s19 =	sadd.s32 s26, s8;
	s26 =	simm.s32 $0xA000  }
0xf: {  	s12 =	sshrl.u32 s7, $0x3;
	s22 =	sadd.s32 $0xC7800, s10;
	s10 =	sadd.s32 $0xC2800, s10  }
0x10: {  	s9 =	smax.u32 s9, $0x1;
	s14 =	sadd.s32 s12, s0;
	[dreg:$0x5] =	wrdreg s22  }
0x11: {  	[dreg:$0x6] =	wrdreg s10;
	s10 =	sadd.s32 s11, s2;
	s1 =	sadd.s32 s1, s12  }
0x12: {  	s11 =	simm.s32 $0xCC800;
	[dreg:$0x9] =	wrdreg s9;
	s22 =	simm.s32 $0x5000  }
0x13: {  	s23 =	sadd.s32 $0x2AC00, s14;
	[dreg:$0x8] =	wrdreg s1;
	s13 =	sadd.s32 $0x2400, s10  }
0x14: {  	s14 =	sadd.s32 $0x4800, s10;
	s11 =	simm.s32 @!p0 $0xF5000;
	s1 =	sshrl.u32 s24, $0x3  }
0x15: {  	s24 =	simm.s32 $0x16080;
	[dreg:$0x7] =	wrdreg s23;
	s0 =	sadd.s32 s11, s0  }
0x16: {  	s23 =	simm.s32 $0x7800;
	s1 =	sadd.s32 s0, s1;
	s16 =	sadd.s32 s0, s25  }
0x17: {  	v0 =	vimm.f32 $0.0e+00;
	s25 =	simm.s32 $0x80;
	s17 =	sadd.s32 $0xD800, s1;
	s18 =	sadd.s32 $0x1B000, s1  }
.LBB2_1:
0x18: {  	s0 =	rddreg [dreg:$0x5]  }
0x19: {  	[tilespmem:s4], [sflag:$0x1] =	stream.linear.gather [hbm4b:s0+s4], $0x2800, $0x38;
	[tilespmem:$0x1F0C0] =	vst v63  }
0x1a: {  	_ =	swait.ge [sflag:s20], $0x2800  }
0x1b: {  	[sflag:s20] =	ssyncset.done $0x0  }
0x1c: {  	s1 =	simm.s32 $0x2800;
	s12 =	rddreg [dreg:$0x6];
	[sflag:s20] =	ssyncadd.s32 $0xFFFFD800  }
0x1d: {  	[tilespmem:s1], [sflag:$0x1] =	stream.linear.gather [hbm4b:s12+s4], $0x2800, $0x38;
	[tilespmem:$0x1F0C0] =	vst v63  }
0x1e: {  	_ =	swait.ge [sflag:s20], $0x2800  }
0x1f: {  	[sflag:s20] =	ssyncset.done $0x0  }
0x20: {  	s15 =	rddreg [dreg:$0x7];
	[sflag:s20] =	ssyncadd.s32 $0xFFFFD800  }
0x21: {  	[tilespmem:s22], [sflag:$0x1] =	stream.linear.gather [hbm4b:s15+s4], $0x2800, $0x38;
	[tilespmem:$0x1F0C0] =	vst v63  }
0x22: {  	_ =	swait.ge [sflag:s20], $0x2800  }
0x23: {  	[sflag:s20] =	ssyncset.done $0x0  }
0x24: {  	s21 =	rddreg [dreg:$0x8];
	[sflag:s20] =	ssyncadd.s32 $0xFFFFD800  }
0x25: {  	[tilespmem:s23], [sflag:$0x1] =	stream.linear.gather [hbm4b:s21+s4], $0x2800, $0x38;
	[tilespmem:$0x1F0C0] =	vst v63  }
0x26: {  	_ =	swait.ge [sflag:s20], $0x2800  }
0x27: {  	[sflag:s20] =	ssyncset.done $0x0  }
0x28: {  	s0 =	simm.s32 $0x0;
	s1 =	simm.s32 $0x200;
	[sflag:s20] =	ssyncadd.s32 $0xFFFFD800  }
.LBB2_2:
0x29: {  	p0 =	sne.s32 s1, $0x8E00;
	[tilespmem:s0+$0x160F0] =	vst v0  }
0x2a: {  	[tilespmem:s0+$0x16080] =	vst v0  }
0x2b: {  	[tilespmem:s0+$0x16090] =	vst v0  }
.Ltmp0:
0x2c: {  	[tilespmem:s0+$0x160A0] =	vst v0;
	(pc) =	sbr.rel @p0 .LBB2_2-.Ltmp0, $4  }
0x2d: {  	[tilespmem:s0+$0x160B0] =	vst v0  }
0x2e: {  	[tilespmem:s0+$0x160C0] =	vst v0  }
0x2f: {  	[tilespmem:s0+$0x160D0] =	vst v0  }
0x30: {  	[tilespmem:s0+$0x160E0] =	vst v0;
	s0 =	sshra.s32 s1, $0x2;
	s1 =	sadd.s32 $0x200, s1  }
0x31: {  	[tilespmem:s0+$0x160F0] =	vst v0  }
0x32: {  	[tilespmem:s0+$0x16080] =	vst v0  }
0x33: {  	[tilespmem:s0+$0x16090] =	vst v0  }
0x34: {  	[tilespmem:s0+$0x160A0] =	vst v0  }
0x35: {  	[tilespmem:s0+$0x160B0] =	vst v0  }
0x36: {  	[tilespmem:s0+$0x160C0] =	vst v0  }
0x37: {  	[tilespmem:s0+$0x160D0] =	vst v0  }
0x38: {  	[tilespmem:s0+$0x160E0] =	vst v0  }
0x39: {  	[spmem:s10] =	stream.linear.scatter [tilespmem:s24], [sflag:$0x1], $0x2400, $0x38;
	[tilespmem:$0x1F0C0] =	vst v63  }
0x3a: {  	_ =	swait.ge [sflag:s20], $0x2400  }
0x3b: {  	[sflag:s20] =	ssyncset.done $0x0  }
0x3c: {  	[sflag:s20] =	ssyncadd.s32 $0xFFFFDC00  }
0x3d: {  	[spmem:s13] =	stream.linear.scatter [tilespmem:s24], [sflag:$0x1], $0x2400, $0x38;
	[tilespmem:$0x1F0C0] =	vst v63  }
0x3e: {  	_ =	swait.ge [sflag:s20], $0x2400  }
0x3f: {  	[sflag:s20] =	ssyncset.done $0x0  }
0x40: {  	[sflag:s20] =	ssyncadd.s32 $0xFFFFDC00  }
0x41: {  	[spmem:s14] =	stream.linear.scatter [tilespmem:s24], [sflag:$0x1], $0x2400, $0x38;
	[tilespmem:$0x1F0C0] =	vst v63  }
0x42: {  	_ =	swait.ge [sflag:s20], $0x2400  }
0x43: {  	[sflag:s20] =	ssyncset.done $0x0  }
0x44: {  	[sflag:s20] =	ssyncadd.s32 $0xFFFFDC00  }
0x45: {  	s0 =	simm.s32 $0x0;
	s1 =	simm.s32 $0x0;
	[bflag:$0x0] =	sbarrier.arrive $0xFFFF  }
.LBB2_4:
0x46: {  	s21 =	sshll.u32 s1, $0x7  }
0x47: {  	[tilespmem:s26], [sflag:$0x1] =	stream.indirect.gather [hbm4b:s5+s25], $0x80, s21, s25, $0xb8;
	[tilespmem:$0x1F0C0] =	vst v63  }
0x48: {  	_ =	swait.ge [sflag:s20], $0x4000  }
0x49: {  	[sflag:s20] =	ssyncset.done $0x0  }
0x4a: {  	[sflag:s20] =	ssyncadd.s32 $0xFFFFC000  }
0x4b: {  	[tilespmem:s28], [sflag:$0x1] =	stream.indirect.gather [hbm4b:s6+s25], $0x80, s21, s25, $0xb8;
	[tilespmem:$0x1F0C0] =	vst v63  }
0x4c: {  	_ =	swait.ge [sflag:s20], $0x4000  }
0x4d: {  	[sflag:s20] =	ssyncset.done $0x0  }
0x4e: {  	s8 =	simm.s32 $0x0;
	[sflag:s20] =	ssyncadd.s32 $0xFFFFC000  }
0x4f: {  	v5 =	vld [tilespmem:s8+$0xA000]  }
0x50: {  	v1 =	vld [tilespmem:s8+$0xA010]  }
0x51: {  	v2 =	vld [tilespmem:s8+$0xE010]  }
0x52: {  	v3 =	vmov s0;
	v4 =	vld [tilespmem:s8+$0xA020]  }
0x53: {  	v6 =	vld [tilespmem:s8+$0xE020]  }
0x54: {  	v7 =	vld [tilespmem:s8+$0xA030]  }
0x55: {  	v8 =	vld [tilespmem:s8+$0xE030]  }
0x56: {  	v9 =	vld [tilespmem:s8+$0xA040]  }
0x57: {  	v10 =	vld.idx.msk [tilespmem:v3+s22+$0x0], $0xffff  }
0x58: {  	v11 =	vld.idx.msk [tilespmem:v3+s23+$0x0], $0xffff  }
0x59: {  	v3 =	vld [tilespmem:s8+$0xE040]  }
0x5a: {  	v12 =	vld [tilespmem:s8+$0xA050]  }
0x5b: {  	v13 =	vld [tilespmem:s8+$0xE050]  }
0x5c: {  	v14 =	vld [tilespmem:s8+$0xA060]  }
0x5d: {  	v15 =	vld [tilespmem:s8+$0xE060];
	v4 =	vmul.f32 v4, v10;
	v6 =	vmul.f32 v6, v11  }
0x5e: {  	v16 =	vld [tilespmem:s8+$0xA070]  }
0x5f: {  	v17 =	vld [tilespmem:s8+$0xE070];
	v18 =	vmul.f32 v1, v10;
	v2 =	vmul.f32 v2, v11;
	v4 =	vadd.f32 v6, v4  }
0x60: {  	s9 =	simm.s32 $0x80;
	v19 =	vld [tilespmem:s8+$0xE000];
	v6 =	vmul.f32 v7, v10;
	v7 =	vmul.f32 v8, v11  }
0x61: {  	v1 =	vld [tilespmem:s9+$0xA000];
	v8 =	vadd.f32 v2, v18;
	[tilespmem:s8+$0x12020] =	vst v4;
	v4 =	vmul.f32 v9, v10;
	v9 =	vmul.f32 v3, v11  }
0x62: {  	v59 =	vmul.f32 v14, v10;
	v6 =	vadd.f32 v7, v6  }
0x63: {  	v7 =	vmul.f32 v12, v10;
	v2 =	vld [tilespmem:s9+$0xA010];
	[tilespmem:s8+$0x12010] =	vst v8;
	v8 =	vadd.f32 v9, v4;
	v9 =	vmul.f32 v13, v11  }
0x64: {  	s11 =	sadd.s32 $0x1, s0;
	v60 =	vmul.f32 v15, v11;
	v61 =	vmul.f32 v16, v10  }
0x65: {  	v63 =	vmul.f32 v17, v11;
	v3 =	vld [tilespmem:s9+$0xE010];
	[tilespmem:s8+$0x12030] =	vst v6;
	v6 =	vmov s11;
	v62 =	vadd.f32 v9, v7  }
0x66: {  	v4 =	vld [tilespmem:s9+$0xA020];
	[tilespmem:s8+$0x12040] =	vst v8;
	v7 =	vmul.f32 v5, v10;
	v8 =	vmul.f32 v19, v11;
	v9 =	vadd.f32 v60, v59  }
0x67: {  	s12 =	simm.s32 $0x400;
	v10 =	vadd.f32 v63, v61;
	v5 =	vld [tilespmem:s9+$0xE020];
	[tilespmem:s8+$0x12050] =	vst v62  }
.LBB2_5:
0x68: {  	p0 =	sne.s32 s12, $0xFE00;
	v11 =	vld [tilespmem:s9+$0xA030];
	v7 =	vadd.f32 v8, v7;
	[tilespmem:s8+$0x12060] =	vst v9;
	v8 =	vmov v1  }
0x69: {  	v1 =	vld [tilespmem:s9+$0xE030];
	[tilespmem:s8+$0x12070] =	vst v10  }
0x6a: {  	v9 =	vld [tilespmem:s9+$0xA040];
	[tilespmem:s8+$0x12000] =	vst v7;
	s8 =	smov.u32 s9  }
0x6b: {  	v7 =	vld.idx.msk [tilespmem:v6+s22+$0x0], $0xffff  }
0x6c: {  	v10 =	vld.idx.msk [tilespmem:v6+s23+$0x0], $0xffff  }
0x6d: {  	v6 =	vld [tilespmem:s8+$0xE040]  }
0x6e: {  	v12 =	vld [tilespmem:s8+$0xA050]  }
0x6f: {  	v13 =	vld [tilespmem:s8+$0xE050]  }
0x70: {  	v14 =	vld [tilespmem:s8+$0xA060]  }
0x71: {  	v2 =	vmul.f32 v2, v7;
	v11 =	vmul.f32 v11, v7;
	v15 =	vld [tilespmem:s8+$0xE060]  }
0x72: {  	v4 =	vmul.f32 v4, v7;
	v5 =	vmul.f32 v5, v10;
	v16 =	vld [tilespmem:s8+$0xA070]  }
0x73: {  	v3 =	vmul.f32 v3, v10;
	v1 =	vmul.f32 v1, v10;
	v17 =	vld [tilespmem:s8+$0xE070]  }
0x74: {  	v6 =	vmul.f32 v6, v10;
	v4 =	vadd.f32 v5, v4;
	v5 =	vmul.f32 v9, v7;
	v18 =	vld [tilespmem:s8+$0xE000]  }
0x75: {  	s9 =	sshra.s32 s12, $0x2;
	v3 =	vadd.f32 v3, v2;
	v9 =	vadd.f32 v1, v11;
	v11 =	vmul.f32 v12, v7  }
.Ltmp1:
0x76: {  	v5 =	vadd.f32 v6, v5;
	v12 =	vmul.f32 v14, v7;
	v1 =	vld [tilespmem:s9+$0xA000];
	[tilespmem:s8+$0x12020] =	vst v4;
	v4 =	vmul.f32 v13, v10;
	(pc) =	sbr.rel @p0 .LBB2_5-.Ltmp1, $4  }
0x77: {  	v13 =	vmul.f32 v15, v10;
	v2 =	vld [tilespmem:s9+$0xA010];
	[tilespmem:s8+$0x12010] =	vst v3;
	v14 =	vmul.f32 v16, v7  }
0x78: {  	s11 =	sadd.s32 $0x1, s11;
	v7 =	vmul.f32 v8, v7;
	v3 =	vld [tilespmem:s9+$0xE010];
	[tilespmem:s8+$0x12030] =	vst v9;
	v11 =	vadd.f32 v4, v11;
	v15 =	vmul.f32 v17, v10  }
0x79: {  	v6 =	vmov s11;
	v9 =	vadd.f32 v13, v12;
	v4 =	vld [tilespmem:s9+$0xA020];
	v8 =	vmul.f32 v18, v10;
	[tilespmem:s8+$0x12040] =	vst v5  }
0x7a: {  	s12 =	sadd.s32 $0x200, s12;
	v5 =	vld [tilespmem:s9+$0xE020];
	[tilespmem:s8+$0x12050] =	vst v11;
	v10 =	vadd.f32 v15, v14  }
0x7b: {  	_ = 	snop  }
0x7c: {  	v11 =	vld [tilespmem:s9+$0xA030];
	[tilespmem:s8+$0x12060] =	vst v9;
	v7 =	vadd.f32 v8, v7  }
0x7d: {  	v9 =	vld [tilespmem:s9+$0xE030];
	[tilespmem:s8+$0x12070] =	vst v10  }
0x7e: {  	v55 =	vld [tilespmem:s9+$0xA040];
	[tilespmem:s8+$0x12000] =	vst v7  }
0x7f: {  	v7 =	vld.idx.msk [tilespmem:v6+s22+$0x0], $0xffff  }
0x80: {  	v56 =	vld.idx.msk [tilespmem:v6+s23+$0x0], $0xffff  }
0x81: {  	v10 =	vld [tilespmem:s9+$0xE040]  }
0x82: {  	v12 =	vld [tilespmem:s9+$0xA050]  }
0x83: {  	v13 =	vld [tilespmem:s9+$0xE050]  }
0x84: {  	v14 =	vld [tilespmem:s9+$0xA060]  }
0x85: {  	v18 =	vld [tilespmem:s9+$0xE000]  }
0x86: {  	v15 =	vld [tilespmem:s9+$0xE060];
	v4 =	vmul.f32 v4, v7;
	v5 =	vmul.f32 v5, v56  }
0x87: {  	v16 =	vld [tilespmem:s9+$0xA070];
	v2 =	vmul.f32 v2, v7;
	v3 =	vmul.f32 v3, v56  }
0x88: {  	v17 =	vld [tilespmem:s9+$0xE070];
	v11 =	vmul.f32 v11, v7;
	v9 =	vmul.f32 v9, v56;
	v4 =	vadd.f32 v5, v4  }
0x89: {  	v57 =	vmul.f32 v55, v7;
	v58 =	vmul.f32 v10, v56;
	v2 =	vadd.f32 v3, v2  }
0x8a: {  	v1 =	vmul.f32 v1, v7;
	v6 =	vmul.f32 v18, v56;
	v3 =	vadd.f32 v9, v11;
	[tilespmem:s9+$0x12020] =	vst v4  }
0x8b: {  	v59 =	vmul.f32 v12, v7;
	v60 =	vmul.f32 v13, v56;
	v5 =	vadd.f32 v58, v57;
	[tilespmem:s9+$0x12010] =	vst v2  }
0x8c: {  	v61 =	vmul.f32 v14, v7;
	v1 =	vadd.f32 v6, v1;
	v2 =	vmul.f32 v15, v56;
	[tilespmem:s9+$0x12030] =	vst v3  }
0x8d: {  	v62 =	vmul.f32 v16, v7;
	v63 =	vmul.f32 v17, v56;
	v3 =	vadd.f32 v60, v59;
	[tilespmem:s9+$0x12040] =	vst v5  }
0x8e: {  	[tilespmem:s9+$0x12000] =	vst v1;
	v2 =	vadd.f32 v2, v61  }
0x8f: {  	s15 =	sadd.s32 s7, s21;
	[tilespmem:s9+$0x12050] =	vst v3;
	v3 =	vadd.f32 v63, v62  }
0x90: {  	s8 =	sshll.u32 s15, $0x4;
	[tilespmem:s9+$0x12060] =	vst v2  }
0x91: {  	s8 =	sadd.s32 s8, s3;
	[tilespmem:s9+$0x12070] =	vst v3  }
0x92: {  	[hbm4b:s8+s4] =	stream.linear.scatter [tilespmem:s29], [sflag:$0x1], $0x4000, $0x38;
	[tilespmem:$0x1F0C0] =	vst v63  }
0x93: {  	_ =	swait.ge [sflag:s20], $0x4000  }
0x94: {  	[sflag:s20] =	ssyncset.done $0x0  }
0x95: {  	[sflag:s20] =	ssyncadd.s32 $0xFFFFC000  }
0x96: {  	v1 =	vld [tilespmem:s21+$0x2800];
	_ =	sdelay $0x4  }
0x97: {  	v1 =	vmin.u32 v1, $0xD80  }
0x98: {  	[tilespmem:$0x16000] =	vst v1  }
0x99: {  	v1 =	vld [tilespmem:s21+$0x2810];
	_ =	sdelay $0x4  }
0x9a: {  	v1 =	vmin.u32 v1, $0xD80  }
0x9b: {  	[tilespmem:$0x16010] =	vst v1  }
0x9c: {  	v1 =	vld [tilespmem:s21+$0x2820];
	_ =	sdelay $0x4  }
0x9d: {  	v1 =	vmin.u32 v1, $0xD80  }
0x9e: {  	[tilespmem:$0x16020] =	vst v1  }
0x9f: {  	v1 =	vld [tilespmem:s21+$0x2830];
	_ =	sdelay $0x4  }
0xa0: {  	v1 =	vmin.u32 v1, $0xD80  }
0xa1: {  	[tilespmem:$0x16030] =	vst v1  }
0xa2: {  	v1 =	vld [tilespmem:s21+$0x2840];
	_ =	sdelay $0x4  }
0xa3: {  	v1 =	vmin.u32 v1, $0xD80  }
0xa4: {  	[tilespmem:$0x16040] =	vst v1  }
0xa5: {  	v1 =	vld [tilespmem:s21+$0x2850];
	_ =	sdelay $0x4  }
0xa6: {  	v1 =	vmin.u32 v1, $0xD80  }
0xa7: {  	[tilespmem:$0x16050] =	vst v1  }
0xa8: {  	v1 =	vld [tilespmem:s21+$0x2860];
	_ =	sdelay $0x4  }
0xa9: {  	v1 =	vmin.u32 v1, $0xD80  }
0xaa: {  	[tilespmem:$0x16060] =	vst v1  }
0xab: {  	v1 =	vld [tilespmem:s21+$0x2870];
	_ =	sdelay $0x3  }
0xac: {  	s1 =	sadd.s32 $0x1, s1  }
0xad: {  	p0 =	sne.s32 s1, $0x50;
	v1 =	vmin.u32 v1, $0xD80  }
.Ltmp2:
0xae: {  	[tilespmem:$0x16070] =	vst v1;
	(pc) =	sbr.rel @p0 .LBB2_4-.Ltmp2, $4  }
0xaf: {  	[spmem:s2] =	stream.indirect.scatter.add.f32 [tilespmem:s29], [sflag:$0x1], $0x80, s30, s25, $0xb8;
	[tilespmem:$0x1F0C0] =	vst v63  }
0xb0: {  	_ =	swait.ge [sflag:s20], $0x4000  }
0xb1: {  	[sflag:s20] =	ssyncset.done $0x0  }
0xb2: {  	s0 =	sadd.s32 $0x80, s0;
	[sflag:s20] =	ssyncadd.s32 $0xFFFFC000  }
0xb3: {  	s0 =	stileid.u32  }
0xb4: {  	s0 =	sshll.u32 s0, $0x6  }
0xb5: {  	[bflag:$0x0] =	sbarrier.arrive $0xFFFF;
	s21 =	sshrl.u32 s10, $0x3;
	s0 =	sor.u32 $0x1C01, s0  }
0xb6: {  	[hbm:s16], [sflag:s0] =	dma.local [spmem:s21], $0xD80  }
0xb7: {  	_ =	swait.ge [sflag:s20], $0xD80  }
0xb8: {  	[sflag:s20] =	ssyncset.done $0x0  }
0xb9: {  	[sflag:s20] =	ssyncadd.s32 $0xFFFFF280  }
0xba: {  	[spmem:s10] =	stream.linear.scatter [tilespmem:s24], [sflag:$0x1], $0x2400, $0x38;
	[tilespmem:$0x1F0C0] =	vst v63  }
0xbb: {  	_ =	swait.ge [sflag:s20], $0x2400  }
0xbc: {  	[sflag:s20] =	ssyncset.done $0x0  }
0xbd: {  	[sflag:s20] =	ssyncadd.s32 $0xFFFFDC00  }
0xbe: {  	[spmem:s13] =	stream.linear.scatter [tilespmem:s24], [sflag:$0x1], $0x2400, $0x38;
	[tilespmem:$0x1F0C0] =	vst v63  }
0xbf: {  	_ =	swait.ge [sflag:s20], $0x2400  }
0xc0: {  	[sflag:s20] =	ssyncset.done $0x0  }
0xc1: {  	[sflag:s20] =	ssyncadd.s32 $0xFFFFDC00  }
0xc2: {  	[spmem:s14] =	stream.linear.scatter [tilespmem:s24], [sflag:$0x1], $0x2400, $0x38;
	[tilespmem:$0x1F0C0] =	vst v63  }
0xc3: {  	_ =	swait.ge [sflag:s20], $0x2400  }
0xc4: {  	[sflag:s20] =	ssyncset.done $0x0  }
0xc5: {  	s1 =	sadd.s32 s3, s19;
	[sflag:s20] =	ssyncadd.s32 $0xFFFFDC00  }
0xc6: {  	s8 =	sadd.s32 $0x0, s1;
	[bflag:$0x0] =	sbarrier.arrive $0xFFFF  }
0xc7: {  	[tilespmem:s29], [sflag:$0x1] =	stream.linear.gather [hbm4b:s8+s4], $0x4000, $0x38;
	[tilespmem:$0x1F0C0] =	vst v63  }
0xc8: {  	_ =	swait.ge [sflag:s20], $0x4000  }
0xc9: {  	[sflag:s20] =	ssyncset.done $0x0  }
0xca: {  	s15 =	simm.s32 $0x2840;
	[sflag:s20] =	ssyncadd.s32 $0xFFFFC000  }
0xcb: {  	v1 =	vld [tilespmem:s15+$0xFFFFFFC0];
	_ =	sdelay $0x4  }
0xcc: {  	v1 =	vadd.s32 $0xFFFFF280, v1  }
0xcd: {  	v1 =	vmin.u32 v1, $0xD80  }
0xce: {  	[tilespmem:$0x16000] =	vst v1  }
0xcf: {  	v1 =	vld [tilespmem:s15+$0xFFFFFFD0];
	_ =	sdelay $0x4  }
0xd0: {  	v1 =	vadd.s32 $0xFFFFF280, v1  }
0xd1: {  	v1 =	vmin.u32 v1, $0xD80  }
0xd2: {  	[tilespmem:$0x16010] =	vst v1  }
0xd3: {  	v1 =	vld [tilespmem:s15+$0xFFFFFFE0];
	_ =	sdelay $0x4  }
0xd4: {  	v1 =	vadd.s32 $0xFFFFF280, v1  }
0xd5: {  	v1 =	vmin.u32 v1, $0xD80  }
0xd6: {  	[tilespmem:$0x16020] =	vst v1  }
0xd7: {  	v1 =	vld [tilespmem:s15+$0xFFFFFFF0];
	_ =	sdelay $0x4  }
0xd8: {  	v1 =	vadd.s32 $0xFFFFF280, v1  }
0xd9: {  	v1 =	vmin.u32 v1, $0xD80  }
0xda: {  	[tilespmem:$0x16030] =	vst v1  }
0xdb: {  	v1 =	vld [tilespmem:s15+$0x0];
	_ =	sdelay $0x4  }
0xdc: {  	v1 =	vadd.s32 $0xFFFFF280, v1  }
0xdd: {  	v1 =	vmin.u32 v1, $0xD80  }
0xde: {  	[tilespmem:$0x16040] =	vst v1  }
0xdf: {  	v1 =	vld [tilespmem:s15+$0x10];
	_ =	sdelay $0x4  }
0xe0: {  	v1 =	vadd.s32 $0xFFFFF280, v1  }
0xe1: {  	v1 =	vmin.u32 v1, $0xD80  }
0xe2: {  	[tilespmem:$0x16050] =	vst v1  }
0xe3: {  	v1 =	vld [tilespmem:s15+$0x20];
	_ =	sdelay $0x4  }
0xe4: {  	v1 =	vadd.s32 $0xFFFFF280, v1  }
0xe5: {  	v1 =	vmin.u32 v1, $0xD80  }
0xe6: {  	[tilespmem:$0x16060] =	vst v1  }
0xe7: {  	v1 =	vld [tilespmem:s15+$0x30];
	_ =	sdelay $0x4  }
0xe8: {  	v1 =	vadd.s32 $0xFFFFF280, v1  }
0xe9: {  	v1 =	vmin.u32 v1, $0xD80  }
0xea: {  	[tilespmem:$0x16070] =	vst v1  }
0xeb: {  	[spmem:s2] =	stream.indirect.scatter.add.f32 [tilespmem:s29], [sflag:$0x1], $0x80, s30, s25, $0xb8;
	[tilespmem:$0x1F0C0] =	vst v63  }
0xec: {  	s9 =	simm.s32 $0x800;
	_ =	swait.ge [sflag:s20], $0x4000  }
0xed: {  	s12 =	simm.s32 $0x1000;
	s8 =	simm.s32 $0x28C0;
	[sflag:s20] =	ssyncset.done $0x0  }
.LBB2_8:
0xee: {  	s15 =	sadd.s32 s9, s1  }
0xef: {  	[sflag:s20] =	ssyncadd.s32 $0xFFFFC000;
	s9 =	smov.u32 s12;
	s11 =	sadd.s32 $0x800, s12  }
0xf0: {  	[tilespmem:s29], [sflag:$0x1] =	stream.linear.gather [hbm4b:s15+s4], $0x4000, $0x38;
	[tilespmem:$0x1F0C0] =	vst v63  }
0xf1: {  	p0 =	sne.s32 s12, $0x27800;
	_ =	swait.ge [sflag:s20], $0x4000  }
0xf2: {  	[sflag:s20] =	ssyncset.done $0x0  }
0xf3: {  	[sflag:s20] =	ssyncadd.s32 $0xFFFFC000  }
0xf4: {  	v1 =	vld [tilespmem:s8+$0xFFFFFFC0];
	_ =	sdelay $0x4  }
0xf5: {  	v1 =	vadd.s32 $0xFFFFF280, v1  }
0xf6: {  	v1 =	vmin.u32 v1, $0xD80  }
0xf7: {  	[tilespmem:$0x16000] =	vst v1  }
0xf8: {  	v1 =	vld [tilespmem:s8+$0xFFFFFFD0];
	_ =	sdelay $0x4  }
0xf9: {  	v1 =	vadd.s32 $0xFFFFF280, v1  }
0xfa: {  	v1 =	vmin.u32 v1, $0xD80  }
0xfb: {  	[tilespmem:$0x16010] =	vst v1  }
0xfc: {  	v1 =	vld [tilespmem:s8+$0xFFFFFFE0];
	_ =	sdelay $0x4  }
0xfd: {  	v1 =	vadd.s32 $0xFFFFF280, v1  }
0xfe: {  	v1 =	vmin.u32 v1, $0xD80  }
0xff: {  	[tilespmem:$0x16020] =	vst v1  }
0x100: {  	v1 =	vld [tilespmem:s8+$0xFFFFFFF0];
	_ =	sdelay $0x4  }
0x101: {  	v1 =	vadd.s32 $0xFFFFF280, v1  }
0x102: {  	v1 =	vmin.u32 v1, $0xD80  }
0x103: {  	[tilespmem:$0x16030] =	vst v1  }
0x104: {  	v1 =	vld [tilespmem:s8+$0x0];
	_ =	sdelay $0x4  }
0x105: {  	v1 =	vadd.s32 $0xFFFFF280, v1  }
0x106: {  	v1 =	vmin.u32 v1, $0xD80  }
0x107: {  	[tilespmem:$0x16040] =	vst v1  }
0x108: {  	v1 =	vld [tilespmem:s8+$0x10];
	_ =	sdelay $0x4  }
0x109: {  	v1 =	vadd.s32 $0xFFFFF280, v1  }
0x10a: {  	v1 =	vmin.u32 v1, $0xD80  }
0x10b: {  	[tilespmem:$0x16050] =	vst v1  }
0x10c: {  	v1 =	vld [tilespmem:s8+$0x20];
	_ =	sdelay $0x4  }
0x10d: {  	v1 =	vadd.s32 $0xFFFFF280, v1  }
0x10e: {  	v1 =	vmin.u32 v1, $0xD80  }
0x10f: {  	[tilespmem:$0x16060] =	vst v1  }
0x110: {  	v1 =	vld [tilespmem:s8+$0x30];
	_ =	sdelay $0x4  }
0x111: {  	v1 =	vadd.s32 $0xFFFFF280, v1  }
.Ltmp3:
0x112: {  	v1 =	vmin.u32 v1, $0xD80;
	(pc) =	sbr.rel @p0 .LBB2_8-.Ltmp3, $4  }
0x113: {  	[tilespmem:$0x16070] =	vst v1  }
0x114: {  	[spmem:s2] =	stream.indirect.scatter.add.f32 [tilespmem:s29], [sflag:$0x1], $0x80, s30, s25, $0xb8;
	[tilespmem:$0x1F0C0] =	vst v63  }
0x115: {  	_ =	swait.ge [sflag:s20], $0x4000  }
0x116: {  	s12 =	smov.u32 s11;
	s8 =	sadd.s32 $0x80, s8;
	[sflag:s20] =	ssyncset.done $0x0  }
0x117: {  	s9 =	sadd.s32 s9, s1;
	[sflag:s20] =	ssyncadd.s32 $0xFFFFC000  }
0x118: {  	[tilespmem:s29], [sflag:$0x1] =	stream.linear.gather [hbm4b:s9+s4], $0x4000, $0x38;
	[tilespmem:$0x1F0C0] =	vst v63  }
0x119: {  	_ =	swait.ge [sflag:s20], $0x4000  }
0x11a: {  	[sflag:s20] =	ssyncset.done $0x0  }
0x11b: {  	[sflag:s20] =	ssyncadd.s32 $0xFFFFC000  }
0x11c: {  	v1 =	vld [tilespmem:s8+$0xFFFFFFC0];
	_ =	sdelay $0x4  }
0x11d: {  	v1 =	vadd.s32 $0xFFFFF280, v1  }
0x11e: {  	v1 =	vmin.u32 v1, $0xD80  }
0x11f: {  	[tilespmem:$0x16000] =	vst v1  }
0x120: {  	v1 =	vld [tilespmem:s8+$0xFFFFFFD0];
	_ =	sdelay $0x4  }
0x121: {  	v1 =	vadd.s32 $0xFFFFF280, v1  }
0x122: {  	v1 =	vmin.u32 v1, $0xD80  }
0x123: {  	[tilespmem:$0x16010] =	vst v1  }
0x124: {  	v1 =	vld [tilespmem:s8+$0xFFFFFFE0];
	_ =	sdelay $0x4  }
0x125: {  	v1 =	vadd.s32 $0xFFFFF280, v1  }
0x126: {  	v1 =	vmin.u32 v1, $0xD80  }
0x127: {  	[tilespmem:$0x16020] =	vst v1  }
0x128: {  	v1 =	vld [tilespmem:s8+$0xFFFFFFF0];
	_ =	sdelay $0x4  }
0x129: {  	v1 =	vadd.s32 $0xFFFFF280, v1  }
0x12a: {  	v1 =	vmin.u32 v1, $0xD80  }
0x12b: {  	[tilespmem:$0x16030] =	vst v1  }
0x12c: {  	v1 =	vld [tilespmem:s8+$0x0];
	_ =	sdelay $0x4  }
0x12d: {  	v1 =	vadd.s32 $0xFFFFF280, v1  }
0x12e: {  	v1 =	vmin.u32 v1, $0xD80  }
0x12f: {  	[tilespmem:$0x16040] =	vst v1  }
0x130: {  	v1 =	vld [tilespmem:s8+$0x10];
	_ =	sdelay $0x4  }
0x131: {  	v1 =	vadd.s32 $0xFFFFF280, v1  }
0x132: {  	v1 =	vmin.u32 v1, $0xD80  }
0x133: {  	[tilespmem:$0x16050] =	vst v1  }
0x134: {  	v1 =	vld [tilespmem:s8+$0x20];
	_ =	sdelay $0x4  }
0x135: {  	v1 =	vadd.s32 $0xFFFFF280, v1  }
0x136: {  	v1 =	vmin.u32 v1, $0xD80  }
0x137: {  	[tilespmem:$0x16060] =	vst v1  }
0x138: {  	v1 =	vld [tilespmem:s8+$0x30];
	_ =	sdelay $0x4  }
0x139: {  	v1 =	vadd.s32 $0xFFFFF280, v1  }
0x13a: {  	v1 =	vmin.u32 v1, $0xD80  }
0x13b: {  	[tilespmem:$0x16070] =	vst v1  }
0x13c: {  	[spmem:s2] =	stream.indirect.scatter.add.f32 [tilespmem:s29], [sflag:$0x1], $0x80, s30, s25, $0xb8;
	[tilespmem:$0x1F0C0] =	vst v63  }
0x13d: {  	_ =	swait.ge [sflag:s20], $0x4000  }
0x13e: {  	[sflag:s20] =	ssyncset.done $0x0  }
0x13f: {  	[sflag:s20] =	ssyncadd.s32 $0xFFFFC000  }
0x140: {  	[bflag:$0x0] =	sbarrier.arrive $0xFFFF  }
0x141: {  	[hbm:s17], [sflag:s0] =	dma.local [spmem:s21], $0xD80  }
0x142: {  	_ =	swait.ge [sflag:s20], $0xD80  }
0x143: {  	[sflag:s20] =	ssyncset.done $0x0  }
0x144: {  	[sflag:s20] =	ssyncadd.s32 $0xFFFFF280  }
0x145: {  	[spmem:s10] =	stream.linear.scatter [tilespmem:s24], [sflag:$0x1], $0x2400, $0x38;
	[tilespmem:$0x1F0C0] =	vst v63  }
0x146: {  	_ =	swait.ge [sflag:s20], $0x2400  }
0x147: {  	[sflag:s20] =	ssyncset.done $0x0  }
0x148: {  	[sflag:s20] =	ssyncadd.s32 $0xFFFFDC00  }
0x149: {  	[spmem:s13] =	stream.linear.scatter [tilespmem:s24], [sflag:$0x1], $0x2400, $0x38;
	[tilespmem:$0x1F0C0] =	vst v63  }
0x14a: {  	_ =	swait.ge [sflag:s20], $0x2400  }
0x14b: {  	[sflag:s20] =	ssyncset.done $0x0  }
0x14c: {  	[sflag:s20] =	ssyncadd.s32 $0xFFFFDC00  }
0x14d: {  	[spmem:s14] =	stream.linear.scatter [tilespmem:s24], [sflag:$0x1], $0x2400, $0x38;
	[tilespmem:$0x1F0C0] =	vst v63  }
0x14e: {  	_ =	swait.ge [sflag:s20], $0x2400  }
0x14f: {  	[sflag:s20] =	ssyncset.done $0x0  }
0x150: {  	[sflag:s20] =	ssyncadd.s32 $0xFFFFDC00  }
0x151: {  	s12 =	sadd.s32 $0x0, s1;
	[bflag:$0x0] =	sbarrier.arrive $0xFFFF  }
0x152: {  	[tilespmem:s29], [sflag:$0x1] =	stream.linear.gather [hbm4b:s12+s4], $0x4000, $0x38;
	[tilespmem:$0x1F0C0] =	vst v63  }
0x153: {  	_ =	swait.ge [sflag:s20], $0x4000  }
0x154: {  	[sflag:s20] =	ssyncset.done $0x0  }
0x155: {  	s15 =	simm.s32 $0x2840;
	[sflag:s20] =	ssyncadd.s32 $0xFFFFC000  }
0x156: {  	v1 =	vld [tilespmem:s15+$0xFFFFFFC0];
	_ =	sdelay $0x4  }
0x157: {  	v1 =	vadd.s32 $0xFFFFE500, v1  }
0x158: {  	v1 =	vmin.u32 v1, $0xD80  }
0x159: {  	[tilespmem:$0x16000] =	vst v1  }
0x15a: {  	v1 =	vld [tilespmem:s15+$0xFFFFFFD0];
	_ =	sdelay $0x4  }
0x15b: {  	v1 =	vadd.s32 $0xFFFFE500, v1  }
0x15c: {  	v1 =	vmin.u32 v1, $0xD80  }
0x15d: {  	[tilespmem:$0x16010] =	vst v1  }
0x15e: {  	v1 =	vld [tilespmem:s15+$0xFFFFFFE0];
	_ =	sdelay $0x4  }
0x15f: {  	v1 =	vadd.s32 $0xFFFFE500, v1  }
0x160: {  	v1 =	vmin.u32 v1, $0xD80  }
0x161: {  	[tilespmem:$0x16020] =	vst v1  }
0x162: {  	v1 =	vld [tilespmem:s15+$0xFFFFFFF0];
	_ =	sdelay $0x4  }
0x163: {  	v1 =	vadd.s32 $0xFFFFE500, v1  }
0x164: {  	v1 =	vmin.u32 v1, $0xD80  }
0x165: {  	[tilespmem:$0x16030] =	vst v1  }
0x166: {  	v1 =	vld [tilespmem:s15+$0x0];
	_ =	sdelay $0x4  }
0x167: {  	v1 =	vadd.s32 $0xFFFFE500, v1  }
0x168: {  	v1 =	vmin.u32 v1, $0xD80  }
0x169: {  	[tilespmem:$0x16040] =	vst v1  }
0x16a: {  	v1 =	vld [tilespmem:s15+$0x10];
	_ =	sdelay $0x4  }
0x16b: {  	v1 =	vadd.s32 $0xFFFFE500, v1  }
0x16c: {  	v1 =	vmin.u32 v1, $0xD80  }
0x16d: {  	[tilespmem:$0x16050] =	vst v1  }
0x16e: {  	v1 =	vld [tilespmem:s15+$0x20];
	_ =	sdelay $0x4  }
0x16f: {  	v1 =	vadd.s32 $0xFFFFE500, v1  }
0x170: {  	v1 =	vmin.u32 v1, $0xD80  }
0x171: {  	[tilespmem:$0x16060] =	vst v1  }
0x172: {  	v1 =	vld [tilespmem:s15+$0x30];
	_ =	sdelay $0x4  }
0x173: {  	v1 =	vadd.s32 $0xFFFFE500, v1  }
0x174: {  	v1 =	vmin.u32 v1, $0xD80  }
0x175: {  	[tilespmem:$0x16070] =	vst v1  }
0x176: {  	[spmem:s2] =	stream.indirect.scatter.add.f32 [tilespmem:s29], [sflag:$0x1], $0x80, s30, s25, $0xb8;
	[tilespmem:$0x1F0C0] =	vst v63  }
0x177: {  	s9 =	simm.s32 $0x800;
	_ =	swait.ge [sflag:s20], $0x4000  }
0x178: {  	s8 =	simm.s32 $0x28C0;
	s12 =	simm.s32 $0x1000;
	[sflag:s20] =	ssyncset.done $0x0  }
.LBB2_10:
0x179: {  	s15 =	sadd.s32 s9, s1  }
0x17a: {  	[sflag:s20] =	ssyncadd.s32 $0xFFFFC000;
	s9 =	smov.u32 s12;
	s11 =	sadd.s32 $0x800, s12  }
0x17b: {  	[tilespmem:s29], [sflag:$0x1] =	stream.linear.gather [hbm4b:s15+s4], $0x4000, $0x38;
	[tilespmem:$0x1F0C0] =	vst v63  }
0x17c: {  	p0 =	sne.s32 s12, $0x27800;
	_ =	swait.ge [sflag:s20], $0x4000  }
0x17d: {  	[sflag:s20] =	ssyncset.done $0x0  }
0x17e: {  	[sflag:s20] =	ssyncadd.s32 $0xFFFFC000  }
0x17f: {  	v1 =	vld [tilespmem:s8+$0xFFFFFFC0];
	_ =	sdelay $0x4  }
0x180: {  	v1 =	vadd.s32 $0xFFFFE500, v1  }
0x181: {  	v1 =	vmin.u32 v1, $0xD80  }
0x182: {  	[tilespmem:$0x16000] =	vst v1  }
0x183: {  	v1 =	vld [tilespmem:s8+$0xFFFFFFD0];
	_ =	sdelay $0x4  }
0x184: {  	v1 =	vadd.s32 $0xFFFFE500, v1  }
0x185: {  	v1 =	vmin.u32 v1, $0xD80  }
0x186: {  	[tilespmem:$0x16010] =	vst v1  }
0x187: {  	v1 =	vld [tilespmem:s8+$0xFFFFFFE0];
	_ =	sdelay $0x4  }
0x188: {  	v1 =	vadd.s32 $0xFFFFE500, v1  }
0x189: {  	v1 =	vmin.u32 v1, $0xD80  }
0x18a: {  	[tilespmem:$0x16020] =	vst v1  }
0x18b: {  	v1 =	vld [tilespmem:s8+$0xFFFFFFF0];
	_ =	sdelay $0x4  }
0x18c: {  	v1 =	vadd.s32 $0xFFFFE500, v1  }
0x18d: {  	v1 =	vmin.u32 v1, $0xD80  }
0x18e: {  	[tilespmem:$0x16030] =	vst v1  }
0x18f: {  	v1 =	vld [tilespmem:s8+$0x0];
	_ =	sdelay $0x4  }
0x190: {  	v1 =	vadd.s32 $0xFFFFE500, v1  }
0x191: {  	v1 =	vmin.u32 v1, $0xD80  }
0x192: {  	[tilespmem:$0x16040] =	vst v1  }
0x193: {  	v1 =	vld [tilespmem:s8+$0x10];
	_ =	sdelay $0x4  }
0x194: {  	v1 =	vadd.s32 $0xFFFFE500, v1  }
0x195: {  	v1 =	vmin.u32 v1, $0xD80  }
0x196: {  	[tilespmem:$0x16050] =	vst v1  }
0x197: {  	v1 =	vld [tilespmem:s8+$0x20];
	_ =	sdelay $0x4  }
0x198: {  	v1 =	vadd.s32 $0xFFFFE500, v1  }
0x199: {  	v1 =	vmin.u32 v1, $0xD80  }
0x19a: {  	[tilespmem:$0x16060] =	vst v1  }
0x19b: {  	v1 =	vld [tilespmem:s8+$0x30];
	_ =	sdelay $0x4  }
0x19c: {  	v1 =	vadd.s32 $0xFFFFE500, v1  }
.Ltmp4:
0x19d: {  	v1 =	vmin.u32 v1, $0xD80;
	(pc) =	sbr.rel @p0 .LBB2_10-.Ltmp4, $4  }
0x19e: {  	[tilespmem:$0x16070] =	vst v1  }
0x19f: {  	[spmem:s2] =	stream.indirect.scatter.add.f32 [tilespmem:s29], [sflag:$0x1], $0x80, s30, s25, $0xb8;
	[tilespmem:$0x1F0C0] =	vst v63  }
0x1a0: {  	_ =	swait.ge [sflag:s20], $0x4000  }
0x1a1: {  	s12 =	smov.u32 s11;
	s8 =	sadd.s32 $0x80, s8;
	[sflag:s20] =	ssyncset.done $0x0  }
0x1a2: {  	s1 =	sadd.s32 s9, s1;
	[sflag:s20] =	ssyncadd.s32 $0xFFFFC000  }
0x1a3: {  	[tilespmem:s29], [sflag:$0x1] =	stream.linear.gather [hbm4b:s1+s4], $0x4000, $0x38;
	[tilespmem:$0x1F0C0] =	vst v63  }
0x1a4: {  	_ =	swait.ge [sflag:s20], $0x4000  }
0x1a5: {  	[sflag:s20] =	ssyncset.done $0x0  }
0x1a6: {  	[sflag:s20] =	ssyncadd.s32 $0xFFFFC000  }
0x1a7: {  	v1 =	vld [tilespmem:s8+$0xFFFFFFC0];
	_ =	sdelay $0x4  }
0x1a8: {  	v1 =	vadd.s32 $0xFFFFE500, v1  }
0x1a9: {  	v1 =	vmin.u32 v1, $0xD80  }
0x1aa: {  	[tilespmem:$0x16000] =	vst v1  }
0x1ab: {  	v1 =	vld [tilespmem:s8+$0xFFFFFFD0];
	_ =	sdelay $0x4  }
0x1ac: {  	v1 =	vadd.s32 $0xFFFFE500, v1  }
0x1ad: {  	v1 =	vmin.u32 v1, $0xD80  }
0x1ae: {  	[tilespmem:$0x16010] =	vst v1  }
0x1af: {  	v1 =	vld [tilespmem:s8+$0xFFFFFFE0];
	_ =	sdelay $0x4  }
0x1b0: {  	v1 =	vadd.s32 $0xFFFFE500, v1  }
0x1b1: {  	v1 =	vmin.u32 v1, $0xD80  }
0x1b2: {  	[tilespmem:$0x16020] =	vst v1  }
0x1b3: {  	v1 =	vld [tilespmem:s8+$0xFFFFFFF0];
	_ =	sdelay $0x4  }
0x1b4: {  	v1 =	vadd.s32 $0xFFFFE500, v1  }
0x1b5: {  	v1 =	vmin.u32 v1, $0xD80  }
0x1b6: {  	[tilespmem:$0x16030] =	vst v1  }
0x1b7: {  	v1 =	vld [tilespmem:s8+$0x0];
	_ =	sdelay $0x4  }
0x1b8: {  	v1 =	vadd.s32 $0xFFFFE500, v1  }
0x1b9: {  	v1 =	vmin.u32 v1, $0xD80  }
0x1ba: {  	[tilespmem:$0x16040] =	vst v1  }
0x1bb: {  	v1 =	vld [tilespmem:s8+$0x10];
	_ =	sdelay $0x4  }
0x1bc: {  	v1 =	vadd.s32 $0xFFFFE500, v1  }
0x1bd: {  	v1 =	vmin.u32 v1, $0xD80  }
0x1be: {  	[tilespmem:$0x16050] =	vst v1  }
0x1bf: {  	v1 =	vld [tilespmem:s8+$0x20];
	_ =	sdelay $0x4  }
0x1c0: {  	v1 =	vadd.s32 $0xFFFFE500, v1  }
0x1c1: {  	v1 =	vmin.u32 v1, $0xD80  }
0x1c2: {  	[tilespmem:$0x16060] =	vst v1  }
0x1c3: {  	v1 =	vld [tilespmem:s8+$0x30];
	_ =	sdelay $0x4  }
0x1c4: {  	v1 =	vadd.s32 $0xFFFFE500, v1  }
0x1c5: {  	v1 =	vmin.u32 v1, $0xD80  }
0x1c6: {  	[tilespmem:$0x16070] =	vst v1  }
0x1c7: {  	[spmem:s2] =	stream.indirect.scatter.add.f32 [tilespmem:s29], [sflag:$0x1], $0x80, s30, s25, $0xb8;
	[tilespmem:$0x1F0C0] =	vst v63  }
0x1c8: {  	_ =	swait.ge [sflag:s20], $0x4000  }
0x1c9: {  	[sflag:s20] =	ssyncset.done $0x0  }
0x1ca: {  	[sflag:s20] =	ssyncadd.s32 $0xFFFFC000  }
0x1cb: {  	[bflag:$0x0] =	sbarrier.arrive $0xFFFF  }
0x1cc: {  	[hbm:s18], [sflag:s0] =	dma.local [spmem:s21], $0xD80  }
0x1cd: {  	_ =	swait.ge [sflag:s20], $0xD80  }
0x1ce: {  	s31 =	sadd.s32 $0x1, s31;
	s21 =	rddreg [dreg:$0x9]  }
0x1cf: {  	p0 =	sne.s32 s31, s21  }
.Ltmp5:
0x1d0: {  	_ = 	snop;
	(pc) =	sbr.rel @p0 .LBB2_1-.Ltmp5, $3  }
0x1d1: {  	_ =	sdelay $0x1  }
0x1d2: {  	[sflag:s20] =	ssyncset.done $0x0  }
0x1d3: {  	[sflag:s20] =	ssyncadd.s32 $0xFFFFF280  }
0x1d4: {  	_ =	sfence.sel $0x180000  }
0x1d5: {  	[bflag:$0x0] =	sbarrier.arrive $0xFFFF  }
0x1d6: {  	_ =	strace $0x9000004D  }
0x1d7: {  	s0 =	stileid.u32;
	[bflag:$0x2] =	sbarrier.arrive $0xFFFF  }
0x1d8: {  	p0 =	sne.s32 s0, $0x0;
	s0 =	rddreg [dreg:$0x4]  }
0x1d9: {  	s0 =	sadd.s32 @!p0 $0x100000, s0  }
0x1da: {  	[sflag:s0] =	ssyncadd.tile.s32 @!p0 $0x1;
	_ =	shalt  }
.Lfunc_end2:
_tile_overlayer_lowered:
.L_overlay_start_2:
0x1db: {  	(tag) =	ssettag $0x2  }
0x1dc: {  	s0 =	rddreg [dreg:$0x0];
	s2 =	stileid.u32  }
0x1dd: {  	s1 =	rddreg [dreg:$0x1];
	p0 =	sne.s32 s2, $0x0  }
0x1de: {  	s3 =	rddreg [dreg:$0x2];
	[bflag:$0x3] =	sbarrier.arrive $0xFFFF;
	s2 =	simm.s32 @!p0 $0x1C01  }
0x1df: {  	[timem:s3], [sflag:s2] =	dma.local @!p0 [hbm:s0], s1  }
0x1e0: {  	s0 =	simm.s32 @!p0 $0x1  }
0x1e1: {  	_ =	swait.ge @!p0 [sflag:s0], s1  }
0x1e2: {  	s1 =	ssub.s32 @!p0 $0x0, s1;
	[sflag:s0] =	ssyncset.done @!p0 $0x0  }
0x1e3: {  	[sflag:s0] =	ssyncadd.s32 @!p0 s1  }
0x1e4: {  	[bflag:$0x3] =	sbarrier.arrive $0xFFFF  }
0x1e5: {  	_ =	shalt  }

// kernel: kernel.10.cloned.1.call-start
scs
__scs_entry_jumppad:
0x0: {  	(pc) =	sbr.rel $0x88, $3  }
0x1: {  	(tag) =	ssettag $0x0;
	lr =	simm.s32 $0x1  }
0x2: {  	[smem:$0x3F99] =	sst lr;
	_ =	strace $0xD0000000  }
0x3: {  	_ = 	snop  }
0x4: {  	_ = 	snop  }
0x5: {  	_ = 	snop  }
0x6: {  	_ = 	snop  }
0x7: {  	_ = 	snop  }
__scs_overlays_trampoline_lowered:
0x8: {  	[smem:$0x3FA8] =	sst s0  }
0x9: {  	[smem:$0x3FA9] =	sst s1  }
0xa: {  	[smem:$0x3FAA] =	sst s2  }
0xb: {  	[smem:$0x3FAB] =	sst s3  }
0xc: {  	[smem:$0x3FAC] =	sst s4  }
0xd: {  	[smem:$0x3FAD] =	sst s5  }
0xe: {  	[smem:$0x3FAE] =	sst s6  }
0xf: {  	[smem:$0x3FAF] =	sst s7  }
0x10: {  	[smem:$0x3FB0] =	sst s8  }
0x11: {  	[smem:$0x3FB1] =	sst s9;
	s0 =	simm.s32 @!p0 $0x0  }
0x12: {  	s1 =	sld [smem:$0x3F97];
	s0 =	simm.s32 @p0 $0x1  }
0x13: {  	[smem:$0x3FB2] =	sst s0;
	s0 =	simm.s32 @!p1 $0x0  }
0x14: {  	s2 =	sld [smem:$0x3F96];
	s0 =	simm.s32 @p1 $0x1  }
0x15: {  	[smem:$0x3FB3] =	sst s0;
	s0 =	simm.s32 @!p2 $0x0  }
0x16: {  	s3 =	sld [smem:$0x3FDB];
	s0 =	simm.s32 @p2 $0x1  }
0x17: {  	s4 =	simm.s32 $0x1BF5;
	[smem:$0x3FB5] =	sst s0  }
0x18: {  	s0 =	sld [smem:$0x3F98];
	_ =	swait.ge [sflag:s4], $0x0  }
0x19: {  	s7 =	sld [smem:$0x3F99]  }
0x1a: {  	s8 =	sadd.s32 $0xFFFFE003, lr  }
0x1b: {  	s9 =	sadd.s32 $0xFFFFFEF7, lr;
	s5 =	simm.s32 $0xFFFFFFFF;
	p2 =	slt.u32 s8, $0xFFFFF086  }
0x1c: {  	p1 =	slt.u32 s9, $0xF7A;
	s5 =	simm.s32 @!p2 $0x0  }
0x1d: {  	s5 =	simm.s32 @p1 $0x1;
	p0 =	seq.s32 s7, s2  }
0x1e: {  	s7 =	smul.u32 @!p0 $0xF7A, s2;
	p2 =	seq.s32 @!p0 s5, $0x0  }
0x1f: {  	s9 =	smul.u32 $0xF7A, s1;
	s8 =	simm.s32 @!p0 $0x1BF5;
	p2 =	por !p2, p0  }
0x20: {  	[sflag:s8] =	ssyncset.s32 @!p0 $0xFFFFF086;
	s6 =	sadd.s32 @!p0 s3, s7;
	s7 =	simm.s32 @!p0 $0x108  }
0x21: {  	s3 =	sadd.s32 s3, s9;
	s6 =	sadd.s32 @!p0 $0x88, s6;
	s7 =	simm.s32 @p2 $0x1082  }
0x22: {  	[simem:s7], [sflag:s8] =	dma.local @!p0 [hbm:s6], $0xF7A  }
0x23: {  	s9 =	sor.u32 $0xD0000000, s2;
	s6 =	simm.s32 $0x108;
	_ =	swait.ge @!p0 [sflag:s8], $0x0  }
0x24: {  	s3 =	sadd.s32 $0x88, s3;
	s6 =	simm.s32 @!p1 $0x1082;
	[sflag:s4] =	ssyncset.s32 $0xFFFFF086  }
0x25: {  	[simem:s6], [sflag:s4] =	dma.local [hbm:s3], $0xF7A  }
0x26: {  	[smem:$0x3F99] =	sst s1;
	(tag) =	ssettag s2;
	_ =	strace s9  }
0x27: {  	s1 =	sld [smem:$0x3FA9]  }
0x28: {  	s2 =	sld [smem:$0x3FAA]  }
0x29: {  	s4 =	sld [smem:$0x3FAC]  }
0x2a: {  	p0 =	seq.s32 s5, $0x0;
	s5 =	sld [smem:$0x3FAD]  }
0x2b: {  	s6 =	sld [smem:$0x3FAE]  }
0x2c: {  	s7 =	sld [smem:$0x3FAF]  }
0x2d: {  	s3 =	simm.s32 $0x108;
	s8 =	sld [smem:$0x3FB0]  }
0x2e: {  	s3 =	simm.s32 @!p0 $0x1082;
	s9 =	sld [smem:$0x3FB1]  }
0x2f: {  	lr =	sadd.s32 s0, s3;
	s0 =	sld [smem:$0x3FA8]  }
0x30: {  	s3 =	sld [smem:$0x3FAB]  }
0x31: {  	[smem:$0x3FB4] =	sst s10  }
0x32: {  	s10 =	sld [smem:$0x3FB2];
	_ =	sdelay $0x3  }
0x33: {  	p0 =	seq.s32 s10, $0x1;
	s10 =	sld [smem:$0x3FB4];
	_ =	sdelay $0x3  }
0x34: {  	[smem:$0x3FB4] =	sst s10  }
0x35: {  	s10 =	sld [smem:$0x3FB3];
	_ =	sdelay $0x3  }
0x36: {  	p1 =	seq.s32 s10, $0x1;
	s10 =	sld [smem:$0x3FB4];
	_ =	sdelay $0x3  }
0x37: {  	[smem:$0x3FB4] =	sst s10  }
0x38: {  	s10 =	sld [smem:$0x3FB5]  }
0x39: {  	_ = 	snop;
	(pc) =	sbr.ind lr, $3  }
0x3a: {  	_ = 	snop  }
0x3b: {  	_ = 	snop  }
0x3c: {  	p2 =	seq.s32 s10, $0x1;
	s10 =	sld [smem:$0x3FB4]  }
0x3d: {  	_ =	shalt  }
0x3e: {  	_ =	shalt  }
0x3f: {  	_ =	shalt  }
0x40: {  	_ =	shalt  }
0x41: {  	_ =	shalt  }
0x42: {  	_ =	shalt  }
0x43: {  	_ =	shalt  }
0x44: {  	_ =	shalt  }
0x45: {  	_ =	shalt  }
0x46: {  	_ =	shalt  }
0x47: {  	_ =	shalt  }
0x48: {  	_ =	shalt  }
0x49: {  	_ =	shalt  }
0x4a: {  	_ =	shalt  }
0x4b: {  	_ =	shalt  }
0x4c: {  	_ =	shalt  }
0x4d: {  	_ =	shalt  }
0x4e: {  	_ =	shalt  }
0x4f: {  	_ =	shalt  }
0x50: {  	_ =	shalt  }
0x51: {  	_ =	shalt  }
0x52: {  	_ =	shalt  }
0x53: {  	_ =	shalt  }
0x54: {  	_ =	shalt  }
0x55: {  	_ =	shalt  }
0x56: {  	_ =	shalt  }
0x57: {  	_ =	shalt  }
0x58: {  	_ =	shalt  }
0x59: {  	_ =	shalt  }
0x5a: {  	_ =	shalt  }
0x5b: {  	_ =	shalt  }
0x5c: {  	_ =	shalt  }
0x5d: {  	_ =	shalt  }
0x5e: {  	_ =	shalt  }
0x5f: {  	_ =	shalt  }
0x60: {  	_ =	shalt  }
0x61: {  	_ =	shalt  }
0x62: {  	_ =	shalt  }
0x63: {  	_ =	shalt  }
0x64: {  	_ =	shalt  }
0x65: {  	_ =	shalt  }
0x66: {  	_ =	shalt  }
0x67: {  	_ =	shalt  }
0x68: {  	_ =	shalt  }
0x69: {  	_ =	shalt  }
0x6a: {  	_ =	shalt  }
0x6b: {  	_ =	shalt  }
0x6c: {  	_ =	shalt  }
0x6d: {  	_ =	shalt  }
0x6e: {  	_ =	shalt  }
0x6f: {  	_ =	shalt  }
0x70: {  	_ =	shalt  }
0x71: {  	_ =	shalt  }
0x72: {  	_ =	shalt  }
0x73: {  	_ =	shalt  }
0x74: {  	_ =	shalt  }
0x75: {  	_ =	shalt  }
0x76: {  	_ =	shalt  }
0x77: {  	_ =	shalt  }
0x78: {  	_ =	shalt  }
0x79: {  	_ =	shalt  }
0x7a: {  	_ =	shalt  }
0x7b: {  	_ =	shalt  }
0x7c: {  	_ =	shalt  }
0x7d: {  	_ =	shalt  }
0x7e: {  	_ =	shalt  }
0x7f: {  	_ =	shalt  }
0x80: {  	_ =	shalt  }
0x81: {  	_ =	shalt  }
0x82: {  	_ =	shalt  }
0x83: {  	_ =	shalt  }
0x84: {  	_ =	shalt  }
0x85: {  	_ =	shalt  }
0x86: {  	_ =	shalt  }
0x87: {  	_ =	shalt  }
.Lfunc_end0:
.L_simem_size_0:
called_computation.2_lowered:
.L_overlay_start_0:
0x88: {  	s2 =	sld [smem:$0x3FD9]  }
0x89: {  	s3 =	sld [smem:$0x3FFE];
	_ =	sdelay $0x1  }
0x8a: {  	s1 =	srdreg.scid  }
0x8b: {  	s0 =	sand.u32 $0x1, s1  }
0x8c: {  	s17 =	sshll.u32 s0, $0xA;
	s2 =	sadd.s32 s3, s2  }
0x8d: {  	s2 =	sadd.s32 s2, s17  }
0x8e: {  	[smem:$0x3FC0] =	sst s2  }
0x8f: {  	_ = 	snop  }
0x90: {  	s2 =	sld [smem:$0x3FD0];
	(tm) =	ssettm $0x1  }
0x91: {  	s18 =	sld [smem:$0x3FFB];
	_ =	sdelay $0x3  }
0x92: {  	_ =	strace s18  }
0x93: {  	s3 =	sld [smem:$0x3FFC];
	_ =	sdelay $0x3  }
0x94: {  	_ =	strace s3  }
0x95: {  	s3 =	sld [smem:$0x3FFD];
	_ =	sdelay $0x3  }
0x96: {  	_ =	strace s3  }
0x97: {  	_ =	strace $0x8FFFFFFF  }
0x98: {  	s19 =	sld [smem:$0x3FDB];
	_ =	sdelay $0x1  }
0x99: {  	s4 =	simm.s32 $_scs_section_size  }
0x9a: {  	s5 =	simm.s32 $_size__tile_overlayer_lowered;
	s6 =	simm.s32 $_tile_overlayer_lowered  }
0x9b: {  	s22 =	simm.s32 $0x1BFF;
	s21 =	sshll.u32 s6, $0x1;
	s3 =	sadd.s32 s4, s19  }
0x9c: {  	s7 =	simm.s32 $0x0;
	s20 =	sshll.u32 s5, $0x1;
	s5 =	sadd.s32 s21, s3  }
0x9d: {  	[timem:s7], [sflag:s22] =	dma.local [hbm:s5], s20  }
0x9e: {  	_ =	swait.ge [sflag:s22], s20  }
0x9f: {  	s4 =	ssub.s32 $0x0, s20;
	[sflag:s22] =	ssyncset.done $0x0  }
0xa0: {  	[sflag:s22] =	ssyncadd.s32 s4;
	_ =	sdelay $0x1  }
0xa1: {  	s23 =	simm.s32 $0x1B8B  }
0xa2: {  	_ =	swait.ge [sflag:s23], $0x1  }
0xa3: {  	[sflag:s23] =	ssyncset.done $0x0  }
0xa4: {  	s25 =	simm.s32 $0x1B8E;
	s24 =	sld [smem:$0x3FFE];
	[sflag:s23] =	ssyncadd.s32 $0xFFFFFFFF  }
0xa5: {  	s26 =	simm.s32 $execute0_lowered;
	[smem:$0x3FD2] =	sst s25  }
0xa6: {  	s5 =	sshll.u32 s26, $0x1;
	_ =	strace $0x80000049;
	[dreg:$0x1] =	wrdreg $0xFFFFFFFF  }
0xa7: {  	s28 =	simm.s32 $_size_execute0_lowered;
	s3 =	sadd.s32 s3, s5;
	[dreg:$0x0] =	wrdreg $0x0  }
0xa8: {  	s5 =	sshll.u32 s28, $0x1;
	[dreg:$0x2] =	wrdreg s3  }
0xa9: {  	[dreg:$0x3] =	wrdreg s5  }
0xaa: {  	[dreg:$0x4] =	wrdreg $0xC0  }
0xab: {  	_ =	task [dreg:s7], $0x5FFFF  }
0xac: {  	[dreg:$0x1] =	wrdreg $0xFFFFFFFF  }
0xad: {  	[dreg:$0x0] =	wrdreg $0x60  }
0xae: {  	[dreg:$0x2] =	wrdreg s2  }
0xaf: {  	[dreg:$0x3] =	wrdreg s24  }
0xb0: {  	[dreg:$0x4] =	wrdreg $0x9  }
0xb1: {  	_ =	task.clear_ibuf [dreg:s7], $0x5FFFF;
	_ =	strace $0x90000049  }
0xb2: {  	s29 =	simm.s32 $0x9;
	_ =	strace $0x8000004B  }
0xb3: {  	_ =	swait.ge [sflag:s29], $0x1  }
0xb4: {  	[sflag:s29] =	ssyncadd.s32 $0xFFFFFFFF  }
0xb5: {  	_ =	strace $0x9000004B  }
0xb6: {  	_ =	sfence  }
0xb7: {  	s30 =	sld [smem:$0x0];
	_ =	sdelay $0x2  }
0xb8: {  	s31 =	sshll.u32 s1, $0xD;
	s1 =	sshrl.u32 s1, $0x2  }
0xb9: {  	s3 =	sand.u32 $0x4000, s31;
	s1 =	sadd.s32 s1, s30  }
0xba: {  	s0 =	sor.u32 s3, s0;
	s1 =	sshll.u32 s1, $0x11  }
0xbb: {  	s0 =	sor.u32 s1, s0  }
0xbc: {  	s0 =	sadd.s32 $0x8F2B, s0  }
0xbd: {  	[sflag:s0] =	ssyncadd.remote.s32 $0x1  }
0xbe: {  	_ =	sfence.sel $0xFFFF  }
0xbf: {  	[dreg:$0x0] =	wrdreg $0xFFFFFFFF;
	(pc) =	sbr.abs _section_cstart, $3  }
0xc0: {  	[dreg:$0x1] =	wrdreg $0xFFFFFFFF  }
0xc1: {  	_ =	task.clear_ibuf [dreg:s7], $0x2FFFF;
	_ =	strace $0x9FFFFFFF  }
0xc2: {  	(tm) =	ssettm $0x7FFFFFFF  }
0xc3: {  	_ =	shalt  }
tec
execute0_lowered:
.L_overlay_start_1:
0x0: {  	(tag) =	ssettag $0x1  }
0x1: {  	s0 =	rddreg [dreg:$0x0]  }
0x2: {  	s1 =	rddreg [dreg:$0x1]  }
0x3: {  	s2 =	simm.s32 $0x0;
	s3 =	srdreg.scid;
	s13 =	stileid.u32  }
0x4: {  	s21 =	simm.s32 $0x2800;
	s22 =	simm.s32 $0x4F80;
	s23 =	simm.s32 $0x7700  }
0x5: {  	s24 =	simm.s32 $0x9F00;
	s25 =	simm.s32 $0xC700;
	s29 =	simm.s32 $0x10300  }
0x6: {  	s31 =	simm.s32 $0x11700;
	[smem:$0x7FF] =	sst s2;
	s14 =	sand.u32 $0x1, s3  }
0x7: {  	s5 =	sshll.u32 s13, $0x1;
	s3 =	sadd.s32 $0xD200, s1;
	s4 =	sadd.s32 $0xCC00, s1  }
0x8: {  	s6 =	sadd.s32 $0x3200, s1;
	s10 =	sadd.s32 $0x21800, s1;
	s12 =	sadd.s32 $0xD800, s1  }
0x9: {  	s15 =	sadd.s32 $0x2B800, s1;
	s30 =	smul.u32 $0x2800, s13;
	_ =	strace $0x8000004A  }
0xa: {  	s7 =	sor.u32 s14, s5;
	s8 =	ssub.s32 $0x2, s14;
	s19 =	smul.u32 $0x1400, s14  }
0xb: {  	s5 =	sadd.s32 $0x2C00, s1;
	s7 =	smul.u32 $0x1400, s7;
	s9 =	sshrl.u32 s8, $0x1  }
0xc: {  	s1 =	sadd.s32 $0x17800, s1;
	s17 =	ssub.s32 s8, s9;
	s20 =	sadd.s32 s19, s30  }
0xd: {  	s19 =	simm.s32 $0x1;
	s16 =	sshrl.u32 s7, $0x3;
	s17 =	smax.u32 s17, $0x1  }
0xe: {  	s18 =	sadd.s32 $0x5000, s16;
	s7 =	sadd.s32 s0, s16;
	s9 =	sadd.s32 s10, s16  }
0xf: {  	s11 =	sadd.s32 s12, s16;
	s13 =	sadd.s32 s15, s16;
	s8 =	sadd.s32 s0, s18  }
0x10: {  	s10 =	sadd.s32 s10, s18;
	s12 =	sadd.s32 s12, s18;
	s14 =	sadd.s32 s15, s18  }
0x11: {  	s15 =	sadd.s32 s1, s16;
	s16 =	sadd.s32 s1, s18;
	s0 =	simm.s32 $0x0  }
.LBB2_1:
0x12: {  	[tilespmem:s2], [sflag:$0x1] =	stream.linear.gather [hbm4b:s7+s2], $0x1400, $0x38;
	[tilespmem:$0x13F00] =	vst v63  }
0x13: {  	_ =	swait.ge [sflag:s19], $0x1400  }
0x14: {  	[sflag:s19] =	ssyncset.done $0x0  }
0x15: {  	s1 =	simm.s32 $0x1400;
	[sflag:s19] =	ssyncadd.s32 $0xFFFFEC00  }
0x16: {  	[tilespmem:s1], [sflag:$0x1] =	stream.linear.gather [hbm4b:s8+s2], $0x1400, $0x38;
	[tilespmem:$0x13F00] =	vst v63  }
0x17: {  	_ =	swait.ge [sflag:s19], $0x1400  }
0x18: {  	[sflag:s19] =	ssyncset.done $0x0  }
0x19: {  	[sflag:s19] =	ssyncadd.s32 $0xFFFFEC00  }
0x1a: {  	[tilespmem:s21], [sflag:$0x1] =	stream.linear.gather [hbm4b:s3+s2], $0x2780, $0x38;
	[tilespmem:$0x13F00] =	vst v63  }
0x1b: {  	_ =	swait.ge [sflag:s19], $0x2780  }
0x1c: {  	[sflag:s19] =	ssyncset.done $0x0  }
0x1d: {  	[sflag:s19] =	ssyncadd.s32 $0xFFFFD880  }
0x1e: {  	[tilespmem:s22], [sflag:$0x1] =	stream.linear.gather [hbm4b:s4+s2], $0x2780, $0x38;
	[tilespmem:$0x13F00] =	vst v63  }
0x1f: {  	_ =	swait.ge [sflag:s19], $0x2780  }
0x20: {  	[sflag:s19] =	ssyncset.done $0x0  }
0x21: {  	[sflag:s19] =	ssyncadd.s32 $0xFFFFD880  }
0x22: {  	[tilespmem:s23], [sflag:$0x1] =	stream.linear.gather [hbm4b:s5+s2], $0x2800, $0x38;
	[tilespmem:$0x13F00] =	vst v63  }
0x23: {  	_ =	swait.ge [sflag:s19], $0x2800  }
0x24: {  	[sflag:s19] =	ssyncset.done $0x0  }
0x25: {  	[sflag:s19] =	ssyncadd.s32 $0xFFFFD800  }
0x26: {  	[tilespmem:s24], [sflag:$0x1] =	stream.linear.gather [hbm4b:s6+s2], $0x2800, $0x38;
	[tilespmem:$0x13F00] =	vst v63  }
0x27: {  	_ =	swait.ge [sflag:s19], $0x2800  }
0x28: {  	[sflag:s19] =	ssyncset.done $0x0  }
0x29: {  	s1 =	simm.s32 $0x0;
	[sflag:s19] =	ssyncadd.s32 $0xFFFFD800  }
0x2a: {  	v0 =	vld [tilespmem:s1+$0x0]  }
0x2b: {  	v1 =	vld [tilespmem:s1+$0x1400];
	_ =	sdelay $0x6  }
0x2c: {  	v2 =	vld.idx.msk [tilespmem:v0+s21+$0x0], $0xffff  }
0x2d: {  	v3 =	vld.idx.msk [tilespmem:v1+s22+$0x0], $0xffff;
	_ =	sdelay $0x4  }
0x2e: {  	v2 =	vadd.f32 v3, v2;
	_ =	sdelay $0x1  }
0x2f: {  	v2 =	vadd.f32 v2, v2;
	_ =	sdelay $0x1  }
0x30: {  	v2 =	vmul.f32 $1.442695020e+00, v2;
	_ =	sdelay $0x1  }
0x31: {  	(erf) = vpow2.f32 v2;
	_ =	sdelay $0x8  }
0x32: {  	v2 =	vpop (erf)  }
0x33: {  	v2 =	vadd.f32 $1.000000000e+00, v2;
	_ =	sdelay $0x1  }
0x34: {  	(erf) = vrcp.f32 v2;
	_ =	sdelay $0x8  }
0x35: {  	v2 =	vpop (erf)  }
0x36: {  	v2 =	vadd.f32 v2, v2;
	_ =	sdelay $0x1  }
0x37: {  	v2 =	vsub.f32 $1.000000000e+00, v2;
	_ =	sdelay $0x1  }
0x38: {  	v3 =	vmul.f32 v2, v2;
	_ =	sdelay $0x1  }
0x39: {  	v4 =	vadd.f32 $1.000000000e+00, v3;
	_ =	sdelay $0x1  }
0x3a: {  	(erf) = vrcp.f32 v4;
	_ =	sdelay $0x4  }
0x3b: {  	v0 =	vld.idx.msk [tilespmem:v0+s23+$0x0], $0xffff  }
0x3c: {  	v1 =	vld.idx.msk [tilespmem:v1+s24+$0x0], $0xffff;
	_ =	sdelay $0x1  }
0x3d: {  	v2 =	vadd.f32 v2, v2;
	v3 =	vadd.f32 $-1.000000000e+00, v3  }
0x3e: {  	v4 =	vpop (erf)  }
0x3f: {  	v3 =	vmul.f32 v4, v3;
	v2 =	vmul.f32 v4, v2  }
0x40: {  	s28 =	simm.s32 $0x10;
	p0 =	slt.u32 s20, $0x27100;
	v4 =	vmul.f32 v1, v0  }
0x41: {  	v0 =	vld [tilespmem:s28+$0x0];
	v3 =	vpsel !p0, $0x0, v3;
	v5 =	vpsel !p0, $0x0, v2  }
0x42: {  	v1 =	vld [tilespmem:s28+$0x1400];
	v6 =	vmul.f32 v3, v4;
	v2 =	vmul.f32 v5, v4;
	[tilespmem:s1+$0xC700] =	vst v3  }
0x43: {  	[tilespmem:s1+$0xDB00] =	vst v5  }
0x44: {  	s26 =	simm.s32 $0x80;
	s18 =	smov.u32 s20;
	v3 =	vsub.f32 $0.0e+00, v5;
	[tilespmem:s1+$0x10300] =	vst v6;
	v4 =	vsub.f32 $0.0e+00, v2  }
.LBB2_2:
0x45: {  	p0 =	sne.s32 s26, $0x4FC0  }
0x46: {  	[tilespmem:s1+$0xEF00] =	vst v3;
	s18 =	sadd.s32 $0x10, s18;
	s30 =	smov.u32 s26;
	s26 =	sadd.s32 $0x40, s26  }
0x47: {  	[tilespmem:s1+$0x12B00] =	vst v4  }
0x48: {  	[tilespmem:s1+$0x11700] =	vst v2;
	s1 =	smov.u32 s28  }
0x49: {  	v2 =	vld.idx.msk [tilespmem:v0+s21+$0x0], $0xffff  }
0x4a: {  	v3 =	vld.idx.msk [tilespmem:v1+s22+$0x0], $0xffff;
	_ =	sdelay $0x5  }
0x4b: {  	v2 =	vadd.f32 v3, v2;
	_ =	sdelay $0x1  }
0x4c: {  	v2 =	vadd.f32 v2, v2;
	_ =	sdelay $0x1  }
0x4d: {  	v2 =	vmul.f32 $1.442695020e+00, v2;
	_ =	sdelay $0x1  }
0x4e: {  	(erf) = vpow2.f32 v2;
	_ =	sdelay $0x8  }
0x4f: {  	v2 =	vpop (erf)  }
0x50: {  	v2 =	vadd.f32 $1.000000000e+00, v2;
	_ =	sdelay $0x1  }
0x51: {  	(erf) = vrcp.f32 v2;
	_ =	sdelay $0x8  }
0x52: {  	v2 =	vpop (erf)  }
0x53: {  	v2 =	vadd.f32 v2, v2;
	_ =	sdelay $0x1  }
0x54: {  	v2 =	vsub.f32 $1.000000000e+00, v2;
	_ =	sdelay $0x1  }
0x55: {  	v3 =	vmul.f32 v2, v2;
	_ =	sdelay $0x1  }
0x56: {  	v4 =	vadd.f32 $1.000000000e+00, v3;
	_ =	sdelay $0x1  }
0x57: {  	(erf) = vrcp.f32 v4;
	_ =	sdelay $0x1  }
0x58: {  	v0 =	vld.idx.msk [tilespmem:v0+s23+$0x0], $0xffff  }
0x59: {  	v1 =	vld.idx.msk [tilespmem:v1+s24+$0x0], $0xffff;
	_ =	sdelay $0x3  }
0x5a: {  	v2 =	vadd.f32 v2, v2  }
0x5b: {  	v3 =	vadd.f32 $-1.000000000e+00, v3  }
0x5c: {  	v4 =	vmul.f32 v1, v0;
	v0 =	vpop (erf)  }
0x5d: {  	p1 =	slt.u32 s18, $0x27100;
	s28 =	sshra.s32 s30, $0x2;
	v3 =	vmul.f32 v0, v3;
	v2 =	vmul.f32 v0, v2  }
.Ltmp0:
0x5e: {  	v0 =	vld [tilespmem:s28+$0x0];
	(pc) =	sbr.rel @p0 .LBB2_2-.Ltmp0, $4  }
0x5f: {  	v1 =	vld [tilespmem:s28+$0x1400];
	v3 =	vpsel !p1, $0x0, v3;
	v5 =	vpsel !p1, $0x0, v2  }
0x60: {  	v6 =	vmul.f32 v3, v4;
	v2 =	vmul.f32 v5, v4;
	[tilespmem:s1+$0xC700] =	vst v3;
	v3 =	vsub.f32 $0.0e+00, v5  }
0x61: {  	[tilespmem:s1+$0xDB00] =	vst v5  }
0x62: {  	[tilespmem:s1+$0x10300] =	vst v6;
	v4 =	vsub.f32 $0.0e+00, v2  }
0x63: {  	_ = 	snop  }
0x64: {  	[tilespmem:s1+$0xEF00] =	vst v3  }
0x65: {  	[tilespmem:s1+$0x11700] =	vst v2  }
0x66: {  	[tilespmem:s1+$0x12B00] =	vst v4  }
0x67: {  	v2 =	vld.idx.msk [tilespmem:v0+s21+$0x0], $0xffff  }
0x68: {  	v3 =	vld.idx.msk [tilespmem:v1+s22+$0x0], $0xffff;
	_ =	sdelay $0x4  }
0x69: {  	v2 =	vadd.f32 v3, v2;
	_ =	sdelay $0x1  }
0x6a: {  	v2 =	vadd.f32 v2, v2;
	_ =	sdelay $0x1  }
0x6b: {  	v2 =	vmul.f32 $1.442695020e+00, v2;
	_ =	sdelay $0x1  }
0x6c: {  	(erf) = vpow2.f32 v2;
	_ =	sdelay $0x8  }
0x6d: {  	v2 =	vpop (erf)  }
0x6e: {  	v2 =	vadd.f32 $1.000000000e+00, v2;
	_ =	sdelay $0x1  }
0x6f: {  	(erf) = vrcp.f32 v2;
	_ =	sdelay $0x8  }
0x70: {  	v2 =	vpop (erf)  }
0x71: {  	v2 =	vadd.f32 v2, v2;
	_ =	sdelay $0x1  }
0x72: {  	v2 =	vsub.f32 $1.000000000e+00, v2;
	_ =	sdelay $0x1  }
0x73: {  	v57 =	vmul.f32 v2, v2;
	_ =	sdelay $0x1  }
0x74: {  	v58 =	vadd.f32 $1.000000000e+00, v57;
	_ =	sdelay $0x1  }
0x75: {  	(erf) = vrcp.f32 v58;
	_ =	sdelay $0x4  }
0x76: {  	v59 =	vld.idx.msk [tilespmem:v0+s23+$0x0], $0xffff  }
0x77: {  	v60 =	vld.idx.msk [tilespmem:v1+s24+$0x0], $0xffff;
	_ =	sdelay $0x1  }
0x78: {  	v3 =	vadd.f32 $-1.000000000e+00, v57  }
0x79: {  	v2 =	vadd.f32 v2, v2;
	v4 =	vpop (erf)  }
0x7a: {  	s18 =	sadd.s32 $0x10, s18;
	v3 =	vmul.f32 v4, v3  }
0x7b: {  	p0 =	slt.u32 s18, $0x27100;
	v0 =	vmul.f32 v60, v59;
	v2 =	vmul.f32 v4, v2  }
0x7c: {  	v61 =	vpsel !p0, $0x0, v3  }
0x7d: {  	v2 =	vpsel !p0, $0x0, v2;
	v3 =	vmul.f32 v61, v0;
	[tilespmem:s28+$0xC700] =	vst v61  }
0x7e: {  	v0 =	vmul.f32 v2, v0;
	v62 =	vsub.f32 $0.0e+00, v2;
	[tilespmem:s28+$0xDB00] =	vst v2  }
0x7f: {  	[tilespmem:s28+$0x10300] =	vst v3  }
0x80: {  	v63 =	vsub.f32 $0.0e+00, v0;
	[tilespmem:s28+$0xEF00] =	vst v62  }
0x81: {  	[tilespmem:s28+$0x11700] =	vst v0  }
0x82: {  	[tilespmem:s28+$0x12B00] =	vst v63  }
0x83: {  	[hbm4b:s9+s2] =	stream.linear.scatter [tilespmem:s25], [sflag:$0x1], $0x1400, $0x38;
	[tilespmem:$0x13F00] =	vst v63  }
0x84: {  	_ =	swait.ge [sflag:s19], $0x1400  }
0x85: {  	[sflag:s19] =	ssyncset.done $0x0  }
0x86: {  	s26 =	simm.s32 $0xDB00;
	[sflag:s19] =	ssyncadd.s32 $0xFFFFEC00  }
0x87: {  	[hbm4b:s10+s2] =	stream.linear.scatter [tilespmem:s26], [sflag:$0x1], $0x1400, $0x38;
	[tilespmem:$0x13F00] =	vst v63  }
0x88: {  	_ =	swait.ge [sflag:s19], $0x1400  }
0x89: {  	[sflag:s19] =	ssyncset.done $0x0  }
0x8a: {  	s28 =	simm.s32 $0xEF00;
	[sflag:s19] =	ssyncadd.s32 $0xFFFFEC00  }
0x8b: {  	[hbm4b:s11+s2] =	stream.linear.scatter [tilespmem:s28], [sflag:$0x1], $0x1400, $0x38;
	[tilespmem:$0x13F00] =	vst v63  }
0x8c: {  	_ =	swait.ge [sflag:s19], $0x1400  }
0x8d: {  	[sflag:s19] =	ssyncset.done $0x0  }
0x8e: {  	[sflag:s19] =	ssyncadd.s32 $0xFFFFEC00  }
0x8f: {  	[hbm4b:s12+s2] =	stream.linear.scatter [tilespmem:s25], [sflag:$0x1], $0x1400, $0x38;
	[tilespmem:$0x13F00] =	vst v63  }
0x90: {  	_ =	swait.ge [sflag:s19], $0x1400  }
0x91: {  	[sflag:s19] =	ssyncset.done $0x0  }
0x92: {  	[sflag:s19] =	ssyncadd.s32 $0xFFFFEC00  }
0x93: {  	[hbm4b:s13+s2] =	stream.linear.scatter [tilespmem:s29], [sflag:$0x1], $0x1400, $0x38;
	[tilespmem:$0x13F00] =	vst v63  }
0x94: {  	_ =	swait.ge [sflag:s19], $0x1400  }
0x95: {  	[sflag:s19] =	ssyncset.done $0x0  }
0x96: {  	s30 =	simm.s32 $0x12B00;
	[sflag:s19] =	ssyncadd.s32 $0xFFFFEC00  }
0x97: {  	[hbm4b:s14+s2] =	stream.linear.scatter [tilespmem:s30], [sflag:$0x1], $0x1400, $0x38;
	[tilespmem:$0x13F00] =	vst v63  }
0x98: {  	_ =	swait.ge [sflag:s19], $0x1400  }
0x99: {  	[sflag:s19] =	ssyncset.done $0x0  }
0x9a: {  	[sflag:s19] =	ssyncadd.s32 $0xFFFFEC00  }
0x9b: {  	[hbm4b:s15+s2] =	stream.linear.scatter [tilespmem:s31], [sflag:$0x1], $0x1400, $0x38;
	[tilespmem:$0x13F00] =	vst v63  }
0x9c: {  	s0 =	sadd.s32 $0x1, s0;
	_ =	swait.ge [sflag:s19], $0x1400  }
0x9d: {  	p0 =	sne.s32 s0, s17;
	[sflag:s19] =	ssyncset.done $0x0  }
.Ltmp1:
0x9e: {  	[sflag:s19] =	ssyncadd.s32 $0xFFFFEC00;
	(pc) =	sbr.rel @p0 .LBB2_1-.Ltmp1, $4  }
0x9f: {  	[hbm4b:s16+s2] =	stream.linear.scatter [tilespmem:s29], [sflag:$0x1], $0x1400, $0x38;
	[tilespmem:$0x13F00] =	vst v63  }
0xa0: {  	_ =	swait.ge [sflag:s19], $0x1400  }
0xa1: {  	[sflag:s19] =	ssyncset.done $0x0  }
0xa2: {  	[sflag:s19] =	ssyncadd.s32 $0xFFFFEC00  }
0xa3: {  	_ =	sfence.sel $0x180000  }
0xa4: {  	[bflag:$0x0] =	sbarrier.arrive $0xFFFF  }
0xa5: {  	_ =	strace $0x9000004A  }
0xa6: {  	s0 =	stileid.u32;
	[bflag:$0x2] =	sbarrier.arrive $0xFFFF  }
0xa7: {  	p0 =	sne.s32 s0, $0x0;
	s0 =	rddreg [dreg:$0x2]  }
0xa8: {  	s0 =	sadd.s32 @!p0 $0x100000, s0  }
0xa9: {  	[sflag:s0] =	ssyncadd.tile.s32 @!p0 $0x1;
	_ =	shalt  }
.Lfunc_end2:
_tile_overlayer_lowered:
.L_overlay_start_2:
0xaa: {  	(tag) =	ssettag $0x2  }
0xab: {  	s0 =	rddreg [dreg:$0x0];
	s2 =	stileid.u32  }
0xac: {  	s1 =	rddreg [dreg:$0x1];
	p0 =	sne.s32 s2, $0x0  }
0xad: {  	s3 =	rddreg [dreg:$0x2];
	[bflag:$0x3] =	sbarrier.arrive $0xFFFF;
	s2 =	simm.s32 @!p0 $0x1C01  }
0xae: {  	[timem:s3], [sflag:s2] =	dma.local @!p0 [hbm:s0], s1  }
0xaf: {  	s0 =	simm.s32 @!p0 $0x1  }
0xb0: {  	_ =	swait.ge @!p0 [sflag:s0], s1  }
0xb1: {  	s1 =	ssub.s32 @!p0 $0x0, s1;
	[sflag:s0] =	ssyncset.done @!p0 $0x0  }
0xb2: {  	[sflag:s0] =	ssyncadd.s32 @!p0 s1  }
0xb3: {  	[bflag:$0x3] =	sbarrier.arrive $0xFFFF  }
0xb4: {  	_ =	shalt  }

// kernel: kernel.7.cloned.1.call-start
scs
__scs_entry_jumppad:
0x0: {  	(pc) =	sbr.rel $0x88, $3  }
0x1: {  	(tag) =	ssettag $0x0;
	lr =	simm.s32 $0x1  }
0x2: {  	[smem:$0x3F99] =	sst lr;
	_ =	strace $0xD0000000  }
0x3: {  	_ = 	snop  }
0x4: {  	_ = 	snop  }
0x5: {  	_ = 	snop  }
0x6: {  	_ = 	snop  }
0x7: {  	_ = 	snop  }
__scs_overlays_trampoline_lowered:
0x8: {  	[smem:$0x3FA8] =	sst s0  }
0x9: {  	[smem:$0x3FA9] =	sst s1  }
0xa: {  	[smem:$0x3FAA] =	sst s2  }
0xb: {  	[smem:$0x3FAB] =	sst s3  }
0xc: {  	[smem:$0x3FAC] =	sst s4  }
0xd: {  	[smem:$0x3FAD] =	sst s5  }
0xe: {  	[smem:$0x3FAE] =	sst s6  }
0xf: {  	[smem:$0x3FAF] =	sst s7  }
0x10: {  	[smem:$0x3FB0] =	sst s8  }
0x11: {  	[smem:$0x3FB1] =	sst s9;
	s0 =	simm.s32 @!p0 $0x0  }
0x12: {  	s1 =	sld [smem:$0x3F97];
	s0 =	simm.s32 @p0 $0x1  }
0x13: {  	[smem:$0x3FB2] =	sst s0;
	s0 =	simm.s32 @!p1 $0x0  }
0x14: {  	s2 =	sld [smem:$0x3F96];
	s0 =	simm.s32 @p1 $0x1  }
0x15: {  	[smem:$0x3FB3] =	sst s0;
	s0 =	simm.s32 @!p2 $0x0  }
0x16: {  	s3 =	sld [smem:$0x3FDB];
	s0 =	simm.s32 @p2 $0x1  }
0x17: {  	s4 =	simm.s32 $0x1BF5;
	[smem:$0x3FB5] =	sst s0  }
0x18: {  	s0 =	sld [smem:$0x3F98];
	_ =	swait.ge [sflag:s4], $0x0  }
0x19: {  	s7 =	sld [smem:$0x3F99]  }
0x1a: {  	s8 =	sadd.s32 $0xFFFFE003, lr  }
0x1b: {  	s9 =	sadd.s32 $0xFFFFFEF7, lr;
	s5 =	simm.s32 $0xFFFFFFFF;
	p2 =	slt.u32 s8, $0xFFFFF086  }
0x1c: {  	p1 =	slt.u32 s9, $0xF7A;
	s5 =	simm.s32 @!p2 $0x0  }
0x1d: {  	s5 =	simm.s32 @p1 $0x1;
	p0 =	seq.s32 s7, s2  }
0x1e: {  	s7 =	smul.u32 @!p0 $0xF7A, s2;
	p2 =	seq.s32 @!p0 s5, $0x0  }
0x1f: {  	s9 =	smul.u32 $0xF7A, s1;
	s8 =	simm.s32 @!p0 $0x1BF5;
	p2 =	por !p2, p0  }
0x20: {  	[sflag:s8] =	ssyncset.s32 @!p0 $0xFFFFF086;
	s6 =	sadd.s32 @!p0 s3, s7;
	s7 =	simm.s32 @!p0 $0x108  }
0x21: {  	s3 =	sadd.s32 s3, s9;
	s6 =	sadd.s32 @!p0 $0x88, s6;
	s7 =	simm.s32 @p2 $0x1082  }
0x22: {  	[simem:s7], [sflag:s8] =	dma.local @!p0 [hbm:s6], $0xF7A  }
0x23: {  	s9 =	sor.u32 $0xD0000000, s2;
	s6 =	simm.s32 $0x108;
	_ =	swait.ge @!p0 [sflag:s8], $0x0  }
0x24: {  	s3 =	sadd.s32 $0x88, s3;
	s6 =	simm.s32 @!p1 $0x1082;
	[sflag:s4] =	ssyncset.s32 $0xFFFFF086  }
0x25: {  	[simem:s6], [sflag:s4] =	dma.local [hbm:s3], $0xF7A  }
0x26: {  	[smem:$0x3F99] =	sst s1;
	(tag) =	ssettag s2;
	_ =	strace s9  }
0x27: {  	s1 =	sld [smem:$0x3FA9]  }
0x28: {  	s2 =	sld [smem:$0x3FAA]  }
0x29: {  	s4 =	sld [smem:$0x3FAC]  }
0x2a: {  	p0 =	seq.s32 s5, $0x0;
	s5 =	sld [smem:$0x3FAD]  }
0x2b: {  	s6 =	sld [smem:$0x3FAE]  }
0x2c: {  	s7 =	sld [smem:$0x3FAF]  }
0x2d: {  	s3 =	simm.s32 $0x108;
	s8 =	sld [smem:$0x3FB0]  }
0x2e: {  	s3 =	simm.s32 @!p0 $0x1082;
	s9 =	sld [smem:$0x3FB1]  }
0x2f: {  	lr =	sadd.s32 s0, s3;
	s0 =	sld [smem:$0x3FA8]  }
0x30: {  	s3 =	sld [smem:$0x3FAB]  }
0x31: {  	[smem:$0x3FB4] =	sst s10  }
0x32: {  	s10 =	sld [smem:$0x3FB2];
	_ =	sdelay $0x3  }
0x33: {  	p0 =	seq.s32 s10, $0x1;
	s10 =	sld [smem:$0x3FB4];
	_ =	sdelay $0x3  }
0x34: {  	[smem:$0x3FB4] =	sst s10  }
0x35: {  	s10 =	sld [smem:$0x3FB3];
	_ =	sdelay $0x3  }
0x36: {  	p1 =	seq.s32 s10, $0x1;
	s10 =	sld [smem:$0x3FB4];
	_ =	sdelay $0x3  }
0x37: {  	[smem:$0x3FB4] =	sst s10  }
0x38: {  	s10 =	sld [smem:$0x3FB5]  }
0x39: {  	_ = 	snop;
	(pc) =	sbr.ind lr, $3  }
0x3a: {  	_ = 	snop  }
0x3b: {  	_ = 	snop  }
0x3c: {  	p2 =	seq.s32 s10, $0x1;
	s10 =	sld [smem:$0x3FB4]  }
0x3d: {  	_ =	shalt  }
0x3e: {  	_ =	shalt  }
0x3f: {  	_ =	shalt  }
0x40: {  	_ =	shalt  }
0x41: {  	_ =	shalt  }
0x42: {  	_ =	shalt  }
0x43: {  	_ =	shalt  }
0x44: {  	_ =	shalt  }
0x45: {  	_ =	shalt  }
0x46: {  	_ =	shalt  }
0x47: {  	_ =	shalt  }
0x48: {  	_ =	shalt  }
0x49: {  	_ =	shalt  }
0x4a: {  	_ =	shalt  }
0x4b: {  	_ =	shalt  }
0x4c: {  	_ =	shalt  }
0x4d: {  	_ =	shalt  }
0x4e: {  	_ =	shalt  }
0x4f: {  	_ =	shalt  }
0x50: {  	_ =	shalt  }
0x51: {  	_ =	shalt  }
0x52: {  	_ =	shalt  }
0x53: {  	_ =	shalt  }
0x54: {  	_ =	shalt  }
0x55: {  	_ =	shalt  }
0x56: {  	_ =	shalt  }
0x57: {  	_ =	shalt  }
0x58: {  	_ =	shalt  }
0x59: {  	_ =	shalt  }
0x5a: {  	_ =	shalt  }
0x5b: {  	_ =	shalt  }
0x5c: {  	_ =	shalt  }
0x5d: {  	_ =	shalt  }
0x5e: {  	_ =	shalt  }
0x5f: {  	_ =	shalt  }
0x60: {  	_ =	shalt  }
0x61: {  	_ =	shalt  }
0x62: {  	_ =	shalt  }
0x63: {  	_ =	shalt  }
0x64: {  	_ =	shalt  }
0x65: {  	_ =	shalt  }
0x66: {  	_ =	shalt  }
0x67: {  	_ =	shalt  }
0x68: {  	_ =	shalt  }
0x69: {  	_ =	shalt  }
0x6a: {  	_ =	shalt  }
0x6b: {  	_ =	shalt  }
0x6c: {  	_ =	shalt  }
0x6d: {  	_ =	shalt  }
0x6e: {  	_ =	shalt  }
0x6f: {  	_ =	shalt  }
0x70: {  	_ =	shalt  }
0x71: {  	_ =	shalt  }
0x72: {  	_ =	shalt  }
0x73: {  	_ =	shalt  }
0x74: {  	_ =	shalt  }
0x75: {  	_ =	shalt  }
0x76: {  	_ =	shalt  }
0x77: {  	_ =	shalt  }
0x78: {  	_ =	shalt  }
0x79: {  	_ =	shalt  }
0x7a: {  	_ =	shalt  }
0x7b: {  	_ =	shalt  }
0x7c: {  	_ =	shalt  }
0x7d: {  	_ =	shalt  }
0x7e: {  	_ =	shalt  }
0x7f: {  	_ =	shalt  }
0x80: {  	_ =	shalt  }
0x81: {  	_ =	shalt  }
0x82: {  	_ =	shalt  }
0x83: {  	_ =	shalt  }
0x84: {  	_ =	shalt  }
0x85: {  	_ =	shalt  }
0x86: {  	_ =	shalt  }
0x87: {  	_ =	shalt  }
.Lfunc_end0:
.L_simem_size_0:
called_computation.1_lowered:
.L_overlay_start_0:
0x88: {  	s2 =	sld [smem:$0x3FD9]  }
0x89: {  	s3 =	sld [smem:$0x3FFE];
	_ =	sdelay $0x1  }
0x8a: {  	s1 =	srdreg.scid  }
0x8b: {  	s0 =	sand.u32 $0x1, s1  }
0x8c: {  	s17 =	sshll.u32 s0, $0xA;
	s2 =	sadd.s32 s3, s2  }
0x8d: {  	s2 =	sadd.s32 s2, s17  }
0x8e: {  	[smem:$0x3FC0] =	sst s2  }
0x8f: {  	_ = 	snop  }
0x90: {  	s2 =	sld [smem:$0x3FD0];
	(tm) =	ssettm $0x1  }
0x91: {  	s18 =	sld [smem:$0x3FFB];
	_ =	sdelay $0x3  }
0x92: {  	_ =	strace s18  }
0x93: {  	s3 =	sld [smem:$0x3FFC];
	_ =	sdelay $0x3  }
0x94: {  	_ =	strace s3  }
0x95: {  	s3 =	sld [smem:$0x3FFD];
	_ =	sdelay $0x3  }
0x96: {  	_ =	strace s3  }
0x97: {  	_ =	strace $0x8FFFFFFF  }
0x98: {  	s19 =	sld [smem:$0x3FDB];
	_ =	sdelay $0x1  }
0x99: {  	s4 =	simm.s32 $_scs_section_size  }
0x9a: {  	s5 =	simm.s32 $_size__tile_overlayer_lowered;
	s6 =	simm.s32 $_tile_overlayer_lowered  }
0x9b: {  	s22 =	simm.s32 $0x1BFF;
	s21 =	sshll.u32 s6, $0x1;
	s3 =	sadd.s32 s4, s19  }
0x9c: {  	s7 =	simm.s32 $0x0;
	s20 =	sshll.u32 s5, $0x1;
	s5 =	sadd.s32 s21, s3  }
0x9d: {  	[timem:s7], [sflag:s22] =	dma.local [hbm:s5], s20  }
0x9e: {  	_ =	swait.ge [sflag:s22], s20  }
0x9f: {  	s4 =	ssub.s32 $0x0, s20;
	[sflag:s22] =	ssyncset.done $0x0  }
0xa0: {  	[sflag:s22] =	ssyncadd.s32 s4;
	_ =	sdelay $0x1  }
0xa1: {  	s23 =	simm.s32 $0x1B8B  }
0xa2: {  	_ =	swait.ge [sflag:s23], $0x1  }
0xa3: {  	[sflag:s23] =	ssyncset.done $0x0  }
0xa4: {  	s25 =	simm.s32 $0x1B8E;
	s24 =	sld [smem:$0x3FFE];
	[sflag:s23] =	ssyncadd.s32 $0xFFFFFFFF  }
0xa5: {  	s26 =	simm.s32 $execute0_lowered;
	[smem:$0x3FD2] =	sst s25  }
0xa6: {  	s5 =	sshll.u32 s26, $0x1;
	_ =	strace $0x80000046;
	[dreg:$0x1] =	wrdreg $0xFFFFFFFF  }
0xa7: {  	s28 =	simm.s32 $_size_execute0_lowered;
	s3 =	sadd.s32 s3, s5;
	[dreg:$0x0] =	wrdreg $0x0  }
0xa8: {  	s5 =	sshll.u32 s28, $0x1;
	[dreg:$0x2] =	wrdreg s3  }
0xa9: {  	[dreg:$0x3] =	wrdreg s5  }
0xaa: {  	[dreg:$0x4] =	wrdreg $0xC0  }
0xab: {  	_ =	task [dreg:s7], $0x5FFFF  }
0xac: {  	[dreg:$0x1] =	wrdreg $0xFFFFFFFF  }
0xad: {  	[dreg:$0x0] =	wrdreg $0x60  }
0xae: {  	[dreg:$0x2] =	wrdreg s2  }
0xaf: {  	[dreg:$0x3] =	wrdreg s24  }
0xb0: {  	[dreg:$0x4] =	wrdreg $0x9  }
0xb1: {  	_ =	task.clear_ibuf [dreg:s7], $0x5FFFF;
	_ =	strace $0x90000046  }
0xb2: {  	s29 =	simm.s32 $0x9;
	_ =	strace $0x80000048  }
0xb3: {  	_ =	swait.ge [sflag:s29], $0x1  }
0xb4: {  	[sflag:s29] =	ssyncadd.s32 $0xFFFFFFFF  }
0xb5: {  	_ =	strace $0x90000048  }
0xb6: {  	_ =	sfence  }
0xb7: {  	s30 =	sld [smem:$0x0];
	_ =	sdelay $0x2  }
0xb8: {  	s31 =	sshll.u32 s1, $0xD;
	s1 =	sshrl.u32 s1, $0x2  }
0xb9: {  	s3 =	sand.u32 $0x4000, s31;
	s1 =	sadd.s32 s1, s30  }
0xba: {  	s0 =	sor.u32 s3, s0;
	s1 =	sshll.u32 s1, $0x11  }
0xbb: {  	s0 =	sor.u32 s1, s0  }
0xbc: {  	s0 =	sadd.s32 $0x8F2B, s0  }
0xbd: {  	[sflag:s0] =	ssyncadd.remote.s32 $0x1  }
0xbe: {  	_ =	sfence.sel $0xFFFF  }
0xbf: {  	[dreg:$0x0] =	wrdreg $0xFFFFFFFF;
	(pc) =	sbr.abs _section_cstart, $3  }
0xc0: {  	[dreg:$0x1] =	wrdreg $0xFFFFFFFF  }
0xc1: {  	_ =	task.clear_ibuf [dreg:s7], $0x2FFFF;
	_ =	strace $0x9FFFFFFF  }
0xc2: {  	(tm) =	ssettm $0x7FFFFFFF  }
0xc3: {  	_ =	shalt  }
tec
execute0_lowered:
.L_overlay_start_1:
0x0: {  	(tag) =	ssettag $0x1  }
0x1: {  	s4 =	rddreg [dreg:$0x0];
	s0 =	srdreg.scid  }
0x2: {  	s5 =	rddreg [dreg:$0x1];
	s1 =	stileid.u32;
	s3 =	simm.s32 $0x0  }
0x3: {  	s6 =	sand.u32 $0x1, s0;
	s0 =	rddreg [dreg:$0x2];
	s2 =	smul.u32 $0x2800, s1  }
0x4: {  	[smem:$0x7FF] =	sst s3;
	s7 =	sshll.u32 s6, $0x4;
	s8 =	smul.u32 $0x28000, s6  }
0x5: {  	s6 =	ssub.s32 $0x2, s6;
	_ =	strace $0x80000047;
	s7 =	sor.u32 s1, s7  }
0x6: {  	s9 =	sshrl.u32 s6, $0x1;
	s7 =	smul.u32 $0x500, s7;
	s8 =	sadd.s32 s2, s8  }
0x7: {  	s6 =	ssub.s32 s6, s9;
	s9 =	simm.s32 $0x0;
	s31 =	sshrl.u32 s8, $0x3  }
0x8: {  	s6 =	smax.u32 s6, $0x1;
	s8 =	simm.s32 $0x2800;
	s5 =	sadd.s32 s7, s5  }
0x9: {  	v0 =	vimm.f32 $0.0e+00;
	vm0 =	vmxor vm0, vm0;
	v1 =	vimm.f32 $1.000000000e+00;
	s4 =	sadd.s32 s4, s31;
	s7 =	simm.s32 $0x1;
	s5 =	sadd.s32 $0x2C00, s5  }
.LBB2_1:
0xa: {  	[tilespmem:s3], [sflag:$0x1] =	stream.linear.gather [hbm4b:s4+s3], $0x2800, $0x38;
	[tilespmem:$0x5000] =	vst v63  }
0xb: {  	_ =	swait.ge [sflag:s7], $0x2800  }
0xc: {  	[sflag:s7] =	ssyncset.done $0x0  }
0xd: {  	s10 =	simm.s32 $0x0;
	[sflag:s7] =	ssyncadd.s32 $0xFFFFD800  }
.LBB2_2:
0xe: {  	p0 =	sne.s32 s10, $0x9FC0  }
.Ltmp0:
0xf: {  	_ = 	snop;
	(pc) =	sbr.rel @p0 .LBB2_2-.Ltmp0, $3  }
0x10: {  	_ =	sdelay $0x1  }
0x11: {  	s11 =	sshra.s32 s10, $0x2  }
0x12: {  	s10 =	sadd.s32 $0x40, s10;
	[tilespmem:s11+$0x2800] =	vst v0  }
0x13: {  	s10 =	simm.s32 $0x0  }
0x14: {  	v2 =	vld [tilespmem:s10+$0x0]  }
0x15: {  	p0 =	slt.u32 s2, $0x27100;
	vm1 =	vmmov vm0  }
0x16: {  	vm1 =	vmneg @p0 vm1;
	_ =	sdelay $0x5  }
0x17: {  	s12 =	simm.s32 $0x10;
	s11 =	simm.s32 $0x80;
	s10 =	smov.u32 s2;
	[tilespmem:v2+s8+$0x0] =	vst.idx.add.f32.msk vm1, v1  }
.LBB2_4:
0x18: {  	p0 =	sne.s32 s11, $0x9FC0;
	v2 =	vld [tilespmem:s12+$0x0];
	s10 =	sadd.s32 $0x10, s10  }
0x19: {  	vm1 =	vmmov vm0;
	p1 =	slt.u32 s10, $0x27100  }
0x1a: {  	vm1 =	vmneg @p1 vm1;
	_ =	sdelay $0x1  }
.Ltmp1:
0x1b: {  	(pc) =	sbr.rel @p0 .LBB2_4-.Ltmp1, $2  }
0x1c: {  	_ =	sdelay $0x2  }
0x1d: {  	s12 =	sshra.s32 s11, $0x2;
	s11 =	sadd.s32 $0x40, s11;
	[tilespmem:v2+s8+$0x0] =	vst.idx.add.f32.msk vm1, v1  }
0x1e: {  	v2 =	vld [tilespmem:s12+$0x0];
	s10 =	sadd.s32 $0x10, s10  }
0x1f: {  	vm1 =	vmmov vm0;
	p0 =	slt.u32 s10, $0x27100  }
0x20: {  	vm1 =	vmneg @p0 vm1;
	_ =	sdelay $0x3  }
0x21: {  	s9 =	sadd.s32 $0x1, s9  }
0x22: {  	p0 =	sne.s32 s9, s6  }
.Ltmp2:
0x23: {  	[tilespmem:v2+s8+$0x0] =	vst.idx.add.f32.msk vm1, v1;
	(pc) =	sbr.rel @p0 .LBB2_1-.Ltmp2, $4  }
0x24: {  	[hbm4b:s5+s3] =	stream.linear.scatter [tilespmem:s8], [sflag:$0x1], $0x2800, $0x38;
	[tilespmem:$0x5000] =	vst v63  }
0x25: {  	_ =	swait.ge [sflag:s7], $0x2800  }
0x26: {  	[sflag:s7] =	ssyncset.done $0x0  }
0x27: {  	[sflag:s7] =	ssyncadd.s32 $0xFFFFD800  }
0x28: {  	_ =	sfence.sel $0x180000  }
0x29: {  	[bflag:$0x0] =	sbarrier.arrive $0xFFFF  }
0x2a: {  	p0 =	sne.s32 s1, $0x0;
	_ =	strace $0x90000047  }
0x2b: {  	s0 =	sadd.s32 @!p0 $0x100000, s0;
	[bflag:$0x2] =	sbarrier.arrive $0xFFFF  }
0x2c: {  	[sflag:s0] =	ssyncadd.tile.s32 @!p0 $0x1;
	_ =	shalt  }
.Lfunc_end2:
_tile_overlayer_lowered:
.L_overlay_start_2:
0x2d: {  	(tag) =	ssettag $0x2  }
0x2e: {  	s0 =	rddreg [dreg:$0x0];
	s2 =	stileid.u32  }
0x2f: {  	s1 =	rddreg [dreg:$0x1];
	p0 =	sne.s32 s2, $0x0  }
0x30: {  	s3 =	rddreg [dreg:$0x2];
	[bflag:$0x3] =	sbarrier.arrive $0xFFFF;
	s2 =	simm.s32 @!p0 $0x1C01  }
0x31: {  	[timem:s3], [sflag:s2] =	dma.local @!p0 [hbm:s0], s1  }
0x32: {  	s0 =	simm.s32 @!p0 $0x1  }
0x33: {  	_ =	swait.ge @!p0 [sflag:s0], s1  }
0x34: {  	s1 =	ssub.s32 @!p0 $0x0, s1;
	[sflag:s0] =	ssyncset.done @!p0 $0x0  }
0x35: {  	[sflag:s0] =	ssyncadd.s32 @!p0 s1  }
0x36: {  	[bflag:$0x3] =	sbarrier.arrive $0xFFFF  }
0x37: {  	_ =	shalt  }

</sc_bundles>
